<compile_context>
chip_gen: v7x
topology: tpu7x:2x2x1
jax: 0.10.2.dev20260603
libtpu: 0.0.44.dev20260713+nightly
codegen_flags: <defaults>
</compile_context>

<pallas_src>
import functools

import jax
import jax.numpy as jnp
from jax import lax
from jax.experimental import pallas as pl
from jax.experimental.pallas import tpu as pltpu
from jax.experimental.pallas import tpu_sc as plsc

_NC = 2
_NS = 16
_NW = _NC * _NS
_L = 16
_RC = 16
_NBUF = 4


def _sc_body(Tpe, B, D, x_hbm, pe_hbm, out_hbm,
             pe_a, pe_b, xb0, xb1, xb2, xb3,
             pes_a, pes_b, ld0, ld1, ld2, ld3, st0, st1, st2, st3):
    xb = (xb0, xb1, xb2, xb3)
    pe_buf = (pe_a, pe_b)
    pe_sem = (pes_a, pes_b)
    ld = (ld0, ld1, ld2, ld3)
    st = (st0, st1, st2, st3)

    w = lax.axis_index("s") * _NC + lax.axis_index("c")
    tpw = Tpe // _NW
    t0 = w * tpw
    nk = tpw // _RC
    nchunk = nk * B

    def xrows(g):
        return (g % B) * Tpe + t0 + (g // B) * _RC

    def start_ld(g, p):
        pltpu.async_copy(x_hbm.at[pl.ds(xrows(g), _RC)], xb[p], ld[p])

    def wait_ld(g, p):
        pltpu.make_async_copy(x_hbm.at[pl.ds(xrows(g), _RC)], xb[p], ld[p]).wait()

    def start_st(g, p):
        pltpu.async_copy(xb[p], out_hbm.at[pl.ds(xrows(g), _RC)], st[p])

    def wait_st(g, p):
        pltpu.make_async_copy(xb[p], out_hbm.at[pl.ds(xrows(g), _RC)], st[p]).wait()

    def start_ld_pe(k, q):
        kc = lax.min(k, nk - 1)
        pltpu.async_copy(pe_hbm.at[pl.ds(t0 + kc * _RC, _RC)], pe_buf[q], pe_sem[q])

    def wait_pe(k, q):
        kc = lax.min(k, nk - 1)
        pltpu.make_async_copy(
            pe_hbm.at[pl.ds(t0 + kc * _RC, _RC)], pe_buf[q], pe_sem[q]
        ).wait()

    def compute(p, q):
        nv = D // _L
        buf = xb[p]
        pe_v = pe_buf[q]

        @plsc.parallel_loop(0, _RC * nv, unroll=16)
        def _(i):
            r = i // nv
            ci = i % nv
            plsc.addupdate(
                buf.at[r, pl.ds(ci * _L, _L)],
                pe_v[r, pl.ds(ci * _L, _L)],
            )

    def xstep(g, p, q):
        wait_ld(g, p)

        @pl.when(g >= 2)
        def _():
            wait_st(g - 2, (p + 2) % _NBUF)

        @pl.when(g + 2 < nchunk)
        def _():
            start_ld(g + 2, (p + 2) % _NBUF)

        compute(p, q)
        start_st(g, p)

    start_ld_pe(0, 0)
    start_ld(0, 0)
    start_ld(1, 1)

    def body(j, carry):
        k0 = 2 * j
        g0 = 8 * j
        start_ld_pe(k0 + 1, 1)
        wait_pe(k0, 0)
        for i in range(4):
            xstep(g0 + i, i, 0)
        start_ld_pe(k0 + 2, 0)
        wait_pe(k0 + 1, 1)
        for i in range(4, 8):
            xstep(g0 + i, i % _NBUF, 1)
        return carry

    lax.fori_loop(0, nk // 2, body, 0)

    wait_st(nchunk - 2, (nchunk - 2) % _NBUF)
    wait_st(nchunk - 1, (nchunk - 1) % _NBUF)
    wait_pe(nk - 1, 0)


def kernel(x, pe, T):
    del T
    B, S, D = x.shape
    Tpe = pe.shape[0]

    mesh = plsc.VectorSubcoreMesh(core_axis_name="c", subcore_axis_name="s")
    sc_add = functools.partial(
        pl.kernel,
        out_type=jax.ShapeDtypeStruct((B * S, D), jnp.float32),
        mesh=mesh,
        scratch_types=(
            [pltpu.VMEM((_RC, D), jnp.float32) for _ in range(2 + _NBUF)]
            + [pltpu.SemaphoreType.DMA for _ in range(2 + 2 * _NBUF)]
        ),
    )(functools.partial(_sc_body, Tpe, B, D))

    out2d = sc_add(x.reshape(B * S, D), pe)
    return out2d.reshape(B, S, D)

# --- scband reference (transcript-rebuilt; emitter-appended) ---
"""Pipeline reference for scband-positional-encoding1-d-54245436948560 (READ-ONLY COPY).

The authoritative reference and input builder live on the scoring server;
editing this copy changes nothing except your own understanding.
"""

import jax, jax.numpy as jnp
import numpy as np


def setup_inputs(seed: int = 0) -> dict:
    key = jax.random.key(seed)
    k1, k2 = jax.random.split(key)
    B, T, d_model, max_len = 4, 8192, 1024, 8192
    x = jax.random.normal(k1, (B, T, d_model), dtype=jnp.float32)
    # learned positional embedding table, trunc-normal std=0.02 (approx with normal clipped)
    pe = jnp.clip(jax.random.normal(k2, (max_len, d_model), dtype=jnp.float32) * 0.02, -0.04, 0.04)
    return {"x": x, "pe": pe, "T": T}


def reference(x, pe, T):
    # positions gather from learnable table, broadcast-add over batch
    positions = jnp.arange(x.shape[1]) % T
    pe_1d = jnp.take(pe, positions, axis=0)          # [T, d_model]
    pe_1d = jnp.broadcast_to(pe_1d[None, :, :], x.shape)  # [B, T, d_model]
    return x + pe_1d

if __name__ == "__main__":
    import jax
    _d = setup_inputs()
    print(jax.jit(kernel)(*tuple(_d.values())))

</pallas_src>

<mosaic_0001>
#map = affine_map<(d0, d1) -> (0, 0)>
module attributes {stable_mosaic.version = 14 : i64} {
  func.func @_sc_body(%arg0: i32, %arg1: i32, %arg2: memref<32768x1024xf32, #tpu.memory_space<hbm>>, %arg3: memref<8192x1024xf32, #tpu.memory_space<hbm>>, %arg4: memref<32768x1024xf32, #tpu.memory_space<hbm>>, %arg5: memref<16x1024xf32, #tpu.memory_space<vmem>>, %arg6: memref<16x1024xf32, #tpu.memory_space<vmem>>, %arg7: memref<16x1024xf32, #tpu.memory_space<vmem>>, %arg8: memref<16x1024xf32, #tpu.memory_space<vmem>>, %arg9: memref<16x1024xf32, #tpu.memory_space<vmem>>, %arg10: memref<16x1024xf32, #tpu.memory_space<vmem>>, %arg11: memref<!tpu.dma_semaphore, #tpu.memory_space<semaphore_mem>>, %arg12: memref<!tpu.dma_semaphore, #tpu.memory_space<semaphore_mem>>, %arg13: memref<!tpu.dma_semaphore, #tpu.memory_space<semaphore_mem>>, %arg14: memref<!tpu.dma_semaphore, #tpu.memory_space<semaphore_mem>>, %arg15: memref<!tpu.dma_semaphore, #tpu.memory_space<semaphore_mem>>, %arg16: memref<!tpu.dma_semaphore, #tpu.memory_space<semaphore_mem>>, %arg17: memref<!tpu.dma_semaphore, #tpu.memory_space<semaphore_mem>>, %arg18: memref<!tpu.dma_semaphore, #tpu.memory_space<semaphore_mem>>, %arg19: memref<!tpu.dma_semaphore, #tpu.memory_space<semaphore_mem>>, %arg20: memref<!tpu.dma_semaphore, #tpu.memory_space<semaphore_mem>>) attributes {dimension_semantics = [#tpu.dimension_semantics<core_parallel>, #tpu.dimension_semantics<subcore_parallel>], iteration_bounds = array<i64: 2, 16>, scalar_prefetch = 0 : i64, scratch_operands = 16 : i64, tpu.core_type = #tpu.core_type<sc_vector_subcore>, window_params = [{transform_indices = #map}, {transform_indices = #map}, {transform_indices = #map}]} {
    %mul3A = arith.constant 2 : i32
    %mul3A_0 = arith.muli %arg1, %mul3A : i32
    %add3A = arith.addi %mul3A_0, %arg0 : i32
    %mul3A_1 = arith.constant 256 : i32
    %mul3A_2 = arith.muli %add3A, %mul3A_1 : i32
    %min3A = arith.constant 0 : i32
    %min3A_3 = arith.constant 15 : i32
    %min3A_4 = arith.minsi %min3A, %min3A_3 : i32
    %mul3A_5 = arith.constant 16 : i32
    %mul3A_6 = arith.muli %min3A_4, %mul3A_5 : i32
    %add3A_7 = arith.addi %mul3A_2, %mul3A_6 : i32
    %dma_start3A = arith.constant 0 : i32
    %dma_start3A_8 = tpu.memref_slice %arg3[%add3A_7, %dma_start3A] : memref<8192x1024xf32, #tpu.memory_space<hbm>> -> memref<16x1024xf32, #tpu.memory_space<hbm>>
    %dma_start3A_9 = arith.constant 0 : i32
    %dma_start3A_10 = tpu.memref_slice %arg3[%add3A_7, %dma_start3A_9] : memref<8192x1024xf32, #tpu.memory_space<hbm>> -> memref<16x1024xf32, #tpu.memory_space<hbm>>
    tpu.enqueue_dma source(%dma_start3A_10 : memref<16x1024xf32, #tpu.memory_space<hbm>>) target(%arg5 : memref<16x1024xf32, #tpu.memory_space<vmem>>) target_semaphore(%arg11 : memref<!tpu.dma_semaphore, #tpu.memory_space<semaphore_mem>>)
    %add3A_11 = arith.constant 0 : i32
    %add3A_12 = arith.addi %add3A_11, %mul3A_2 : i32
    %add3A_13 = arith.constant 0 : i32
    %add3A_14 = arith.addi %add3A_12, %add3A_13 : i32
    %dma_start3A_15 = arith.constant 0 : i32
    %dma_start3A_16 = tpu.memref_slice %arg2[%add3A_14, %dma_start3A_15] : memref<32768x1024xf32, #tpu.memory_space<hbm>> -> memref<16x1024xf32, #tpu.memory_space<hbm>>
    %dma_start3A_17 = arith.constant 0 : i32
    %dma_start3A_18 = tpu.memref_slice %arg2[%add3A_14, %dma_start3A_17] : memref<32768x1024xf32, #tpu.memory_space<hbm>> -> memref<16x1024xf32, #tpu.memory_space<hbm>>
    tpu.enqueue_dma source(%dma_start3A_18 : memref<16x1024xf32, #tpu.memory_space<hbm>>) target(%arg7 : memref<16x1024xf32, #tpu.memory_space<vmem>>) target_semaphore(%arg13 : memref<!tpu.dma_semaphore, #tpu.memory_space<semaphore_mem>>)
    %add3A_19 = arith.constant 8192 : i32
    %add3A_20 = arith.addi %add3A_19, %mul3A_2 : i32
    %add3A_21 = arith.constant 0 : i32
    %add3A_22 = arith.addi %add3A_20, %add3A_21 : i32
    %dma_start3A_23 = arith.constant 0 : i32
    %dma_start3A_24 = tpu.memref_slice %arg2[%add3A_22, %dma_start3A_23] : memref<32768x1024xf32, #tpu.memory_space<hbm>> -> memref<16x1024xf32, #tpu.memory_space<hbm>>
    %dma_start3A_25 = arith.constant 0 : i32
    %dma_start3A_26 = tpu.memref_slice %arg2[%add3A_22, %dma_start3A_25] : memref<32768x1024xf32, #tpu.memory_space<hbm>> -> memref<16x1024xf32, #tpu.memory_space<hbm>>
    tpu.enqueue_dma source(%dma_start3A_26 : memref<16x1024xf32, #tpu.memory_space<hbm>>) target(%arg8 : memref<16x1024xf32, #tpu.memory_space<vmem>>) target_semaphore(%arg14 : memref<!tpu.dma_semaphore, #tpu.memory_space<semaphore_mem>>)
    %scan3A = arith.constant 0 : i32
    %scan3A_27 = arith.constant 0 : i32
    %scan3A_28 = arith.constant 8 : i32
    %scan3A_29 = arith.addi %scan3A_27, %scan3A_28 : i32
    %scan3A_30 = arith.constant 1 : i32
    scf.for %scan3A_57 = %scan3A_27 to %scan3A_29 step %scan3A_30  : i32 {
      %mul3A_58 = arith.constant 2 : i32
      %mul3A_59 = arith.muli %mul3A_58, %scan3A_57 : i32
      %mul3A_60 = arith.constant 8 : i32
      %mul3A_61 = arith.muli %mul3A_60, %scan3A_57 : i32
      %add3A_62 = arith.constant 1 : i32
      %add3A_63 = arith.addi %mul3A_59, %add3A_62 : i32
      %min3A_64 = arith.constant 15 : i32
      %min3A_65 = arith.minsi %add3A_63, %min3A_64 : i32
      %mul3A_66 = arith.constant 16 : i32
      %mul3A_67 = arith.muli %min3A_65, %mul3A_66 : i32
      %add3A_68 = arith.addi %mul3A_2, %mul3A_67 : i32
      %dma_start3A_69 = arith.constant 0 : i32
      %dma_start3A_70 = tpu.memref_slice %arg3[%add3A_68, %dma_start3A_69] : memref<8192x1024xf32, #tpu.memory_space<hbm>> -> memref<16x1024xf32, #tpu.memory_space<hbm>>
      %dma_start3A_71 = arith.constant 0 : i32
      %dma_start3A_72 = tpu.memref_slice %arg3[%add3A_68, %dma_start3A_71] : memref<8192x1024xf32, #tpu.memory_space<hbm>> -> memref<16x1024xf32, #tpu.memory_space<hbm>>
      tpu.enqueue_dma source(%dma_start3A_72 : memref<16x1024xf32, #tpu.memory_space<hbm>>) target(%arg6 : memref<16x1024xf32, #tpu.memory_space<vmem>>) target_semaphore(%arg12 : memref<!tpu.dma_semaphore, #tpu.memory_space<semaphore_mem>>)
      %min3A_73 = arith.constant 15 : i32
      %min3A_74 = arith.minsi %mul3A_59, %min3A_73 : i32
      %mul3A_75 = arith.constant 16 : i32
      %mul3A_76 = arith.muli %min3A_74, %mul3A_75 : i32
      %add3A_77 = arith.addi %mul3A_2, %mul3A_76 : i32
      %dma_wait3A_78 = arith.constant 0 : i32
      %dma_wait3A_79 = tpu.memref_slice %arg3[%add3A_77, %dma_wait3A_78] : memref<8192x1024xf32, #tpu.memory_space<hbm>> -> memref<16x1024xf32, #tpu.memory_space<hbm>>
      %dma_wait3A_80 = arith.constant 0 : i32
      %dma_wait3A_81 = tpu.memref_slice %arg3[%add3A_77, %dma_wait3A_80] : memref<8192x1024xf32, #tpu.memory_space<hbm>> -> memref<16x1024xf32, #tpu.memory_space<hbm>>
      tpu.wait_dma2 semaphore(%arg11 : memref<!tpu.dma_semaphore, #tpu.memory_space<semaphore_mem>>) src(%dma_wait3A_81 : memref<16x1024xf32, #tpu.memory_space<hbm>>) dst(%arg5 : memref<16x1024xf32, #tpu.memory_space<vmem>>)
      %add3A_82 = arith.constant 0 : i32
      %add3A_83 = arith.addi %mul3A_61, %add3A_82 : i32
      %jit3A = arith.constant 4 : i32
      %eq3A = arith.constant 0 : i32
      %eq3A_84 = arith.cmpi eq, %jit3A, %eq3A : i32
      %jit3A_85 = arith.constant 1 : i32
      %select_n3A = arith.select %eq3A_84, %jit3A_85, %jit3A : i32
      %rem3A = arith.remsi %add3A_83, %select_n3A : i32
      %ne3A = arith.constant 0 : i32
      %ne3A_86 = arith.cmpi ne, %rem3A, %ne3A : i32
      %lt3A = arith.constant 0 : i32
      %lt3A_87 = arith.cmpi slt, %rem3A, %lt3A : i32
      %lt3A_88 = arith.constant 0 : i32
      %lt3A_89 = arith.cmpi slt, %select_n3A, %lt3A_88 : i32
      %ne3A_90 = arith.xori %lt3A_87, %lt3A_89 : i1
      %and3A = arith.andi %ne3A_90, %ne3A_86 : i1
      %add3A_91 = arith.addi %rem3A, %select_n3A : i32
      %select_n3A_92 = arith.select %and3A, %add3A_91, %rem3A : i32
      %mul3A_93 = arith.constant 8192 : i32
      %mul3A_94 = arith.muli %select_n3A_92, %mul3A_93 : i32
      %add3A_95 = arith.addi %mul3A_94, %mul3A_2 : i32
      %jit3A_96 = arith.constant 4 : i32
      %div3A = arith.divsi %add3A_83, %jit3A_96 : i32
      %sign3A = arith.constant 0 : i32
      %sign3A_97 = arith.cmpi sgt, %add3A_83, %sign3A : i32
      %sign3A_98 = arith.extui %sign3A_97 : i1 to i32
      %sign3A_99 = arith.constant 0 : i32
      %sign3A_100 = arith.cmpi slt, %add3A_83, %sign3A_99 : i32
      %sign3A_101 = arith.extui %sign3A_100 : i1 to i32
      %sign3A_102 = arith.subi %sign3A_98, %sign3A_101 : i32
      %sign3A_103 = arith.constant 0 : i32
      %sign3A_104 = arith.cmpi sgt, %jit3A_96, %sign3A_103 : i32
      %sign3A_105 = arith.extui %sign3A_104 : i1 to i32
      %sign3A_106 = arith.constant 0 : i32
      %sign3A_107 = arith.cmpi slt, %jit3A_96, %sign3A_106 : i32
      %sign3A_108 = arith.extui %sign3A_107 : i1 to i32
      %sign3A_109 = arith.subi %sign3A_105, %sign3A_108 : i32
      %ne3A_110 = arith.cmpi ne, %sign3A_102, %sign3A_109 : i32
      %rem3A_111 = arith.remsi %add3A_83, %jit3A_96 : i32
      %ne3A_112 = arith.constant 0 : i32
      %ne3A_113 = arith.cmpi ne, %rem3A_111, %ne3A_112 : i32
      %and3A_114 = arith.andi %ne3A_110, %ne3A_113 : i1
      %sub3A = arith.constant 1 : i32
      %sub3A_115 = arith.subi %div3A, %sub3A : i32
      %select_n3A_116 = arith.select %and3A_114, %sub3A_115, %div3A : i32
      %mul3A_117 = arith.constant 16 : i32
      %mul3A_118 = arith.muli %select_n3A_116, %mul3A_117 : i32
      %add3A_119 = arith.addi %add3A_95, %mul3A_118 : i32
      %dma_wait3A_120 = arith.constant 0 : i32
      %dma_wait3A_121 = tpu.memref_slice %arg2[%add3A_119, %dma_wait3A_120] : memref<32768x1024xf32, #tpu.memory_space<hbm>> -> memref<16x1024xf32, #tpu.memory_space<hbm>>
      %dma_wait3A_122 = arith.constant 0 : i32
      %dma_wait3A_123 = tpu.memref_slice %arg2[%add3A_119, %dma_wait3A_122] : memref<32768x1024xf32, #tpu.memory_space<hbm>> -> memref<16x1024xf32, #tpu.memory_space<hbm>>
      tpu.wait_dma2 semaphore(%arg13 : memref<!tpu.dma_semaphore, #tpu.memory_space<semaphore_mem>>) src(%dma_wait3A_123 : memref<16x1024xf32, #tpu.memory_space<hbm>>) dst(%arg7 : memref<16x1024xf32, #tpu.memory_space<vmem>>)
      %ge3A = arith.constant 2 : i32
      %ge3A_124 = arith.cmpi sge, %add3A_83, %ge3A : i32
      %convert_element_type3A = arith.extui %ge3A_124 : i1 to i32
      %cond3A = arith.constant 0 : i32
      %cond3A_125 = arith.cmpi ne, %convert_element_type3A, %cond3A : i32
      scf.if %cond3A_125 {
        %sub3A_1026 = arith.constant 2 : i32
        %sub3A_1027 = arith.subi %add3A_83, %sub3A_1026 : i32
        %jit3A_1028 = arith.constant 4 : i32
        %eq3A_1029 = arith.constant 0 : i32
        %eq3A_1030 = arith.cmpi eq, %jit3A_1028, %eq3A_1029 : i32
        %jit3A_1031 = arith.constant 1 : i32
        %select_n3A_1032 = arith.select %eq3A_1030, %jit3A_1031, %jit3A_1028 : i32
        %rem3A_1033 = arith.remsi %sub3A_1027, %select_n3A_1032 : i32
        %ne3A_1034 = arith.constant 0 : i32
        %ne3A_1035 = arith.cmpi ne, %rem3A_1033, %ne3A_1034 : i32
        %lt3A_1036 = arith.constant 0 : i32
        %lt3A_1037 = arith.cmpi slt, %rem3A_1033, %lt3A_1036 : i32
        %lt3A_1038 = arith.constant 0 : i32
        %lt3A_1039 = arith.cmpi slt, %select_n3A_1032, %lt3A_1038 : i32
        %ne3A_1040 = arith.xori %lt3A_1037, %lt3A_1039 : i1
        %and3A_1041 = arith.andi %ne3A_1040, %ne3A_1035 : i1
        %add3A_1042 = arith.addi %rem3A_1033, %select_n3A_1032 : i32
        %select_n3A_1043 = arith.select %and3A_1041, %add3A_1042, %rem3A_1033 : i32
        %mul3A_1044 = arith.constant 8192 : i32
        %mul3A_1045 = arith.muli %select_n3A_1043, %mul3A_1044 : i32
        %add3A_1046 = arith.addi %mul3A_1045, %mul3A_2 : i32
        %jit3A_1047 = arith.constant 4 : i32
        %div3A_1048 = arith.divsi %sub3A_1027, %jit3A_1047 : i32
        %sign3A_1049 = arith.constant 0 : i32
        %sign3A_1050 = arith.cmpi sgt, %sub3A_1027, %sign3A_1049 : i32
        %sign3A_1051 = arith.extui %sign3A_1050 : i1 to i32
        %sign3A_1052 = arith.constant 0 : i32
        %sign3A_1053 = arith.cmpi slt, %sub3A_1027, %sign3A_1052 : i32
        %sign3A_1054 = arith.extui %sign3A_1053 : i1 to i32
        %sign3A_1055 = arith.subi %sign3A_1051, %sign3A_1054 : i32
        %sign3A_1056 = arith.constant 0 : i32
        %sign3A_1057 = arith.cmpi sgt, %jit3A_1047, %sign3A_1056 : i32
        %sign3A_1058 = arith.extui %sign3A_1057 : i1 to i32
        %sign3A_1059 = arith.constant 0 : i32
        %sign3A_1060 = arith.cmpi slt, %jit3A_1047, %sign3A_1059 : i32
        %sign3A_1061 = arith.extui %sign3A_1060 : i1 to i32
        %sign3A_1062 = arith.subi %sign3A_1058, %sign3A_1061 : i32
        %ne3A_1063 = arith.cmpi ne, %sign3A_1055, %sign3A_1062 : i32
        %rem3A_1064 = arith.remsi %sub3A_1027, %jit3A_1047 : i32
        %ne3A_1065 = arith.constant 0 : i32
        %ne3A_1066 = arith.cmpi ne, %rem3A_1064, %ne3A_1065 : i32
        %and3A_1067 = arith.andi %ne3A_1063, %ne3A_1066 : i1
        %sub3A_1068 = arith.constant 1 : i32
        %sub3A_1069 = arith.subi %div3A_1048, %sub3A_1068 : i32
        %select_n3A_1070 = arith.select %and3A_1067, %sub3A_1069, %div3A_1048 : i32
        %mul3A_1071 = arith.constant 16 : i32
        %mul3A_1072 = arith.muli %select_n3A_1070, %mul3A_1071 : i32
        %add3A_1073 = arith.addi %add3A_1046, %mul3A_1072 : i32
        %dma_wait3A_1074 = arith.constant 0 : i32
        %dma_wait3A_1075 = tpu.memref_slice %arg4[%add3A_1073, %dma_wait3A_1074] : memref<32768x1024xf32, #tpu.memory_space<hbm>> -> memref<16x1024xf32, #tpu.memory_space<hbm>>
        %dma_wait3A_1076 = arith.constant 0 : i32
        %dma_wait3A_1077 = tpu.memref_slice %arg4[%add3A_1073, %dma_wait3A_1076] : memref<32768x1024xf32, #tpu.memory_space<hbm>> -> memref<16x1024xf32, #tpu.memory_space<hbm>>
        tpu.wait_dma2 semaphore(%arg19 : memref<!tpu.dma_semaphore, #tpu.memory_space<semaphore_mem>>) src(%arg9 : memref<16x1024xf32, #tpu.memory_space<vmem>>) dst(%dma_wait3A_1077 : memref<16x1024xf32, #tpu.memory_space<hbm>>)
      } else {
      }
      %add3A_126 = arith.constant 2 : i32
      %add3A_127 = arith.addi %add3A_83, %add3A_126 : i32
      %lt3A_128 = arith.constant 64 : i32
      %lt3A_129 = arith.cmpi slt, %add3A_127, %lt3A_128 : i32
      %convert_element_type3A_130 = arith.extui %lt3A_129 : i1 to i32
      %cond3A_131 = arith.constant 0 : i32
      %cond3A_132 = arith.cmpi ne, %convert_element_type3A_130, %cond3A_131 : i32
      scf.if %cond3A_132 {
        %add3A_1026 = arith.constant 2 : i32
        %add3A_1027 = arith.addi %add3A_83, %add3A_1026 : i32
        %jit3A_1028 = arith.constant 4 : i32
        %eq3A_1029 = arith.constant 0 : i32
        %eq3A_1030 = arith.cmpi eq, %jit3A_1028, %eq3A_1029 : i32
        %jit3A_1031 = arith.constant 1 : i32
        %select_n3A_1032 = arith.select %eq3A_1030, %jit3A_1031, %jit3A_1028 : i32
        %rem3A_1033 = arith.remsi %add3A_1027, %select_n3A_1032 : i32
        %ne3A_1034 = arith.constant 0 : i32
        %ne3A_1035 = arith.cmpi ne, %rem3A_1033, %ne3A_1034 : i32
        %lt3A_1036 = arith.constant 0 : i32
        %lt3A_1037 = arith.cmpi slt, %rem3A_1033, %lt3A_1036 : i32
        %lt3A_1038 = arith.constant 0 : i32
        %lt3A_1039 = arith.cmpi slt, %select_n3A_1032, %lt3A_1038 : i32
        %ne3A_1040 = arith.xori %lt3A_1037, %lt3A_1039 : i1
        %and3A_1041 = arith.andi %ne3A_1040, %ne3A_1035 : i1
        %add3A_1042 = arith.addi %rem3A_1033, %select_n3A_1032 : i32
        %select_n3A_1043 = arith.select %and3A_1041, %add3A_1042, %rem3A_1033 : i32
        %mul3A_1044 = arith.constant 8192 : i32
        %mul3A_1045 = arith.muli %select_n3A_1043, %mul3A_1044 : i32
        %add3A_1046 = arith.addi %mul3A_1045, %mul3A_2 : i32
        %jit3A_1047 = arith.constant 4 : i32
        %div3A_1048 = arith.divsi %add3A_1027, %jit3A_1047 : i32
        %sign3A_1049 = arith.constant 0 : i32
        %sign3A_1050 = arith.cmpi sgt, %add3A_1027, %sign3A_1049 : i32
        %sign3A_1051 = arith.extui %sign3A_1050 : i1 to i32
        %sign3A_1052 = arith.constant 0 : i32
        %sign3A_1053 = arith.cmpi slt, %add3A_1027, %sign3A_1052 : i32
        %sign3A_1054 = arith.extui %sign3A_1053 : i1 to i32
        %sign3A_1055 = arith.subi %sign3A_1051, %sign3A_1054 : i32
        %sign3A_1056 = arith.constant 0 : i32
        %sign3A_1057 = arith.cmpi sgt, %jit3A_1047, %sign3A_1056 : i32
        %sign3A_1058 = arith.extui %sign3A_1057 : i1 to i32
        %sign3A_1059 = arith.constant 0 : i32
        %sign3A_1060 = arith.cmpi slt, %jit3A_1047, %sign3A_1059 : i32
        %sign3A_1061 = arith.extui %sign3A_1060 : i1 to i32
        %sign3A_1062 = arith.subi %sign3A_1058, %sign3A_1061 : i32
        %ne3A_1063 = arith.cmpi ne, %sign3A_1055, %sign3A_1062 : i32
        %rem3A_1064 = arith.remsi %add3A_1027, %jit3A_1047 : i32
        %ne3A_1065 = arith.constant 0 : i32
        %ne3A_1066 = arith.cmpi ne, %rem3A_1064, %ne3A_1065 : i32
        %and3A_1067 = arith.andi %ne3A_1063, %ne3A_1066 : i1
        %sub3A_1068 = arith.constant 1 : i32
        %sub3A_1069 = arith.subi %div3A_1048, %sub3A_1068 : i32
        %select_n3A_1070 = arith.select %and3A_1067, %sub3A_1069, %div3A_1048 : i32
        %mul3A_1071 = arith.constant 16 : i32
        %mul3A_1072 = arith.muli %select_n3A_1070, %mul3A_1071 : i32
        %add3A_1073 = arith.addi %add3A_1046, %mul3A_1072 : i32
        %dma_start3A_1074 = arith.constant 0 : i32
        %dma_start3A_1075 = tpu.memref_slice %arg2[%add3A_1073, %dma_start3A_1074] : memref<32768x1024xf32, #tpu.memory_space<hbm>> -> memref<16x1024xf32, #tpu.memory_space<hbm>>
        %dma_start3A_1076 = arith.constant 0 : i32
        %dma_start3A_1077 = tpu.memref_slice %arg2[%add3A_1073, %dma_start3A_1076] : memref<32768x1024xf32, #tpu.memory_space<hbm>> -> memref<16x1024xf32, #tpu.memory_space<hbm>>
        tpu.enqueue_dma source(%dma_start3A_1077 : memref<16x1024xf32, #tpu.memory_space<hbm>>) target(%arg9 : memref<16x1024xf32, #tpu.memory_space<vmem>>) target_semaphore(%arg15 : memref<!tpu.dma_semaphore, #tpu.memory_space<semaphore_mem>>)
      } else {
      }
      %parallel_loop3A = arith.constant 0 : i32
      %parallel_loop3A_133 = arith.constant 1024 : i32
      %parallel_loop3A_134 = arith.constant 1 : i32
      scf.for %parallel_loop3A_1026 = %parallel_loop3A to %parallel_loop3A_133 step %parallel_loop3A_134  : i32 {
        %parallel_loop3A_1027 = arith.constant 64 : i32
        %parallel_loop3A_1028 = arith.divsi %parallel_loop3A_1026, %parallel_loop3A_1027 : i32
        %parallel_loop3A_1029 = arith.constant 0 : i32
        %parallel_loop3A_1030 = arith.cmpi sgt, %parallel_loop3A_1026, %parallel_loop3A_1029 : i32
        %parallel_loop3A_1031 = arith.extui %parallel_loop3A_1030 : i1 to i32
        %parallel_loop3A_1032 = arith.constant 0 : i32
        %parallel_loop3A_1033 = arith.cmpi slt, %parallel_loop3A_1026, %parallel_loop3A_1032 : i32
        %parallel_loop3A_1034 = arith.extui %parallel_loop3A_1033 : i1 to i32
        %parallel_loop3A_1035 = arith.subi %parallel_loop3A_1031, %parallel_loop3A_1034 : i32
        %parallel_loop3A_1036 = arith.constant 0 : i32
        %parallel_loop3A_1037 = arith.cmpi sgt, %parallel_loop3A_1027, %parallel_loop3A_1036 : i32
        %parallel_loop3A_1038 = arith.extui %parallel_loop3A_1037 : i1 to i32
        %parallel_loop3A_1039 = arith.constant 0 : i32
        %parallel_loop3A_1040 = arith.cmpi slt, %parallel_loop3A_1027, %parallel_loop3A_1039 : i32
        %parallel_loop3A_1041 = arith.extui %parallel_loop3A_1040 : i1 to i32
        %parallel_loop3A_1042 = arith.subi %parallel_loop3A_1038, %parallel_loop3A_1041 : i32
        %parallel_loop3A_1043 = arith.cmpi ne, %parallel_loop3A_1035, %parallel_loop3A_1042 : i32
        %parallel_loop3A_1044 = arith.remsi %parallel_loop3A_1026, %parallel_loop3A_1027 : i32
        %parallel_loop3A_1045 = arith.constant 0 : i32
        %parallel_loop3A_1046 = arith.cmpi ne, %parallel_loop3A_1044, %parallel_loop3A_1045 : i32
        %parallel_loop3A_1047 = arith.andi %parallel_loop3A_1043, %parallel_loop3A_1046 : i1
        %parallel_loop3A_1048 = arith.constant 1 : i32
        %parallel_loop3A_1049 = arith.subi %parallel_loop3A_1028, %parallel_loop3A_1048 : i32
        %parallel_loop3A_1050 = arith.select %parallel_loop3A_1047, %parallel_loop3A_1049, %parallel_loop3A_1028 : i32
        %parallel_loop3A_1051 = arith.constant 64 : i32
        %parallel_loop3A_1052 = arith.constant 0 : i32
        %parallel_loop3A_1053 = arith.cmpi eq, %parallel_loop3A_1051, %parallel_loop3A_1052 : i32
        %parallel_loop3A_1054 = arith.constant 1 : i32
        %parallel_loop3A_1055 = arith.select %parallel_loop3A_1053, %parallel_loop3A_1054, %parallel_loop3A_1051 : i32
        %parallel_loop3A_1056 = arith.remsi %parallel_loop3A_1026, %parallel_loop3A_1055 : i32
        %parallel_loop3A_1057 = arith.constant 0 : i32
        %parallel_loop3A_1058 = arith.cmpi ne, %parallel_loop3A_1056, %parallel_loop3A_1057 : i32
        %parallel_loop3A_1059 = arith.constant 0 : i32
        %parallel_loop3A_1060 = arith.cmpi slt, %parallel_loop3A_1056, %parallel_loop3A_1059 : i32
        %parallel_loop3A_1061 = arith.constant 0 : i32
        %parallel_loop3A_1062 = arith.cmpi slt, %parallel_loop3A_1055, %parallel_loop3A_1061 : i32
        %parallel_loop3A_1063 = arith.xori %parallel_loop3A_1060, %parallel_loop3A_1062 : i1
        %parallel_loop3A_1064 = arith.andi %parallel_loop3A_1063, %parallel_loop3A_1058 : i1
        %parallel_loop3A_1065 = arith.addi %parallel_loop3A_1056, %parallel_loop3A_1055 : i32
        %parallel_loop3A_1066 = arith.select %parallel_loop3A_1064, %parallel_loop3A_1065, %parallel_loop3A_1056 : i32
        %parallel_loop3A_1067 = arith.constant 16 : i32
        %parallel_loop3A_1068 = arith.muli %parallel_loop3A_1066, %parallel_loop3A_1067 : i32
        %parallel_loop3A_1069 = arith.constant 16 : i32
        %parallel_loop3A_1070 = arith.muli %parallel_loop3A_1066, %parallel_loop3A_1069 : i32
        %parallel_loop3A_1071 = arith.index_cast %parallel_loop3A_1050 : i32 to index
        %parallel_loop3A_1072 = arith.index_cast %parallel_loop3A_1070 : i32 to index
        %parallel_loop3A_1073 = tpu.vector_load %arg5[%parallel_loop3A_1071, %parallel_loop3A_1072] {strides = array<i32>} : memref<16x1024xf32, #tpu.memory_space<vmem>>, vector<1x16xf32>,
        %parallel_loop3A_1074 = vector.shape_cast %parallel_loop3A_1073 : vector<1x16xf32> to vector<16xf32>
        %parallel_loop3A_1075 = arith.index_cast %parallel_loop3A_1050 : i32 to index
        %parallel_loop3A_1076 = arith.index_cast %parallel_loop3A_1068 : i32 to index
        %parallel_loop3A_1077 = tpu.vector_load %arg7[%parallel_loop3A_1075, %parallel_loop3A_1076] {strides = array<i32>} : memref<16x1024xf32, #tpu.memory_space<vmem>>, vector<1x16xf32>,
        %parallel_loop3A_1078 = vector.shape_cast %parallel_loop3A_1077 : vector<1x16xf32> to vector<16xf32>
        %parallel_loop3A_1079 = vector.shape_cast %parallel_loop3A_1074 : vector<16xf32> to vector<1x16xf32>
        tpu.vector_store %arg7[%parallel_loop3A_1075, %parallel_loop3A_1076], %parallel_loop3A_1079 {add = true, strides = array<i32>} : memref<16x1024xf32, #tpu.memory_space<vmem>>, vector<1x16xf32>,
      } {sc.loop_unroll_factor = 16 : i64, sc.parallel_access}
      %jit3A_135 = arith.constant 4 : i32
      %eq3A_136 = arith.constant 0 : i32
      %eq3A_137 = arith.cmpi eq, %jit3A_135, %eq3A_136 : i32
      %jit3A_138 = arith.constant 1 : i32
      %select_n3A_139 = arith.select %eq3A_137, %jit3A_138, %jit3A_135 : i32
      %rem3A_140 = arith.remsi %add3A_83, %select_n3A_139 : i32
      %ne3A_141 = arith.constant 0 : i32
      %ne3A_142 = arith.cmpi ne, %rem3A_140, %ne3A_141 : i32
      %lt3A_143 = arith.constant 0 : i32
      %lt3A_144 = arith.cmpi slt, %rem3A_140, %lt3A_143 : i32
      %lt3A_145 = arith.constant 0 : i32
      %lt3A_146 = arith.cmpi slt, %select_n3A_139, %lt3A_145 : i32
      %ne3A_147 = arith.xori %lt3A_144, %lt3A_146 : i1
      %and3A_148 = arith.andi %ne3A_147, %ne3A_142 : i1
      %add3A_149 = arith.addi %rem3A_140, %select_n3A_139 : i32
      %select_n3A_150 = arith.select %and3A_148, %add3A_149, %rem3A_140 : i32
      %mul3A_151 = arith.constant 8192 : i32
      %mul3A_152 = arith.muli %select_n3A_150, %mul3A_151 : i32
      %add3A_153 = arith.addi %mul3A_152, %mul3A_2 : i32
      %jit3A_154 = arith.constant 4 : i32
      %div3A_155 = arith.divsi %add3A_83, %jit3A_154 : i32
      %sign3A_156 = arith.constant 0 : i32
      %sign3A_157 = arith.cmpi sgt, %add3A_83, %sign3A_156 : i32
      %sign3A_158 = arith.extui %sign3A_157 : i1 to i32
      %sign3A_159 = arith.constant 0 : i32
      %sign3A_160 = arith.cmpi slt, %add3A_83, %sign3A_159 : i32
      %sign3A_161 = arith.extui %sign3A_160 : i1 to i32
      %sign3A_162 = arith.subi %sign3A_158, %sign3A_161 : i32
      %sign3A_163 = arith.constant 0 : i32
      %sign3A_164 = arith.cmpi sgt, %jit3A_154, %sign3A_163 : i32
      %sign3A_165 = arith.extui %sign3A_164 : i1 to i32
      %sign3A_166 = arith.constant 0 : i32
      %sign3A_167 = arith.cmpi slt, %jit3A_154, %sign3A_166 : i32
      %sign3A_168 = arith.extui %sign3A_167 : i1 to i32
      %sign3A_169 = arith.subi %sign3A_165, %sign3A_168 : i32
      %ne3A_170 = arith.cmpi ne, %sign3A_162, %sign3A_169 : i32
      %rem3A_171 = arith.remsi %add3A_83, %jit3A_154 : i32
      %ne3A_172 = arith.constant 0 : i32
      %ne3A_173 = arith.cmpi ne, %rem3A_171, %ne3A_172 : i32
      %and3A_174 = arith.andi %ne3A_170, %ne3A_173 : i1
      %sub3A_175 = arith.constant 1 : i32
      %sub3A_176 = arith.subi %div3A_155, %sub3A_175 : i32
      %select_n3A_177 = arith.select %and3A_174, %sub3A_176, %div3A_155 : i32
      %mul3A_178 = arith.constant 16 : i32
      %mul3A_179 = arith.muli %select_n3A_177, %mul3A_178 : i32
      %add3A_180 = arith.addi %add3A_153, %mul3A_179 : i32
      %dma_start3A_181 = arith.constant 0 : i32
      %dma_start3A_182 = tpu.memref_slice %arg4[%add3A_180, %dma_start3A_181] : memref<32768x1024xf32, #tpu.memory_space<hbm>> -> memref<16x1024xf32, #tpu.memory_space<hbm>>
      %dma_start3A_183 = arith.constant 0 : i32
      %dma_start3A_184 = tpu.memref_slice %arg4[%add3A_180, %dma_start3A_183] : memref<32768x1024xf32, #tpu.memory_space<hbm>> -> memref<16x1024xf32, #tpu.memory_space<hbm>>
      tpu.enqueue_dma source(%arg7 : memref<16x1024xf32, #tpu.memory_space<vmem>>) target(%dma_start3A_184 : memref<16x1024xf32, #tpu.memory_space<hbm>>) target_semaphore(%arg17 : memref<!tpu.dma_semaphore, #tpu.memory_space<semaphore_mem>>)
      %add3A_185 = arith.constant 1 : i32
      %add3A_186 = arith.addi %mul3A_61, %add3A_185 : i32
      %jit3A_187 = arith.constant 4 : i32
      %eq3A_188 = arith.constant 0 : i32
      %eq3A_189 = arith.cmpi eq, %jit3A_187, %eq3A_188 : i32
      %jit3A_190 = arith.constant 1 : i32
      %select_n3A_191 = arith.select %eq3A_189, %jit3A_190, %jit3A_187 : i32
      %rem3A_192 = arith.remsi %add3A_186, %select_n3A_191 : i32
      %ne3A_193 = arith.constant 0 : i32
      %ne3A_194 = arith.cmpi ne, %rem3A_192, %ne3A_193 : i32
      %lt3A_195 = arith.constant 0 : i32
      %lt3A_196 = arith.cmpi slt, %rem3A_192, %lt3A_195 : i32
      %lt3A_197 = arith.constant 0 : i32
      %lt3A_198 = arith.cmpi slt, %select_n3A_191, %lt3A_197 : i32
      %ne3A_199 = arith.xori %lt3A_196, %lt3A_198 : i1
      %and3A_200 = arith.andi %ne3A_199, %ne3A_194 : i1
      %add3A_201 = arith.addi %rem3A_192, %select_n3A_191 : i32
      %select_n3A_202 = arith.select %and3A_200, %add3A_201, %rem3A_192 : i32
      %mul3A_203 = arith.constant 8192 : i32
      %mul3A_204 = arith.muli %select_n3A_202, %mul3A_203 : i32
      %add3A_205 = arith.addi %mul3A_204, %mul3A_2 : i32
      %jit3A_206 = arith.constant 4 : i32
      %div3A_207 = arith.divsi %add3A_186, %jit3A_206 : i32
      %sign3A_208 = arith.constant 0 : i32
      %sign3A_209 = arith.cmpi sgt, %add3A_186, %sign3A_208 : i32
      %sign3A_210 = arith.extui %sign3A_209 : i1 to i32
      %sign3A_211 = arith.constant 0 : i32
      %sign3A_212 = arith.cmpi slt, %add3A_186, %sign3A_211 : i32
      %sign3A_213 = arith.extui %sign3A_212 : i1 to i32
      %sign3A_214 = arith.subi %sign3A_210, %sign3A_213 : i32
      %sign3A_215 = arith.constant 0 : i32
      %sign3A_216 = arith.cmpi sgt, %jit3A_206, %sign3A_215 : i32
      %sign3A_217 = arith.extui %sign3A_216 : i1 to i32
      %sign3A_218 = arith.constant 0 : i32
      %sign3A_219 = arith.cmpi slt, %jit3A_206, %sign3A_218 : i32
      %sign3A_220 = arith.extui %sign3A_219 : i1 to i32
      %sign3A_221 = arith.subi %sign3A_217, %sign3A_220 : i32
      %ne3A_222 = arith.cmpi ne, %sign3A_214, %sign3A_221 : i32
      %rem3A_223 = arith.remsi %add3A_186, %jit3A_206 : i32
      %ne3A_224 = arith.constant 0 : i32
      %ne3A_225 = arith.cmpi ne, %rem3A_223, %ne3A_224 : i32
      %and3A_226 = arith.andi %ne3A_222, %ne3A_225 : i1
      %sub3A_227 = arith.constant 1 : i32
      %sub3A_228 = arith.subi %div3A_207, %sub3A_227 : i32
      %select_n3A_229 = arith.select %and3A_226, %sub3A_228, %div3A_207 : i32
      %mul3A_230 = arith.constant 16 : i32
      %mul3A_231 = arith.muli %select_n3A_229, %mul3A_230 : i32
      %add3A_232 = arith.addi %add3A_205, %mul3A_231 : i32
      %dma_wait3A_233 = arith.constant 0 : i32
      %dma_wait3A_234 = tpu.memref_slice %arg2[%add3A_232, %dma_wait3A_233] : memref<32768x1024xf32, #tpu.memory_space<hbm>> -> memref<16x1024xf32, #tpu.memory_space<hbm>>
      %dma_wait3A_235 = arith.constant 0 : i32
      %dma_wait3A_236 = tpu.memref_slice %arg2[%add3A_232, %dma_wait3A_235] : memref<32768x1024xf32, #tpu.memory_space<hbm>> -> memref<16x1024xf32, #tpu.memory_space<hbm>>
      tpu.wait_dma2 semaphore(%arg14 : memref<!tpu.dma_semaphore, #tpu.memory_space<semaphore_mem>>) src(%dma_wait3A_236 : memref<16x1024xf32, #tpu.memory_space<hbm>>) dst(%arg8 : memref<16x1024xf32, #tpu.memory_space<vmem>>)
      %ge3A_237 = arith.constant 2 : i32
      %ge3A_238 = arith.cmpi sge, %add3A_186, %ge3A_237 : i32
      %convert_element_type3A_239 = arith.extui %ge3A_238 : i1 to i32
      %cond3A_240 = arith.constant 0 : i32
      %cond3A_241 = arith.cmpi ne, %convert_element_type3A_239, %cond3A_240 : i32
      scf.if %cond3A_241 {
        %sub3A_1026 = arith.constant 2 : i32
        %sub3A_1027 = arith.subi %add3A_186, %sub3A_1026 : i32
        %jit3A_1028 = arith.constant 4 : i32
        %eq3A_1029 = arith.constant 0 : i32
        %eq3A_1030 = arith.cmpi eq, %jit3A_1028, %eq3A_1029 : i32
        %jit3A_1031 = arith.constant 1 : i32
        %select_n3A_1032 = arith.select %eq3A_1030, %jit3A_1031, %jit3A_1028 : i32
        %rem3A_1033 = arith.remsi %sub3A_1027, %select_n3A_1032 : i32
        %ne3A_1034 = arith.constant 0 : i32
        %ne3A_1035 = arith.cmpi ne, %rem3A_1033, %ne3A_1034 : i32
        %lt3A_1036 = arith.constant 0 : i32
        %lt3A_1037 = arith.cmpi slt, %rem3A_1033, %lt3A_1036 : i32
        %lt3A_1038 = arith.constant 0 : i32
        %lt3A_1039 = arith.cmpi slt, %select_n3A_1032, %lt3A_1038 : i32
        %ne3A_1040 = arith.xori %lt3A_1037, %lt3A_1039 : i1
        %and3A_1041 = arith.andi %ne3A_1040, %ne3A_1035 : i1
        %add3A_1042 = arith.addi %rem3A_1033, %select_n3A_1032 : i32
        %select_n3A_1043 = arith.select %and3A_1041, %add3A_1042, %rem3A_1033 : i32
        %mul3A_1044 = arith.constant 8192 : i32
        %mul3A_1045 = arith.muli %select_n3A_1043, %mul3A_1044 : i32
        %add3A_1046 = arith.addi %mul3A_1045, %mul3A_2 : i32
        %jit3A_1047 = arith.constant 4 : i32
        %div3A_1048 = arith.divsi %sub3A_1027, %jit3A_1047 : i32
        %sign3A_1049 = arith.constant 0 : i32
        %sign3A_1050 = arith.cmpi sgt, %sub3A_1027, %sign3A_1049 : i32
        %sign3A_1051 = arith.extui %sign3A_1050 : i1 to i32
        %sign3A_1052 = arith.constant 0 : i32
        %sign3A_1053 = arith.cmpi slt, %sub3A_1027, %sign3A_1052 : i32
        %sign3A_1054 = arith.extui %sign3A_1053 : i1 to i32
        %sign3A_1055 = arith.subi %sign3A_1051, %sign3A_1054 : i32
        %sign3A_1056 = arith.constant 0 : i32
        %sign3A_1057 = arith.cmpi sgt, %jit3A_1047, %sign3A_1056 : i32
        %sign3A_1058 = arith.extui %sign3A_1057 : i1 to i32
        %sign3A_1059 = arith.constant 0 : i32
        %sign3A_1060 = arith.cmpi slt, %jit3A_1047, %sign3A_1059 : i32
        %sign3A_1061 = arith.extui %sign3A_1060 : i1 to i32
        %sign3A_1062 = arith.subi %sign3A_1058, %sign3A_1061 : i32
        %ne3A_1063 = arith.cmpi ne, %sign3A_1055, %sign3A_1062 : i32
        %rem3A_1064 = arith.remsi %sub3A_1027, %jit3A_1047 : i32
        %ne3A_1065 = arith.constant 0 : i32
        %ne3A_1066 = arith.cmpi ne, %rem3A_1064, %ne3A_1065 : i32
        %and3A_1067 = arith.andi %ne3A_1063, %ne3A_1066 : i1
        %sub3A_1068 = arith.constant 1 : i32
        %sub3A_1069 = arith.subi %div3A_1048, %sub3A_1068 : i32
        %select_n3A_1070 = arith.select %and3A_1067, %sub3A_1069, %div3A_1048 : i32
        %mul3A_1071 = arith.constant 16 : i32
        %mul3A_1072 = arith.muli %select_n3A_1070, %mul3A_1071 : i32
        %add3A_1073 = arith.addi %add3A_1046, %mul3A_1072 : i32
        %dma_wait3A_1074 = arith.constant 0 : i32
        %dma_wait3A_1075 = tpu.memref_slice %arg4[%add3A_1073, %dma_wait3A_1074] : memref<32768x1024xf32, #tpu.memory_space<hbm>> -> memref<16x1024xf32, #tpu.memory_space<hbm>>
        %dma_wait3A_1076 = arith.constant 0 : i32
        %dma_wait3A_1077 = tpu.memref_slice %arg4[%add3A_1073, %dma_wait3A_1076] : memref<32768x1024xf32, #tpu.memory_space<hbm>> -> memref<16x1024xf32, #tpu.memory_space<hbm>>
        tpu.wait_dma2 semaphore(%arg20 : memref<!tpu.dma_semaphore, #tpu.memory_space<semaphore_mem>>) src(%arg10 : memref<16x1024xf32, #tpu.memory_space<vmem>>) dst(%dma_wait3A_1077 : memref<16x1024xf32, #tpu.memory_space<hbm>>)
      } else {
      }
      %add3A_242 = arith.constant 2 : i32
      %add3A_243 = arith.addi %add3A_186, %add3A_242 : i32
      %lt3A_244 = arith.constant 64 : i32
      %lt3A_245 = arith.cmpi slt, %add3A_243, %lt3A_244 : i32
      %convert_element_type3A_246 = arith.extui %lt3A_245 : i1 to i32
      %cond3A_247 = arith.constant 0 : i32
      %cond3A_248 = arith.cmpi ne, %convert_element_type3A_246, %cond3A_247 : i32
      scf.if %cond3A_248 {
        %add3A_1026 = arith.constant 2 : i32
        %add3A_1027 = arith.addi %add3A_186, %add3A_1026 : i32
        %jit3A_1028 = arith.constant 4 : i32
        %eq3A_1029 = arith.constant 0 : i32
        %eq3A_1030 = arith.cmpi eq, %jit3A_1028, %eq3A_1029 : i32
        %jit3A_1031 = arith.constant 1 : i32
        %select_n3A_1032 = arith.select %eq3A_1030, %jit3A_1031, %jit3A_1028 : i32
        %rem3A_1033 = arith.remsi %add3A_1027, %select_n3A_1032 : i32
        %ne3A_1034 = arith.constant 0 : i32
        %ne3A_1035 = arith.cmpi ne, %rem3A_1033, %ne3A_1034 : i32
        %lt3A_1036 = arith.constant 0 : i32
        %lt3A_1037 = arith.cmpi slt, %rem3A_1033, %lt3A_1036 : i32
        %lt3A_1038 = arith.constant 0 : i32
        %lt3A_1039 = arith.cmpi slt, %select_n3A_1032, %lt3A_1038 : i32
        %ne3A_1040 = arith.xori %lt3A_1037, %lt3A_1039 : i1
        %and3A_1041 = arith.andi %ne3A_1040, %ne3A_1035 : i1
        %add3A_1042 = arith.addi %rem3A_1033, %select_n3A_1032 : i32
        %select_n3A_1043 = arith.select %and3A_1041, %add3A_1042, %rem3A_1033 : i32
        %mul3A_1044 = arith.constant 8192 : i32
        %mul3A_1045 = arith.muli %select_n3A_1043, %mul3A_1044 : i32
        %add3A_1046 = arith.addi %mul3A_1045, %mul3A_2 : i32
        %jit3A_1047 = arith.constant 4 : i32
        %div3A_1048 = arith.divsi %add3A_1027, %jit3A_1047 : i32
        %sign3A_1049 = arith.constant 0 : i32
        %sign3A_1050 = arith.cmpi sgt, %add3A_1027, %sign3A_1049 : i32
        %sign3A_1051 = arith.extui %sign3A_1050 : i1 to i32
        %sign3A_1052 = arith.constant 0 : i32
        %sign3A_1053 = arith.cmpi slt, %add3A_1027, %sign3A_1052 : i32
        %sign3A_1054 = arith.extui %sign3A_1053 : i1 to i32
        %sign3A_1055 = arith.subi %sign3A_1051, %sign3A_1054 : i32
        %sign3A_1056 = arith.constant 0 : i32
        %sign3A_1057 = arith.cmpi sgt, %jit3A_1047, %sign3A_1056 : i32
        %sign3A_1058 = arith.extui %sign3A_1057 : i1 to i32
        %sign3A_1059 = arith.constant 0 : i32
        %sign3A_1060 = arith.cmpi slt, %jit3A_1047, %sign3A_1059 : i32
        %sign3A_1061 = arith.extui %sign3A_1060 : i1 to i32
        %sign3A_1062 = arith.subi %sign3A_1058, %sign3A_1061 : i32
        %ne3A_1063 = arith.cmpi ne, %sign3A_1055, %sign3A_1062 : i32
        %rem3A_1064 = arith.remsi %add3A_1027, %jit3A_1047 : i32
        %ne3A_1065 = arith.constant 0 : i32
        %ne3A_1066 = arith.cmpi ne, %rem3A_1064, %ne3A_1065 : i32
        %and3A_1067 = arith.andi %ne3A_1063, %ne3A_1066 : i1
        %sub3A_1068 = arith.constant 1 : i32
        %sub3A_1069 = arith.subi %div3A_1048, %sub3A_1068 : i32
        %select_n3A_1070 = arith.select %and3A_1067, %sub3A_1069, %div3A_1048 : i32
        %mul3A_1071 = arith.constant 16 : i32
        %mul3A_1072 = arith.muli %select_n3A_1070, %mul3A_1071 : i32
        %add3A_1073 = arith.addi %add3A_1046, %mul3A_1072 : i32
        %dma_start3A_1074 = arith.constant 0 : i32
        %dma_start3A_1075 = tpu.memref_slice %arg2[%add3A_1073, %dma_start3A_1074] : memref<32768x1024xf32, #tpu.memory_space<hbm>> -> memref<16x1024xf32, #tpu.memory_space<hbm>>
        %dma_start3A_1076 = arith.constant 0 : i32
        %dma_start3A_1077 = tpu.memref_slice %arg2[%add3A_1073, %dma_start3A_1076] : memref<32768x1024xf32, #tpu.memory_space<hbm>> -> memref<16x1024xf32, #tpu.memory_space<hbm>>
        tpu.enqueue_dma source(%dma_start3A_1077 : memref<16x1024xf32, #tpu.memory_space<hbm>>) target(%arg10 : memref<16x1024xf32, #tpu.memory_space<vmem>>) target_semaphore(%arg16 : memref<!tpu.dma_semaphore, #tpu.memory_space<semaphore_mem>>)
      } else {
      }
      %parallel_loop3A_249 = arith.constant 0 : i32
      %parallel_loop3A_250 = arith.constant 1024 : i32
      %parallel_loop3A_251 = arith.constant 1 : i32
      scf.for %parallel_loop3A_1026 = %parallel_loop3A_249 to %parallel_loop3A_250 step %parallel_loop3A_251  : i32 {
        %parallel_loop3A_1027 = arith.constant 64 : i32
        %parallel_loop3A_1028 = arith.divsi %parallel_loop3A_1026, %parallel_loop3A_1027 : i32
        %parallel_loop3A_1029 = arith.constant 0 : i32
        %parallel_loop3A_1030 = arith.cmpi sgt, %parallel_loop3A_1026, %parallel_loop3A_1029 : i32
        %parallel_loop3A_1031 = arith.extui %parallel_loop3A_1030 : i1 to i32
        %parallel_loop3A_1032 = arith.constant 0 : i32
        %parallel_loop3A_1033 = arith.cmpi slt, %parallel_loop3A_1026, %parallel_loop3A_1032 : i32
        %parallel_loop3A_1034 = arith.extui %parallel_loop3A_1033 : i1 to i32
        %parallel_loop3A_1035 = arith.subi %parallel_loop3A_1031, %parallel_loop3A_1034 : i32
        %parallel_loop3A_1036 = arith.constant 0 : i32
        %parallel_loop3A_1037 = arith.cmpi sgt, %parallel_loop3A_1027, %parallel_loop3A_1036 : i32
        %parallel_loop3A_1038 = arith.extui %parallel_loop3A_1037 : i1 to i32
        %parallel_loop3A_1039 = arith.constant 0 : i32
        %parallel_loop3A_1040 = arith.cmpi slt, %parallel_loop3A_1027, %parallel_loop3A_1039 : i32
        %parallel_loop3A_1041 = arith.extui %parallel_loop3A_1040 : i1 to i32
        %parallel_loop3A_1042 = arith.subi %parallel_loop3A_1038, %parallel_loop3A_1041 : i32
        %parallel_loop3A_1043 = arith.cmpi ne, %parallel_loop3A_1035, %parallel_loop3A_1042 : i32
        %parallel_loop3A_1044 = arith.remsi %parallel_loop3A_1026, %parallel_loop3A_1027 : i32
        %parallel_loop3A_1045 = arith.constant 0 : i32
        %parallel_loop3A_1046 = arith.cmpi ne, %parallel_loop3A_1044, %parallel_loop3A_1045 : i32
        %parallel_loop3A_1047 = arith.andi %parallel_loop3A_1043, %parallel_loop3A_1046 : i1
        %parallel_loop3A_1048 = arith.constant 1 : i32
        %parallel_loop3A_1049 = arith.subi %parallel_loop3A_1028, %parallel_loop3A_1048 : i32
        %parallel_loop3A_1050 = arith.select %parallel_loop3A_1047, %parallel_loop3A_1049, %parallel_loop3A_1028 : i32
        %parallel_loop3A_1051 = arith.constant 64 : i32
        %parallel_loop3A_1052 = arith.constant 0 : i32
        %parallel_loop3A_1053 = arith.cmpi eq, %parallel_loop3A_1051, %parallel_loop3A_1052 : i32
        %parallel_loop3A_1054 = arith.constant 1 : i32
        %parallel_loop3A_1055 = arith.select %parallel_loop3A_1053, %parallel_loop3A_1054, %parallel_loop3A_1051 : i32
        %parallel_loop3A_1056 = arith.remsi %parallel_loop3A_1026, %parallel_loop3A_1055 : i32
        %parallel_loop3A_1057 = arith.constant 0 : i32
        %parallel_loop3A_1058 = arith.cmpi ne, %parallel_loop3A_1056, %parallel_loop3A_1057 : i32
        %parallel_loop3A_1059 = arith.constant 0 : i32
        %parallel_loop3A_1060 = arith.cmpi slt, %parallel_loop3A_1056, %parallel_loop3A_1059 : i32
        %parallel_loop3A_1061 = arith.constant 0 : i32
        %parallel_loop3A_1062 = arith.cmpi slt, %parallel_loop3A_1055, %parallel_loop3A_1061 : i32
        %parallel_loop3A_1063 = arith.xori %parallel_loop3A_1060, %parallel_loop3A_1062 : i1
        %parallel_loop3A_1064 = arith.andi %parallel_loop3A_1063, %parallel_loop3A_1058 : i1
        %parallel_loop3A_1065 = arith.addi %parallel_loop3A_1056, %parallel_loop3A_1055 : i32
        %parallel_loop3A_1066 = arith.select %parallel_loop3A_1064, %parallel_loop3A_1065, %parallel_loop3A_1056 : i32
        %parallel_loop3A_1067 = arith.constant 16 : i32
        %parallel_loop3A_1068 = arith.muli %parallel_loop3A_1066, %parallel_loop3A_1067 : i32
        %parallel_loop3A_1069 = arith.constant 16 : i32
        %parallel_loop3A_1070 = arith.muli %parallel_loop3A_1066, %parallel_loop3A_1069 : i32
        %parallel_loop3A_1071 = arith.index_cast %parallel_loop3A_1050 : i32 to index
        %parallel_loop3A_1072 = arith.index_cast %parallel_loop3A_1070 : i32 to index
        %parallel_loop3A_1073 = tpu.vector_load %arg5[%parallel_loop3A_1071, %parallel_loop3A_1072] {strides = array<i32>} : memref<16x1024xf32, #tpu.memory_space<vmem>>, vector<1x16xf32>,
        %parallel_loop3A_1074 = vector.shape_cast %parallel_loop3A_1073 : vector<1x16xf32> to vector<16xf32>
        %parallel_loop3A_1075 = arith.index_cast %parallel_loop3A_1050 : i32 to index
        %parallel_loop3A_1076 = arith.index_cast %parallel_loop3A_1068 : i32 to index
        %parallel_loop3A_1077 = tpu.vector_load %arg8[%parallel_loop3A_1075, %parallel_loop3A_1076] {strides = array<i32>} : memref<16x1024xf32, #tpu.memory_space<vmem>>, vector<1x16xf32>,
        %parallel_loop3A_1078 = vector.shape_cast %parallel_loop3A_1077 : vector<1x16xf32> to vector<16xf32>
        %parallel_loop3A_1079 = vector.shape_cast %parallel_loop3A_1074 : vector<16xf32> to vector<1x16xf32>
        tpu.vector_store %arg8[%parallel_loop3A_1075, %parallel_loop3A_1076], %parallel_loop3A_1079 {add = true, strides = array<i32>} : memref<16x1024xf32, #tpu.memory_space<vmem>>, vector<1x16xf32>,
      } {sc.loop_unroll_factor = 16 : i64, sc.parallel_access}
      %jit3A_252 = arith.constant 4 : i32
      %eq3A_253 = arith.constant 0 : i32
      %eq3A_254 = arith.cmpi eq, %jit3A_252, %eq3A_253 : i32
      %jit3A_255 = arith.constant 1 : i32
      %select_n3A_256 = arith.select %eq3A_254, %jit3A_255, %jit3A_252 : i32
      %rem3A_257 = arith.remsi %add3A_186, %select_n3A_256 : i32
      %ne3A_258 = arith.constant 0 : i32
      %ne3A_259 = arith.cmpi ne, %rem3A_257, %ne3A_258 : i32
      %lt3A_260 = arith.constant 0 : i32
      %lt3A_261 = arith.cmpi slt, %rem3A_257, %lt3A_260 : i32
      %lt3A_262 = arith.constant 0 : i32
      %lt3A_263 = arith.cmpi slt, %select_n3A_256, %lt3A_262 : i32
      %ne3A_264 = arith.xori %lt3A_261, %lt3A_263 : i1
      %and3A_265 = arith.andi %ne3A_264, %ne3A_259 : i1
      %add3A_266 = arith.addi %rem3A_257, %select_n3A_256 : i32
      %select_n3A_267 = arith.select %and3A_265, %add3A_266, %rem3A_257 : i32
      %mul3A_268 = arith.constant 8192 : i32
      %mul3A_269 = arith.muli %select_n3A_267, %mul3A_268 : i32
      %add3A_270 = arith.addi %mul3A_269, %mul3A_2 : i32
      %jit3A_271 = arith.constant 4 : i32
      %div3A_272 = arith.divsi %add3A_186, %jit3A_271 : i32
      %sign3A_273 = arith.constant 0 : i32
      %sign3A_274 = arith.cmpi sgt, %add3A_186, %sign3A_273 : i32
      %sign3A_275 = arith.extui %sign3A_274 : i1 to i32
      %sign3A_276 = arith.constant 0 : i32
      %sign3A_277 = arith.cmpi slt, %add3A_186, %sign3A_276 : i32
      %sign3A_278 = arith.extui %sign3A_277 : i1 to i32
      %sign3A_279 = arith.subi %sign3A_275, %sign3A_278 : i32
      %sign3A_280 = arith.constant 0 : i32
      %sign3A_281 = arith.cmpi sgt, %jit3A_271, %sign3A_280 : i32
      %sign3A_282 = arith.extui %sign3A_281 : i1 to i32
      %sign3A_283 = arith.constant 0 : i32
      %sign3A_284 = arith.cmpi slt, %jit3A_271, %sign3A_283 : i32
      %sign3A_285 = arith.extui %sign3A_284 : i1 to i32
      %sign3A_286 = arith.subi %sign3A_282, %sign3A_285 : i32
      %ne3A_287 = arith.cmpi ne, %sign3A_279, %sign3A_286 : i32
      %rem3A_288 = arith.remsi %add3A_186, %jit3A_271 : i32
      %ne3A_289 = arith.constant 0 : i32
      %ne3A_290 = arith.cmpi ne, %rem3A_288, %ne3A_289 : i32
      %and3A_291 = arith.andi %ne3A_287, %ne3A_290 : i1
      %sub3A_292 = arith.constant 1 : i32
      %sub3A_293 = arith.subi %div3A_272, %sub3A_292 : i32
      %select_n3A_294 = arith.select %and3A_291, %sub3A_293, %div3A_272 : i32
      %mul3A_295 = arith.constant 16 : i32
      %mul3A_296 = arith.muli %select_n3A_294, %mul3A_295 : i32
      %add3A_297 = arith.addi %add3A_270, %mul3A_296 : i32
      %dma_start3A_298 = arith.constant 0 : i32
      %dma_start3A_299 = tpu.memref_slice %arg4[%add3A_297, %dma_start3A_298] : memref<32768x1024xf32, #tpu.memory_space<hbm>> -> memref<16x1024xf32, #tpu.memory_space<hbm>>
      %dma_start3A_300 = arith.constant 0 : i32
      %dma_start3A_301 = tpu.memref_slice %arg4[%add3A_297, %dma_start3A_300] : memref<32768x1024xf32, #tpu.memory_space<hbm>> -> memref<16x1024xf32, #tpu.memory_space<hbm>>
      tpu.enqueue_dma source(%arg8 : memref<16x1024xf32, #tpu.memory_space<vmem>>) target(%dma_start3A_301 : memref<16x1024xf32, #tpu.memory_space<hbm>>) target_semaphore(%arg18 : memref<!tpu.dma_semaphore, #tpu.memory_space<semaphore_mem>>)
      %add3A_302 = arith.constant 2 : i32
      %add3A_303 = arith.addi %mul3A_61, %add3A_302 : i32
      %jit3A_304 = arith.constant 4 : i32
      %eq3A_305 = arith.constant 0 : i32
      %eq3A_306 = arith.cmpi eq, %jit3A_304, %eq3A_305 : i32
      %jit3A_307 = arith.constant 1 : i32
      %select_n3A_308 = arith.select %eq3A_306, %jit3A_307, %jit3A_304 : i32
      %rem3A_309 = arith.remsi %add3A_303, %select_n3A_308 : i32
      %ne3A_310 = arith.constant 0 : i32
      %ne3A_311 = arith.cmpi ne, %rem3A_309, %ne3A_310 : i32
      %lt3A_312 = arith.constant 0 : i32
      %lt3A_313 = arith.cmpi slt, %rem3A_309, %lt3A_312 : i32
      %lt3A_314 = arith.constant 0 : i32
      %lt3A_315 = arith.cmpi slt, %select_n3A_308, %lt3A_314 : i32
      %ne3A_316 = arith.xori %lt3A_313, %lt3A_315 : i1
      %and3A_317 = arith.andi %ne3A_316, %ne3A_311 : i1
      %add3A_318 = arith.addi %rem3A_309, %select_n3A_308 : i32
      %select_n3A_319 = arith.select %and3A_317, %add3A_318, %rem3A_309 : i32
      %mul3A_320 = arith.constant 8192 : i32
      %mul3A_321 = arith.muli %select_n3A_319, %mul3A_320 : i32
      %add3A_322 = arith.addi %mul3A_321, %mul3A_2 : i32
      %jit3A_323 = arith.constant 4 : i32
      %div3A_324 = arith.divsi %add3A_303, %jit3A_323 : i32
      %sign3A_325 = arith.constant 0 : i32
      %sign3A_326 = arith.cmpi sgt, %add3A_303, %sign3A_325 : i32
      %sign3A_327 = arith.extui %sign3A_326 : i1 to i32
      %sign3A_328 = arith.constant 0 : i32
      %sign3A_329 = arith.cmpi slt, %add3A_303, %sign3A_328 : i32
      %sign3A_330 = arith.extui %sign3A_329 : i1 to i32
      %sign3A_331 = arith.subi %sign3A_327, %sign3A_330 : i32
      %sign3A_332 = arith.constant 0 : i32
      %sign3A_333 = arith.cmpi sgt, %jit3A_323, %sign3A_332 : i32
      %sign3A_334 = arith.extui %sign3A_333 : i1 to i32
      %sign3A_335 = arith.constant 0 : i32
      %sign3A_336 = arith.cmpi slt, %jit3A_323, %sign3A_335 : i32
      %sign3A_337 = arith.extui %sign3A_336 : i1 to i32
      %sign3A_338 = arith.subi %sign3A_334, %sign3A_337 : i32
      %ne3A_339 = arith.cmpi ne, %sign3A_331, %sign3A_338 : i32
      %rem3A_340 = arith.remsi %add3A_303, %jit3A_323 : i32
      %ne3A_341 = arith.constant 0 : i32
      %ne3A_342 = arith.cmpi ne, %rem3A_340, %ne3A_341 : i32
      %and3A_343 = arith.andi %ne3A_339, %ne3A_342 : i1
      %sub3A_344 = arith.constant 1 : i32
      %sub3A_345 = arith.subi %div3A_324, %sub3A_344 : i32
      %select_n3A_346 = arith.select %and3A_343, %sub3A_345, %div3A_324 : i32
      %mul3A_347 = arith.constant 16 : i32
      %mul3A_348 = arith.muli %select_n3A_346, %mul3A_347 : i32
      %add3A_349 = arith.addi %add3A_322, %mul3A_348 : i32
      %dma_wait3A_350 = arith.constant 0 : i32
      %dma_wait3A_351 = tpu.memref_slice %arg2[%add3A_349, %dma_wait3A_350] : memref<32768x1024xf32, #tpu.memory_space<hbm>> -> memref<16x1024xf32, #tpu.memory_space<hbm>>
      %dma_wait3A_352 = arith.constant 0 : i32
      %dma_wait3A_353 = tpu.memref_slice %arg2[%add3A_349, %dma_wait3A_352] : memref<32768x1024xf32, #tpu.memory_space<hbm>> -> memref<16x1024xf32, #tpu.memory_space<hbm>>
      tpu.wait_dma2 semaphore(%arg15 : memref<!tpu.dma_semaphore, #tpu.memory_space<semaphore_mem>>) src(%dma_wait3A_353 : memref<16x1024xf32, #tpu.memory_space<hbm>>) dst(%arg9 : memref<16x1024xf32, #tpu.memory_space<vmem>>)
      %ge3A_354 = arith.constant 2 : i32
      %ge3A_355 = arith.cmpi sge, %add3A_303, %ge3A_354 : i32
      %convert_element_type3A_356 = arith.extui %ge3A_355 : i1 to i32
      %cond3A_357 = arith.constant 0 : i32
      %cond3A_358 = arith.cmpi ne, %convert_element_type3A_356, %cond3A_357 : i32
      scf.if %cond3A_358 {
        %sub3A_1026 = arith.constant 2 : i32
        %sub3A_1027 = arith.subi %add3A_303, %sub3A_1026 : i32
        %jit3A_1028 = arith.constant 4 : i32
        %eq3A_1029 = arith.constant 0 : i32
        %eq3A_1030 = arith.cmpi eq, %jit3A_1028, %eq3A_1029 : i32
        %jit3A_1031 = arith.constant 1 : i32
        %select_n3A_1032 = arith.select %eq3A_1030, %jit3A_1031, %jit3A_1028 : i32
        %rem3A_1033 = arith.remsi %sub3A_1027, %select_n3A_1032 : i32
        %ne3A_1034 = arith.constant 0 : i32
        %ne3A_1035 = arith.cmpi ne, %rem3A_1033, %ne3A_1034 : i32
        %lt3A_1036 = arith.constant 0 : i32
        %lt3A_1037 = arith.cmpi slt, %rem3A_1033, %lt3A_1036 : i32
        %lt3A_1038 = arith.constant 0 : i32
        %lt3A_1039 = arith.cmpi slt, %select_n3A_1032, %lt3A_1038 : i32
        %ne3A_1040 = arith.xori %lt3A_1037, %lt3A_1039 : i1
        %and3A_1041 = arith.andi %ne3A_1040, %ne3A_1035 : i1
        %add3A_1042 = arith.addi %rem3A_1033, %select_n3A_1032 : i32
        %select_n3A_1043 = arith.select %and3A_1041, %add3A_1042, %rem3A_1033 : i32
        %mul3A_1044 = arith.constant 8192 : i32
        %mul3A_1045 = arith.muli %select_n3A_1043, %mul3A_1044 : i32
        %add3A_1046 = arith.addi %mul3A_1045, %mul3A_2 : i32
        %jit3A_1047 = arith.constant 4 : i32
        %div3A_1048 = arith.divsi %sub3A_1027, %jit3A_1047 : i32
        %sign3A_1049 = arith.constant 0 : i32
        %sign3A_1050 = arith.cmpi sgt, %sub3A_1027, %sign3A_1049 : i32
        %sign3A_1051 = arith.extui %sign3A_1050 : i1 to i32
        %sign3A_1052 = arith.constant 0 : i32
        %sign3A_1053 = arith.cmpi slt, %sub3A_1027, %sign3A_1052 : i32
        %sign3A_1054 = arith.extui %sign3A_1053 : i1 to i32
        %sign3A_1055 = arith.subi %sign3A_1051, %sign3A_1054 : i32
        %sign3A_1056 = arith.constant 0 : i32
        %sign3A_1057 = arith.cmpi sgt, %jit3A_1047, %sign3A_1056 : i32
        %sign3A_1058 = arith.extui %sign3A_1057 : i1 to i32
        %sign3A_1059 = arith.constant 0 : i32
        %sign3A_1060 = arith.cmpi slt, %jit3A_1047, %sign3A_1059 : i32
        %sign3A_1061 = arith.extui %sign3A_1060 : i1 to i32
        %sign3A_1062 = arith.subi %sign3A_1058, %sign3A_1061 : i32
        %ne3A_1063 = arith.cmpi ne, %sign3A_1055, %sign3A_1062 : i32
        %rem3A_1064 = arith.remsi %sub3A_1027, %jit3A_1047 : i32
        %ne3A_1065 = arith.constant 0 : i32
        %ne3A_1066 = arith.cmpi ne, %rem3A_1064, %ne3A_1065 : i32
        %and3A_1067 = arith.andi %ne3A_1063, %ne3A_1066 : i1
        %sub3A_1068 = arith.constant 1 : i32
        %sub3A_1069 = arith.subi %div3A_1048, %sub3A_1068 : i32
        %select_n3A_1070 = arith.select %and3A_1067, %sub3A_1069, %div3A_1048 : i32
        %mul3A_1071 = arith.constant 16 : i32
        %mul3A_1072 = arith.muli %select_n3A_1070, %mul3A_1071 : i32
        %add3A_1073 = arith.addi %add3A_1046, %mul3A_1072 : i32
        %dma_wait3A_1074 = arith.constant 0 : i32
        %dma_wait3A_1075 = tpu.memref_slice %arg4[%add3A_1073, %dma_wait3A_1074] : memref<32768x1024xf32, #tpu.memory_space<hbm>> -> memref<16x1024xf32, #tpu.memory_space<hbm>>
        %dma_wait3A_1076 = arith.constant 0 : i32
        %dma_wait3A_1077 = tpu.memref_slice %arg4[%add3A_1073, %dma_wait3A_1076] : memref<32768x1024xf32, #tpu.memory_space<hbm>> -> memref<16x1024xf32, #tpu.memory_space<hbm>>
        tpu.wait_dma2 semaphore(%arg17 : memref<!tpu.dma_semaphore, #tpu.memory_space<semaphore_mem>>) src(%arg7 : memref<16x1024xf32, #tpu.memory_space<vmem>>) dst(%dma_wait3A_1077 : memref<16x1024xf32, #tpu.memory_space<hbm>>)
      } else {
      }
      %add3A_359 = arith.constant 2 : i32
      %add3A_360 = arith.addi %add3A_303, %add3A_359 : i32
      %lt3A_361 = arith.constant 64 : i32
      %lt3A_362 = arith.cmpi slt, %add3A_360, %lt3A_361 : i32
      %convert_element_type3A_363 = arith.extui %lt3A_362 : i1 to i32
      %cond3A_364 = arith.constant 0 : i32
      %cond3A_365 = arith.cmpi ne, %convert_element_type3A_363, %cond3A_364 : i32
      scf.if %cond3A_365 {
        %add3A_1026 = arith.constant 2 : i32
        %add3A_1027 = arith.addi %add3A_303, %add3A_1026 : i32
        %jit3A_1028 = arith.constant 4 : i32
        %eq3A_1029 = arith.constant 0 : i32
        %eq3A_1030 = arith.cmpi eq, %jit3A_1028, %eq3A_1029 : i32
        %jit3A_1031 = arith.constant 1 : i32
        %select_n3A_1032 = arith.select %eq3A_1030, %jit3A_1031, %jit3A_1028 : i32
        %rem3A_1033 = arith.remsi %add3A_1027, %select_n3A_1032 : i32
        %ne3A_1034 = arith.constant 0 : i32
        %ne3A_1035 = arith.cmpi ne, %rem3A_1033, %ne3A_1034 : i32
        %lt3A_1036 = arith.constant 0 : i32
        %lt3A_1037 = arith.cmpi slt, %rem3A_1033, %lt3A_1036 : i32
        %lt3A_1038 = arith.constant 0 : i32
        %lt3A_1039 = arith.cmpi slt, %select_n3A_1032, %lt3A_1038 : i32
        %ne3A_1040 = arith.xori %lt3A_1037, %lt3A_1039 : i1
        %and3A_1041 = arith.andi %ne3A_1040, %ne3A_1035 : i1
        %add3A_1042 = arith.addi %rem3A_1033, %select_n3A_1032 : i32
        %select_n3A_1043 = arith.select %and3A_1041, %add3A_1042, %rem3A_1033 : i32
        %mul3A_1044 = arith.constant 8192 : i32
        %mul3A_1045 = arith.muli %select_n3A_1043, %mul3A_1044 : i32
        %add3A_1046 = arith.addi %mul3A_1045, %mul3A_2 : i32
        %jit3A_1047 = arith.constant 4 : i32
        %div3A_1048 = arith.divsi %add3A_1027, %jit3A_1047 : i32
        %sign3A_1049 = arith.constant 0 : i32
        %sign3A_1050 = arith.cmpi sgt, %add3A_1027, %sign3A_1049 : i32
        %sign3A_1051 = arith.extui %sign3A_1050 : i1 to i32
        %sign3A_1052 = arith.constant 0 : i32
        %sign3A_1053 = arith.cmpi slt, %add3A_1027, %sign3A_1052 : i32
        %sign3A_1054 = arith.extui %sign3A_1053 : i1 to i32
        %sign3A_1055 = arith.subi %sign3A_1051, %sign3A_1054 : i32
        %sign3A_1056 = arith.constant 0 : i32
        %sign3A_1057 = arith.cmpi sgt, %jit3A_1047, %sign3A_1056 : i32
        %sign3A_1058 = arith.extui %sign3A_1057 : i1 to i32
        %sign3A_1059 = arith.constant 0 : i32
        %sign3A_1060 = arith.cmpi slt, %jit3A_1047, %sign3A_1059 : i32
        %sign3A_1061 = arith.extui %sign3A_1060 : i1 to i32
        %sign3A_1062 = arith.subi %sign3A_1058, %sign3A_1061 : i32
        %ne3A_1063 = arith.cmpi ne, %sign3A_1055, %sign3A_1062 : i32
        %rem3A_1064 = arith.remsi %add3A_1027, %jit3A_1047 : i32
        %ne3A_1065 = arith.constant 0 : i32
        %ne3A_1066 = arith.cmpi ne, %rem3A_1064, %ne3A_1065 : i32
        %and3A_1067 = arith.andi %ne3A_1063, %ne3A_1066 : i1
        %sub3A_1068 = arith.constant 1 : i32
        %sub3A_1069 = arith.subi %div3A_1048, %sub3A_1068 : i32
        %select_n3A_1070 = arith.select %and3A_1067, %sub3A_1069, %div3A_1048 : i32
        %mul3A_1071 = arith.constant 16 : i32
        %mul3A_1072 = arith.muli %select_n3A_1070, %mul3A_1071 : i32
        %add3A_1073 = arith.addi %add3A_1046, %mul3A_1072 : i32
        %dma_start3A_1074 = arith.constant 0 : i32
        %dma_start3A_1075 = tpu.memref_slice %arg2[%add3A_1073, %dma_start3A_1074] : memref<32768x1024xf32, #tpu.memory_space<hbm>> -> memref<16x1024xf32, #tpu.memory_space<hbm>>
        %dma_start3A_1076 = arith.constant 0 : i32
        %dma_start3A_1077 = tpu.memref_slice %arg2[%add3A_1073, %dma_start3A_1076] : memref<32768x1024xf32, #tpu.memory_space<hbm>> -> memref<16x1024xf32, #tpu.memory_space<hbm>>
        tpu.enqueue_dma source(%dma_start3A_1077 : memref<16x1024xf32, #tpu.memory_space<hbm>>) target(%arg7 : memref<16x1024xf32, #tpu.memory_space<vmem>>) target_semaphore(%arg13 : memref<!tpu.dma_semaphore, #tpu.memory_space<semaphore_mem>>)
      } else {
      }
      %parallel_loop3A_366 = arith.constant 0 : i32
      %parallel_loop3A_367 = arith.constant 1024 : i32
      %parallel_loop3A_368 = arith.constant 1 : i32
      scf.for %parallel_loop3A_1026 = %parallel_loop3A_366 to %parallel_loop3A_367 step %parallel_loop3A_368  : i32 {
        %parallel_loop3A_1027 = arith.constant 64 : i32
        %parallel_loop3A_1028 = arith.divsi %parallel_loop3A_1026, %parallel_loop3A_1027 : i32
        %parallel_loop3A_1029 = arith.constant 0 : i32
        %parallel_loop3A_1030 = arith.cmpi sgt, %parallel_loop3A_1026, %parallel_loop3A_1029 : i32
        %parallel_loop3A_1031 = arith.extui %parallel_loop3A_1030 : i1 to i32
        %parallel_loop3A_1032 = arith.constant 0 : i32
        %parallel_loop3A_1033 = arith.cmpi slt, %parallel_loop3A_1026, %parallel_loop3A_1032 : i32
        %parallel_loop3A_1034 = arith.extui %parallel_loop3A_1033 : i1 to i32
        %parallel_loop3A_1035 = arith.subi %parallel_loop3A_1031, %parallel_loop3A_1034 : i32
        %parallel_loop3A_1036 = arith.constant 0 : i32
        %parallel_loop3A_1037 = arith.cmpi sgt, %parallel_loop3A_1027, %parallel_loop3A_1036 : i32
        %parallel_loop3A_1038 = arith.extui %parallel_loop3A_1037 : i1 to i32
        %parallel_loop3A_1039 = arith.constant 0 : i32
        %parallel_loop3A_1040 = arith.cmpi slt, %parallel_loop3A_1027, %parallel_loop3A_1039 : i32
        %parallel_loop3A_1041 = arith.extui %parallel_loop3A_1040 : i1 to i32
        %parallel_loop3A_1042 = arith.subi %parallel_loop3A_1038, %parallel_loop3A_1041 : i32
        %parallel_loop3A_1043 = arith.cmpi ne, %parallel_loop3A_1035, %parallel_loop3A_1042 : i32
        %parallel_loop3A_1044 = arith.remsi %parallel_loop3A_1026, %parallel_loop3A_1027 : i32
        %parallel_loop3A_1045 = arith.constant 0 : i32
        %parallel_loop3A_1046 = arith.cmpi ne, %parallel_loop3A_1044, %parallel_loop3A_1045 : i32
        %parallel_loop3A_1047 = arith.andi %parallel_loop3A_1043, %parallel_loop3A_1046 : i1
        %parallel_loop3A_1048 = arith.constant 1 : i32
        %parallel_loop3A_1049 = arith.subi %parallel_loop3A_1028, %parallel_loop3A_1048 : i32
        %parallel_loop3A_1050 = arith.select %parallel_loop3A_1047, %parallel_loop3A_1049, %parallel_loop3A_1028 : i32
        %parallel_loop3A_1051 = arith.constant 64 : i32
        %parallel_loop3A_1052 = arith.constant 0 : i32
        %parallel_loop3A_1053 = arith.cmpi eq, %parallel_loop3A_1051, %parallel_loop3A_1052 : i32
        %parallel_loop3A_1054 = arith.constant 1 : i32
        %parallel_loop3A_1055 = arith.select %parallel_loop3A_1053, %parallel_loop3A_1054, %parallel_loop3A_1051 : i32
        %parallel_loop3A_1056 = arith.remsi %parallel_loop3A_1026, %parallel_loop3A_1055 : i32
        %parallel_loop3A_1057 = arith.constant 0 : i32
        %parallel_loop3A_1058 = arith.cmpi ne, %parallel_loop3A_1056, %parallel_loop3A_1057 : i32
        %parallel_loop3A_1059 = arith.constant 0 : i32
        %parallel_loop3A_1060 = arith.cmpi slt, %parallel_loop3A_1056, %parallel_loop3A_1059 : i32
        %parallel_loop3A_1061 = arith.constant 0 : i32
        %parallel_loop3A_1062 = arith.cmpi slt, %parallel_loop3A_1055, %parallel_loop3A_1061 : i32
        %parallel_loop3A_1063 = arith.xori %parallel_loop3A_1060, %parallel_loop3A_1062 : i1
        %parallel_loop3A_1064 = arith.andi %parallel_loop3A_1063, %parallel_loop3A_1058 : i1
        %parallel_loop3A_1065 = arith.addi %parallel_loop3A_1056, %parallel_loop3A_1055 : i32
        %parallel_loop3A_1066 = arith.select %parallel_loop3A_1064, %parallel_loop3A_1065, %parallel_loop3A_1056 : i32
        %parallel_loop3A_1067 = arith.constant 16 : i32
        %parallel_loop3A_1068 = arith.muli %parallel_loop3A_1066, %parallel_loop3A_1067 : i32
        %parallel_loop3A_1069 = arith.constant 16 : i32
        %parallel_loop3A_1070 = arith.muli %parallel_loop3A_1066, %parallel_loop3A_1069 : i32
        %parallel_loop3A_1071 = arith.index_cast %parallel_loop3A_1050 : i32 to index
        %parallel_loop3A_1072 = arith.index_cast %parallel_loop3A_1070 : i32 to index
        %parallel_loop3A_1073 = tpu.vector_load %arg5[%parallel_loop3A_1071, %parallel_loop3A_1072] {strides = array<i32>} : memref<16x1024xf32, #tpu.memory_space<vmem>>, vector<1x16xf32>,
        %parallel_loop3A_1074 = vector.shape_cast %parallel_loop3A_1073 : vector<1x16xf32> to vector<16xf32>
        %parallel_loop3A_1075 = arith.index_cast %parallel_loop3A_1050 : i32 to index
        %parallel_loop3A_1076 = arith.index_cast %parallel_loop3A_1068 : i32 to index
        %parallel_loop3A_1077 = tpu.vector_load %arg9[%parallel_loop3A_1075, %parallel_loop3A_1076] {strides = array<i32>} : memref<16x1024xf32, #tpu.memory_space<vmem>>, vector<1x16xf32>,
        %parallel_loop3A_1078 = vector.shape_cast %parallel_loop3A_1077 : vector<1x16xf32> to vector<16xf32>
        %parallel_loop3A_1079 = vector.shape_cast %parallel_loop3A_1074 : vector<16xf32> to vector<1x16xf32>
        tpu.vector_store %arg9[%parallel_loop3A_1075, %parallel_loop3A_1076], %parallel_loop3A_1079 {add = true, strides = array<i32>} : memref<16x1024xf32, #tpu.memory_space<vmem>>, vector<1x16xf32>,
      } {sc.loop_unroll_factor = 16 : i64, sc.parallel_access}
      %jit3A_369 = arith.constant 4 : i32
      %eq3A_370 = arith.constant 0 : i32
      %eq3A_371 = arith.cmpi eq, %jit3A_369, %eq3A_370 : i32
      %jit3A_372 = arith.constant 1 : i32
      %select_n3A_373 = arith.select %eq3A_371, %jit3A_372, %jit3A_369 : i32
      %rem3A_374 = arith.remsi %add3A_303, %select_n3A_373 : i32
      %ne3A_375 = arith.constant 0 : i32
      %ne3A_376 = arith.cmpi ne, %rem3A_374, %ne3A_375 : i32
      %lt3A_377 = arith.constant 0 : i32
      %lt3A_378 = arith.cmpi slt, %rem3A_374, %lt3A_377 : i32
      %lt3A_379 = arith.constant 0 : i32
      %lt3A_380 = arith.cmpi slt, %select_n3A_373, %lt3A_379 : i32
      %ne3A_381 = arith.xori %lt3A_378, %lt3A_380 : i1
      %and3A_382 = arith.andi %ne3A_381, %ne3A_376 : i1
      %add3A_383 = arith.addi %rem3A_374, %select_n3A_373 : i32
      %select_n3A_384 = arith.select %and3A_382, %add3A_383, %rem3A_374 : i32
      %mul3A_385 = arith.constant 8192 : i32
      %mul3A_386 = arith.muli %select_n3A_384, %mul3A_385 : i32
      %add3A_387 = arith.addi %mul3A_386, %mul3A_2 : i32
      %jit3A_388 = arith.constant 4 : i32
      %div3A_389 = arith.divsi %add3A_303, %jit3A_388 : i32
      %sign3A_390 = arith.constant 0 : i32
      %sign3A_391 = arith.cmpi sgt, %add3A_303, %sign3A_390 : i32
      %sign3A_392 = arith.extui %sign3A_391 : i1 to i32
      %sign3A_393 = arith.constant 0 : i32
      %sign3A_394 = arith.cmpi slt, %add3A_303, %sign3A_393 : i32
      %sign3A_395 = arith.extui %sign3A_394 : i1 to i32
      %sign3A_396 = arith.subi %sign3A_392, %sign3A_395 : i32
      %sign3A_397 = arith.constant 0 : i32
      %sign3A_398 = arith.cmpi sgt, %jit3A_388, %sign3A_397 : i32
      %sign3A_399 = arith.extui %sign3A_398 : i1 to i32
      %sign3A_400 = arith.constant 0 : i32
      %sign3A_401 = arith.cmpi slt, %jit3A_388, %sign3A_400 : i32
      %sign3A_402 = arith.extui %sign3A_401 : i1 to i32
      %sign3A_403 = arith.subi %sign3A_399, %sign3A_402 : i32
      %ne3A_404 = arith.cmpi ne, %sign3A_396, %sign3A_403 : i32
      %rem3A_405 = arith.remsi %add3A_303, %jit3A_388 : i32
      %ne3A_406 = arith.constant 0 : i32
      %ne3A_407 = arith.cmpi ne, %rem3A_405, %ne3A_406 : i32
      %and3A_408 = arith.andi %ne3A_404, %ne3A_407 : i1
      %sub3A_409 = arith.constant 1 : i32
      %sub3A_410 = arith.subi %div3A_389, %sub3A_409 : i32
      %select_n3A_411 = arith.select %and3A_408, %sub3A_410, %div3A_389 : i32
      %mul3A_412 = arith.constant 16 : i32
      %mul3A_413 = arith.muli %select_n3A_411, %mul3A_412 : i32
      %add3A_414 = arith.addi %add3A_387, %mul3A_413 : i32
      %dma_start3A_415 = arith.constant 0 : i32
      %dma_start3A_416 = tpu.memref_slice %arg4[%add3A_414, %dma_start3A_415] : memref<32768x1024xf32, #tpu.memory_space<hbm>> -> memref<16x1024xf32, #tpu.memory_space<hbm>>
      %dma_start3A_417 = arith.constant 0 : i32
      %dma_start3A_418 = tpu.memref_slice %arg4[%add3A_414, %dma_start3A_417] : memref<32768x1024xf32, #tpu.memory_space<hbm>> -> memref<16x1024xf32, #tpu.memory_space<hbm>>
      tpu.enqueue_dma source(%arg9 : memref<16x1024xf32, #tpu.memory_space<vmem>>) target(%dma_start3A_418 : memref<16x1024xf32, #tpu.memory_space<hbm>>) target_semaphore(%arg19 : memref<!tpu.dma_semaphore, #tpu.memory_space<semaphore_mem>>)
      %add3A_419 = arith.constant 3 : i32
      %add3A_420 = arith.addi %mul3A_61, %add3A_419 : i32
      %jit3A_421 = arith.constant 4 : i32
      %eq3A_422 = arith.constant 0 : i32
      %eq3A_423 = arith.cmpi eq, %jit3A_421, %eq3A_422 : i32
      %jit3A_424 = arith.constant 1 : i32
      %select_n3A_425 = arith.select %eq3A_423, %jit3A_424, %jit3A_421 : i32
      %rem3A_426 = arith.remsi %add3A_420, %select_n3A_425 : i32
      %ne3A_427 = arith.constant 0 : i32
      %ne3A_428 = arith.cmpi ne, %rem3A_426, %ne3A_427 : i32
      %lt3A_429 = arith.constant 0 : i32
      %lt3A_430 = arith.cmpi slt, %rem3A_426, %lt3A_429 : i32
      %lt3A_431 = arith.constant 0 : i32
      %lt3A_432 = arith.cmpi slt, %select_n3A_425, %lt3A_431 : i32
      %ne3A_433 = arith.xori %lt3A_430, %lt3A_432 : i1
      %and3A_434 = arith.andi %ne3A_433, %ne3A_428 : i1
      %add3A_435 = arith.addi %rem3A_426, %select_n3A_425 : i32
      %select_n3A_436 = arith.select %and3A_434, %add3A_435, %rem3A_426 : i32
      %mul3A_437 = arith.constant 8192 : i32
      %mul3A_438 = arith.muli %select_n3A_436, %mul3A_437 : i32
      %add3A_439 = arith.addi %mul3A_438, %mul3A_2 : i32
      %jit3A_440 = arith.constant 4 : i32
      %div3A_441 = arith.divsi %add3A_420, %jit3A_440 : i32
      %sign3A_442 = arith.constant 0 : i32
      %sign3A_443 = arith.cmpi sgt, %add3A_420, %sign3A_442 : i32
      %sign3A_444 = arith.extui %sign3A_443 : i1 to i32
      %sign3A_445 = arith.constant 0 : i32
      %sign3A_446 = arith.cmpi slt, %add3A_420, %sign3A_445 : i32
      %sign3A_447 = arith.extui %sign3A_446 : i1 to i32
      %sign3A_448 = arith.subi %sign3A_444, %sign3A_447 : i32
      %sign3A_449 = arith.constant 0 : i32
      %sign3A_450 = arith.cmpi sgt, %jit3A_440, %sign3A_449 : i32
      %sign3A_451 = arith.extui %sign3A_450 : i1 to i32
      %sign3A_452 = arith.constant 0 : i32
      %sign3A_453 = arith.cmpi slt, %jit3A_440, %sign3A_452 : i32
      %sign3A_454 = arith.extui %sign3A_453 : i1 to i32
      %sign3A_455 = arith.subi %sign3A_451, %sign3A_454 : i32
      %ne3A_456 = arith.cmpi ne, %sign3A_448, %sign3A_455 : i32
      %rem3A_457 = arith.remsi %add3A_420, %jit3A_440 : i32
      %ne3A_458 = arith.constant 0 : i32
      %ne3A_459 = arith.cmpi ne, %rem3A_457, %ne3A_458 : i32
      %and3A_460 = arith.andi %ne3A_456, %ne3A_459 : i1
      %sub3A_461 = arith.constant 1 : i32
      %sub3A_462 = arith.subi %div3A_441, %sub3A_461 : i32
      %select_n3A_463 = arith.select %and3A_460, %sub3A_462, %div3A_441 : i32
      %mul3A_464 = arith.constant 16 : i32
      %mul3A_465 = arith.muli %select_n3A_463, %mul3A_464 : i32
      %add3A_466 = arith.addi %add3A_439, %mul3A_465 : i32
      %dma_wait3A_467 = arith.constant 0 : i32
      %dma_wait3A_468 = tpu.memref_slice %arg2[%add3A_466, %dma_wait3A_467] : memref<32768x1024xf32, #tpu.memory_space<hbm>> -> memref<16x1024xf32, #tpu.memory_space<hbm>>
      %dma_wait3A_469 = arith.constant 0 : i32
      %dma_wait3A_470 = tpu.memref_slice %arg2[%add3A_466, %dma_wait3A_469] : memref<32768x1024xf32, #tpu.memory_space<hbm>> -> memref<16x1024xf32, #tpu.memory_space<hbm>>
      tpu.wait_dma2 semaphore(%arg16 : memref<!tpu.dma_semaphore, #tpu.memory_space<semaphore_mem>>) src(%dma_wait3A_470 : memref<16x1024xf32, #tpu.memory_space<hbm>>) dst(%arg10 : memref<16x1024xf32, #tpu.memory_space<vmem>>)
      %ge3A_471 = arith.constant 2 : i32
      %ge3A_472 = arith.cmpi sge, %add3A_420, %ge3A_471 : i32
      %convert_element_type3A_473 = arith.extui %ge3A_472 : i1 to i32
      %cond3A_474 = arith.constant 0 : i32
      %cond3A_475 = arith.cmpi ne, %convert_element_type3A_473, %cond3A_474 : i32
      scf.if %cond3A_475 {
        %sub3A_1026 = arith.constant 2 : i32
        %sub3A_1027 = arith.subi %add3A_420, %sub3A_1026 : i32
        %jit3A_1028 = arith.constant 4 : i32
        %eq3A_1029 = arith.constant 0 : i32
        %eq3A_1030 = arith.cmpi eq, %jit3A_1028, %eq3A_1029 : i32
        %jit3A_1031 = arith.constant 1 : i32
        %select_n3A_1032 = arith.select %eq3A_1030, %jit3A_1031, %jit3A_1028 : i32
        %rem3A_1033 = arith.remsi %sub3A_1027, %select_n3A_1032 : i32
        %ne3A_1034 = arith.constant 0 : i32
        %ne3A_1035 = arith.cmpi ne, %rem3A_1033, %ne3A_1034 : i32
        %lt3A_1036 = arith.constant 0 : i32
        %lt3A_1037 = arith.cmpi slt, %rem3A_1033, %lt3A_1036 : i32
        %lt3A_1038 = arith.constant 0 : i32
        %lt3A_1039 = arith.cmpi slt, %select_n3A_1032, %lt3A_1038 : i32
        %ne3A_1040 = arith.xori %lt3A_1037, %lt3A_1039 : i1
        %and3A_1041 = arith.andi %ne3A_1040, %ne3A_1035 : i1
        %add3A_1042 = arith.addi %rem3A_1033, %select_n3A_1032 : i32
        %select_n3A_1043 = arith.select %and3A_1041, %add3A_1042, %rem3A_1033 : i32
        %mul3A_1044 = arith.constant 8192 : i32
        %mul3A_1045 = arith.muli %select_n3A_1043, %mul3A_1044 : i32
        %add3A_1046 = arith.addi %mul3A_1045, %mul3A_2 : i32
        %jit3A_1047 = arith.constant 4 : i32
        %div3A_1048 = arith.divsi %sub3A_1027, %jit3A_1047 : i32
        %sign3A_1049 = arith.constant 0 : i32
        %sign3A_1050 = arith.cmpi sgt, %sub3A_1027, %sign3A_1049 : i32
        %sign3A_1051 = arith.extui %sign3A_1050 : i1 to i32
        %sign3A_1052 = arith.constant 0 : i32
        %sign3A_1053 = arith.cmpi slt, %sub3A_1027, %sign3A_1052 : i32
        %sign3A_1054 = arith.extui %sign3A_1053 : i1 to i32
        %sign3A_1055 = arith.subi %sign3A_1051, %sign3A_1054 : i32
        %sign3A_1056 = arith.constant 0 : i32
        %sign3A_1057 = arith.cmpi sgt, %jit3A_1047, %sign3A_1056 : i32
        %sign3A_1058 = arith.extui %sign3A_1057 : i1 to i32
        %sign3A_1059 = arith.constant 0 : i32
        %sign3A_1060 = arith.cmpi slt, %jit3A_1047, %sign3A_1059 : i32
        %sign3A_1061 = arith.extui %sign3A_1060 : i1 to i32
        %sign3A_1062 = arith.subi %sign3A_1058, %sign3A_1061 : i32
        %ne3A_1063 = arith.cmpi ne, %sign3A_1055, %sign3A_1062 : i32
        %rem3A_1064 = arith.remsi %sub3A_1027, %jit3A_1047 : i32
        %ne3A_1065 = arith.constant 0 : i32
        %ne3A_1066 = arith.cmpi ne, %rem3A_1064, %ne3A_1065 : i32
        %and3A_1067 = arith.andi %ne3A_1063, %ne3A_1066 : i1
        %sub3A_1068 = arith.constant 1 : i32
        %sub3A_1069 = arith.subi %div3A_1048, %sub3A_1068 : i32
        %select_n3A_1070 = arith.select %and3A_1067, %sub3A_1069, %div3A_1048 : i32
        %mul3A_1071 = arith.constant 16 : i32
        %mul3A_1072 = arith.muli %select_n3A_1070, %mul3A_1071 : i32
        %add3A_1073 = arith.addi %add3A_1046, %mul3A_1072 : i32
        %dma_wait3A_1074 = arith.constant 0 : i32
        %dma_wait3A_1075 = tpu.memref_slice %arg4[%add3A_1073, %dma_wait3A_1074] : memref<32768x1024xf32, #tpu.memory_space<hbm>> -> memref<16x1024xf32, #tpu.memory_space<hbm>>
        %dma_wait3A_1076 = arith.constant 0 : i32
        %dma_wait3A_1077 = tpu.memref_slice %arg4[%add3A_1073, %dma_wait3A_1076] : memref<32768x1024xf32, #tpu.memory_space<hbm>> -> memref<16x1024xf32, #tpu.memory_space<hbm>>
        tpu.wait_dma2 semaphore(%arg18 : memref<!tpu.dma_semaphore, #tpu.memory_space<semaphore_mem>>) src(%arg8 : memref<16x1024xf32, #tpu.memory_space<vmem>>) dst(%dma_wait3A_1077 : memref<16x1024xf32, #tpu.memory_space<hbm>>)
      } else {
      }
      %add3A_476 = arith.constant 2 : i32
      %add3A_477 = arith.addi %add3A_420, %add3A_476 : i32
      %lt3A_478 = arith.constant 64 : i32
      %lt3A_479 = arith.cmpi slt, %add3A_477, %lt3A_478 : i32
      %convert_element_type3A_480 = arith.extui %lt3A_479 : i1 to i32
      %cond3A_481 = arith.constant 0 : i32
      %cond3A_482 = arith.cmpi ne, %convert_element_type3A_480, %cond3A_481 : i32
      scf.if %cond3A_482 {
        %add3A_1026 = arith.constant 2 : i32
        %add3A_1027 = arith.addi %add3A_420, %add3A_1026 : i32
        %jit3A_1028 = arith.constant 4 : i32
        %eq3A_1029 = arith.constant 0 : i32
        %eq3A_1030 = arith.cmpi eq, %jit3A_1028, %eq3A_1029 : i32
        %jit3A_1031 = arith.constant 1 : i32
        %select_n3A_1032 = arith.select %eq3A_1030, %jit3A_1031, %jit3A_1028 : i32
        %rem3A_1033 = arith.remsi %add3A_1027, %select_n3A_1032 : i32
        %ne3A_1034 = arith.constant 0 : i32
        %ne3A_1035 = arith.cmpi ne, %rem3A_1033, %ne3A_1034 : i32
        %lt3A_1036 = arith.constant 0 : i32
        %lt3A_1037 = arith.cmpi slt, %rem3A_1033, %lt3A_1036 : i32
        %lt3A_1038 = arith.constant 0 : i32
        %lt3A_1039 = arith.cmpi slt, %select_n3A_1032, %lt3A_1038 : i32
        %ne3A_1040 = arith.xori %lt3A_1037, %lt3A_1039 : i1
        %and3A_1041 = arith.andi %ne3A_1040, %ne3A_1035 : i1
        %add3A_1042 = arith.addi %rem3A_1033, %select_n3A_1032 : i32
        %select_n3A_1043 = arith.select %and3A_1041, %add3A_1042, %rem3A_1033 : i32
        %mul3A_1044 = arith.constant 8192 : i32
        %mul3A_1045 = arith.muli %select_n3A_1043, %mul3A_1044 : i32
        %add3A_1046 = arith.addi %mul3A_1045, %mul3A_2 : i32
        %jit3A_1047 = arith.constant 4 : i32
        %div3A_1048 = arith.divsi %add3A_1027, %jit3A_1047 : i32
        %sign3A_1049 = arith.constant 0 : i32
        %sign3A_1050 = arith.cmpi sgt, %add3A_1027, %sign3A_1049 : i32
        %sign3A_1051 = arith.extui %sign3A_1050 : i1 to i32
        %sign3A_1052 = arith.constant 0 : i32
        %sign3A_1053 = arith.cmpi slt, %add3A_1027, %sign3A_1052 : i32
        %sign3A_1054 = arith.extui %sign3A_1053 : i1 to i32
        %sign3A_1055 = arith.subi %sign3A_1051, %sign3A_1054 : i32
        %sign3A_1056 = arith.constant 0 : i32
        %sign3A_1057 = arith.cmpi sgt, %jit3A_1047, %sign3A_1056 : i32
        %sign3A_1058 = arith.extui %sign3A_1057 : i1 to i32
        %sign3A_1059 = arith.constant 0 : i32
        %sign3A_1060 = arith.cmpi slt, %jit3A_1047, %sign3A_1059 : i32
        %sign3A_1061 = arith.extui %sign3A_1060 : i1 to i32
        %sign3A_1062 = arith.subi %sign3A_1058, %sign3A_1061 : i32
        %ne3A_1063 = arith.cmpi ne, %sign3A_1055, %sign3A_1062 : i32
        %rem3A_1064 = arith.remsi %add3A_1027, %jit3A_1047 : i32
        %ne3A_1065 = arith.constant 0 : i32
        %ne3A_1066 = arith.cmpi ne, %rem3A_1064, %ne3A_1065 : i32
        %and3A_1067 = arith.andi %ne3A_1063, %ne3A_1066 : i1
        %sub3A_1068 = arith.constant 1 : i32
        %sub3A_1069 = arith.subi %div3A_1048, %sub3A_1068 : i32
        %select_n3A_1070 = arith.select %and3A_1067, %sub3A_1069, %div3A_1048 : i32
        %mul3A_1071 = arith.constant 16 : i32
        %mul3A_1072 = arith.muli %select_n3A_1070, %mul3A_1071 : i32
        %add3A_1073 = arith.addi %add3A_1046, %mul3A_1072 : i32
        %dma_start3A_1074 = arith.constant 0 : i32
        %dma_start3A_1075 = tpu.memref_slice %arg2[%add3A_1073, %dma_start3A_1074] : memref<32768x1024xf32, #tpu.memory_space<hbm>> -> memref<16x1024xf32, #tpu.memory_space<hbm>>
        %dma_start3A_1076 = arith.constant 0 : i32
        %dma_start3A_1077 = tpu.memref_slice %arg2[%add3A_1073, %dma_start3A_1076] : memref<32768x1024xf32, #tpu.memory_space<hbm>> -> memref<16x1024xf32, #tpu.memory_space<hbm>>
        tpu.enqueue_dma source(%dma_start3A_1077 : memref<16x1024xf32, #tpu.memory_space<hbm>>) target(%arg8 : memref<16x1024xf32, #tpu.memory_space<vmem>>) target_semaphore(%arg14 : memref<!tpu.dma_semaphore, #tpu.memory_space<semaphore_mem>>)
      } else {
      }
      %parallel_loop3A_483 = arith.constant 0 : i32
      %parallel_loop3A_484 = arith.constant 1024 : i32
      %parallel_loop3A_485 = arith.constant 1 : i32
      scf.for %parallel_loop3A_1026 = %parallel_loop3A_483 to %parallel_loop3A_484 step %parallel_loop3A_485  : i32 {
        %parallel_loop3A_1027 = arith.constant 64 : i32
        %parallel_loop3A_1028 = arith.divsi %parallel_loop3A_1026, %parallel_loop3A_1027 : i32
        %parallel_loop3A_1029 = arith.constant 0 : i32
        %parallel_loop3A_1030 = arith.cmpi sgt, %parallel_loop3A_1026, %parallel_loop3A_1029 : i32
        %parallel_loop3A_1031 = arith.extui %parallel_loop3A_1030 : i1 to i32
        %parallel_loop3A_1032 = arith.constant 0 : i32
        %parallel_loop3A_1033 = arith.cmpi slt, %parallel_loop3A_1026, %parallel_loop3A_1032 : i32
        %parallel_loop3A_1034 = arith.extui %parallel_loop3A_1033 : i1 to i32
        %parallel_loop3A_1035 = arith.subi %parallel_loop3A_1031, %parallel_loop3A_1034 : i32
        %parallel_loop3A_1036 = arith.constant 0 : i32
        %parallel_loop3A_1037 = arith.cmpi sgt, %parallel_loop3A_1027, %parallel_loop3A_1036 : i32
        %parallel_loop3A_1038 = arith.extui %parallel_loop3A_1037 : i1 to i32
        %parallel_loop3A_1039 = arith.constant 0 : i32
        %parallel_loop3A_1040 = arith.cmpi slt, %parallel_loop3A_1027, %parallel_loop3A_1039 : i32
        %parallel_loop3A_1041 = arith.extui %parallel_loop3A_1040 : i1 to i32
        %parallel_loop3A_1042 = arith.subi %parallel_loop3A_1038, %parallel_loop3A_1041 : i32
        %parallel_loop3A_1043 = arith.cmpi ne, %parallel_loop3A_1035, %parallel_loop3A_1042 : i32
        %parallel_loop3A_1044 = arith.remsi %parallel_loop3A_1026, %parallel_loop3A_1027 : i32
        %parallel_loop3A_1045 = arith.constant 0 : i32
        %parallel_loop3A_1046 = arith.cmpi ne, %parallel_loop3A_1044, %parallel_loop3A_1045 : i32
        %parallel_loop3A_1047 = arith.andi %parallel_loop3A_1043, %parallel_loop3A_1046 : i1
        %parallel_loop3A_1048 = arith.constant 1 : i32
        %parallel_loop3A_1049 = arith.subi %parallel_loop3A_1028, %parallel_loop3A_1048 : i32
        %parallel_loop3A_1050 = arith.select %parallel_loop3A_1047, %parallel_loop3A_1049, %parallel_loop3A_1028 : i32
        %parallel_loop3A_1051 = arith.constant 64 : i32
        %parallel_loop3A_1052 = arith.constant 0 : i32
        %parallel_loop3A_1053 = arith.cmpi eq, %parallel_loop3A_1051, %parallel_loop3A_1052 : i32
        %parallel_loop3A_1054 = arith.constant 1 : i32
        %parallel_loop3A_1055 = arith.select %parallel_loop3A_1053, %parallel_loop3A_1054, %parallel_loop3A_1051 : i32
        %parallel_loop3A_1056 = arith.remsi %parallel_loop3A_1026, %parallel_loop3A_1055 : i32
        %parallel_loop3A_1057 = arith.constant 0 : i32
        %parallel_loop3A_1058 = arith.cmpi ne, %parallel_loop3A_1056, %parallel_loop3A_1057 : i32
        %parallel_loop3A_1059 = arith.constant 0 : i32
        %parallel_loop3A_1060 = arith.cmpi slt, %parallel_loop3A_1056, %parallel_loop3A_1059 : i32
        %parallel_loop3A_1061 = arith.constant 0 : i32
        %parallel_loop3A_1062 = arith.cmpi slt, %parallel_loop3A_1055, %parallel_loop3A_1061 : i32
        %parallel_loop3A_1063 = arith.xori %parallel_loop3A_1060, %parallel_loop3A_1062 : i1
        %parallel_loop3A_1064 = arith.andi %parallel_loop3A_1063, %parallel_loop3A_1058 : i1
        %parallel_loop3A_1065 = arith.addi %parallel_loop3A_1056, %parallel_loop3A_1055 : i32
        %parallel_loop3A_1066 = arith.select %parallel_loop3A_1064, %parallel_loop3A_1065, %parallel_loop3A_1056 : i32
        %parallel_loop3A_1067 = arith.constant 16 : i32
        %parallel_loop3A_1068 = arith.muli %parallel_loop3A_1066, %parallel_loop3A_1067 : i32
        %parallel_loop3A_1069 = arith.constant 16 : i32
        %parallel_loop3A_1070 = arith.muli %parallel_loop3A_1066, %parallel_loop3A_1069 : i32
        %parallel_loop3A_1071 = arith.index_cast %parallel_loop3A_1050 : i32 to index
        %parallel_loop3A_1072 = arith.index_cast %parallel_loop3A_1070 : i32 to index
        %parallel_loop3A_1073 = tpu.vector_load %arg5[%parallel_loop3A_1071, %parallel_loop3A_1072] {strides = array<i32>} : memref<16x1024xf32, #tpu.memory_space<vmem>>, vector<1x16xf32>,
        %parallel_loop3A_1074 = vector.shape_cast %parallel_loop3A_1073 : vector<1x16xf32> to vector<16xf32>
        %parallel_loop3A_1075 = arith.index_cast %parallel_loop3A_1050 : i32 to index
        %parallel_loop3A_1076 = arith.index_cast %parallel_loop3A_1068 : i32 to index
        %parallel_loop3A_1077 = tpu.vector_load %arg10[%parallel_loop3A_1075, %parallel_loop3A_1076] {strides = array<i32>} : memref<16x1024xf32, #tpu.memory_space<vmem>>, vector<1x16xf32>,
        %parallel_loop3A_1078 = vector.shape_cast %parallel_loop3A_1077 : vector<1x16xf32> to vector<16xf32>
        %parallel_loop3A_1079 = vector.shape_cast %parallel_loop3A_1074 : vector<16xf32> to vector<1x16xf32>
        tpu.vector_store %arg10[%parallel_loop3A_1075, %parallel_loop3A_1076], %parallel_loop3A_1079 {add = true, strides = array<i32>} : memref<16x1024xf32, #tpu.memory_space<vmem>>, vector<1x16xf32>,
      } {sc.loop_unroll_factor = 16 : i64, sc.parallel_access}
      %jit3A_486 = arith.constant 4 : i32
      %eq3A_487 = arith.constant 0 : i32
      %eq3A_488 = arith.cmpi eq, %jit3A_486, %eq3A_487 : i32
      %jit3A_489 = arith.constant 1 : i32
      %select_n3A_490 = arith.select %eq3A_488, %jit3A_489, %jit3A_486 : i32
      %rem3A_491 = arith.remsi %add3A_420, %select_n3A_490 : i32
      %ne3A_492 = arith.constant 0 : i32
      %ne3A_493 = arith.cmpi ne, %rem3A_491, %ne3A_492 : i32
      %lt3A_494 = arith.constant 0 : i32
      %lt3A_495 = arith.cmpi slt, %rem3A_491, %lt3A_494 : i32
      %lt3A_496 = arith.constant 0 : i32
      %lt3A_497 = arith.cmpi slt, %select_n3A_490, %lt3A_496 : i32
      %ne3A_498 = arith.xori %lt3A_495, %lt3A_497 : i1
      %and3A_499 = arith.andi %ne3A_498, %ne3A_493 : i1
      %add3A_500 = arith.addi %rem3A_491, %select_n3A_490 : i32
      %select_n3A_501 = arith.select %and3A_499, %add3A_500, %rem3A_491 : i32
      %mul3A_502 = arith.constant 8192 : i32
      %mul3A_503 = arith.muli %select_n3A_501, %mul3A_502 : i32
      %add3A_504 = arith.addi %mul3A_503, %mul3A_2 : i32
      %jit3A_505 = arith.constant 4 : i32
      %div3A_506 = arith.divsi %add3A_420, %jit3A_505 : i32
      %sign3A_507 = arith.constant 0 : i32
      %sign3A_508 = arith.cmpi sgt, %add3A_420, %sign3A_507 : i32
      %sign3A_509 = arith.extui %sign3A_508 : i1 to i32
      %sign3A_510 = arith.constant 0 : i32
      %sign3A_511 = arith.cmpi slt, %add3A_420, %sign3A_510 : i32
      %sign3A_512 = arith.extui %sign3A_511 : i1 to i32
      %sign3A_513 = arith.subi %sign3A_509, %sign3A_512 : i32
      %sign3A_514 = arith.constant 0 : i32
      %sign3A_515 = arith.cmpi sgt, %jit3A_505, %sign3A_514 : i32
      %sign3A_516 = arith.extui %sign3A_515 : i1 to i32
      %sign3A_517 = arith.constant 0 : i32
      %sign3A_518 = arith.cmpi slt, %jit3A_505, %sign3A_517 : i32
      %sign3A_519 = arith.extui %sign3A_518 : i1 to i32
      %sign3A_520 = arith.subi %sign3A_516, %sign3A_519 : i32
      %ne3A_521 = arith.cmpi ne, %sign3A_513, %sign3A_520 : i32
      %rem3A_522 = arith.remsi %add3A_420, %jit3A_505 : i32
      %ne3A_523 = arith.constant 0 : i32
      %ne3A_524 = arith.cmpi ne, %rem3A_522, %ne3A_523 : i32
      %and3A_525 = arith.andi %ne3A_521, %ne3A_524 : i1
      %sub3A_526 = arith.constant 1 : i32
      %sub3A_527 = arith.subi %div3A_506, %sub3A_526 : i32
      %select_n3A_528 = arith.select %and3A_525, %sub3A_527, %div3A_506 : i32
      %mul3A_529 = arith.constant 16 : i32
      %mul3A_530 = arith.muli %select_n3A_528, %mul3A_529 : i32
      %add3A_531 = arith.addi %add3A_504, %mul3A_530 : i32
      %dma_start3A_532 = arith.constant 0 : i32
      %dma_start3A_533 = tpu.memref_slice %arg4[%add3A_531, %dma_start3A_532] : memref<32768x1024xf32, #tpu.memory_space<hbm>> -> memref<16x1024xf32, #tpu.memory_space<hbm>>
      %dma_start3A_534 = arith.constant 0 : i32
      %dma_start3A_535 = tpu.memref_slice %arg4[%add3A_531, %dma_start3A_534] : memref<32768x1024xf32, #tpu.memory_space<hbm>> -> memref<16x1024xf32, #tpu.memory_space<hbm>>
      tpu.enqueue_dma source(%arg10 : memref<16x1024xf32, #tpu.memory_space<vmem>>) target(%dma_start3A_535 : memref<16x1024xf32, #tpu.memory_space<hbm>>) target_semaphore(%arg20 : memref<!tpu.dma_semaphore, #tpu.memory_space<semaphore_mem>>)
      %add3A_536 = arith.constant 2 : i32
      %add3A_537 = arith.addi %mul3A_59, %add3A_536 : i32
      %min3A_538 = arith.constant 15 : i32
      %min3A_539 = arith.minsi %add3A_537, %min3A_538 : i32
      %mul3A_540 = arith.constant 16 : i32
      %mul3A_541 = arith.muli %min3A_539, %mul3A_540 : i32
      %add3A_542 = arith.addi %mul3A_2, %mul3A_541 : i32
      %dma_start3A_543 = arith.constant 0 : i32
      %dma_start3A_544 = tpu.memref_slice %arg3[%add3A_542, %dma_start3A_543] : memref<8192x1024xf32, #tpu.memory_space<hbm>> -> memref<16x1024xf32, #tpu.memory_space<hbm>>
      %dma_start3A_545 = arith.constant 0 : i32
      %dma_start3A_546 = tpu.memref_slice %arg3[%add3A_542, %dma_start3A_545] : memref<8192x1024xf32, #tpu.memory_space<hbm>> -> memref<16x1024xf32, #tpu.memory_space<hbm>>
      tpu.enqueue_dma source(%dma_start3A_546 : memref<16x1024xf32, #tpu.memory_space<hbm>>) target(%arg5 : memref<16x1024xf32, #tpu.memory_space<vmem>>) target_semaphore(%arg11 : memref<!tpu.dma_semaphore, #tpu.memory_space<semaphore_mem>>)
      %add3A_547 = arith.constant 1 : i32
      %add3A_548 = arith.addi %mul3A_59, %add3A_547 : i32
      %min3A_549 = arith.constant 15 : i32
      %min3A_550 = arith.minsi %add3A_548, %min3A_549 : i32
      %mul3A_551 = arith.constant 16 : i32
      %mul3A_552 = arith.muli %min3A_550, %mul3A_551 : i32
      %add3A_553 = arith.addi %mul3A_2, %mul3A_552 : i32
      %dma_wait3A_554 = arith.constant 0 : i32
      %dma_wait3A_555 = tpu.memref_slice %arg3[%add3A_553, %dma_wait3A_554] : memref<8192x1024xf32, #tpu.memory_space<hbm>> -> memref<16x1024xf32, #tpu.memory_space<hbm>>
      %dma_wait3A_556 = arith.constant 0 : i32
      %dma_wait3A_557 = tpu.memref_slice %arg3[%add3A_553, %dma_wait3A_556] : memref<8192x1024xf32, #tpu.memory_space<hbm>> -> memref<16x1024xf32, #tpu.memory_space<hbm>>
      tpu.wait_dma2 semaphore(%arg12 : memref<!tpu.dma_semaphore, #tpu.memory_space<semaphore_mem>>) src(%dma_wait3A_557 : memref<16x1024xf32, #tpu.memory_space<hbm>>) dst(%arg6 : memref<16x1024xf32, #tpu.memory_space<vmem>>)
      %add3A_558 = arith.constant 4 : i32
      %add3A_559 = arith.addi %mul3A_61, %add3A_558 : i32
      %jit3A_560 = arith.constant 4 : i32
      %eq3A_561 = arith.constant 0 : i32
      %eq3A_562 = arith.cmpi eq, %jit3A_560, %eq3A_561 : i32
      %jit3A_563 = arith.constant 1 : i32
      %select_n3A_564 = arith.select %eq3A_562, %jit3A_563, %jit3A_560 : i32
      %rem3A_565 = arith.remsi %add3A_559, %select_n3A_564 : i32
      %ne3A_566 = arith.constant 0 : i32
      %ne3A_567 = arith.cmpi ne, %rem3A_565, %ne3A_566 : i32
      %lt3A_568 = arith.constant 0 : i32
      %lt3A_569 = arith.cmpi slt, %rem3A_565, %lt3A_568 : i32
      %lt3A_570 = arith.constant 0 : i32
      %lt3A_571 = arith.cmpi slt, %select_n3A_564, %lt3A_570 : i32
      %ne3A_572 = arith.xori %lt3A_569, %lt3A_571 : i1
      %and3A_573 = arith.andi %ne3A_572, %ne3A_567 : i1
      %add3A_574 = arith.addi %rem3A_565, %select_n3A_564 : i32
      %select_n3A_575 = arith.select %and3A_573, %add3A_574, %rem3A_565 : i32
      %mul3A_576 = arith.constant 8192 : i32
      %mul3A_577 = arith.muli %select_n3A_575, %mul3A_576 : i32
      %add3A_578 = arith.addi %mul3A_577, %mul3A_2 : i32
      %jit3A_579 = arith.constant 4 : i32
      %div3A_580 = arith.divsi %add3A_559, %jit3A_579 : i32
      %sign3A_581 = arith.constant 0 : i32
      %sign3A_582 = arith.cmpi sgt, %add3A_559, %sign3A_581 : i32
      %sign3A_583 = arith.extui %sign3A_582 : i1 to i32
      %sign3A_584 = arith.constant 0 : i32
      %sign3A_585 = arith.cmpi slt, %add3A_559, %sign3A_584 : i32
      %sign3A_586 = arith.extui %sign3A_585 : i1 to i32
      %sign3A_587 = arith.subi %sign3A_583, %sign3A_586 : i32
      %sign3A_588 = arith.constant 0 : i32
      %sign3A_589 = arith.cmpi sgt, %jit3A_579, %sign3A_588 : i32
      %sign3A_590 = arith.extui %sign3A_589 : i1 to i32
      %sign3A_591 = arith.constant 0 : i32
      %sign3A_592 = arith.cmpi slt, %jit3A_579, %sign3A_591 : i32
      %sign3A_593 = arith.extui %sign3A_592 : i1 to i32
      %sign3A_594 = arith.subi %sign3A_590, %sign3A_593 : i32
      %ne3A_595 = arith.cmpi ne, %sign3A_587, %sign3A_594 : i32
      %rem3A_596 = arith.remsi %add3A_559, %jit3A_579 : i32
      %ne3A_597 = arith.constant 0 : i32
      %ne3A_598 = arith.cmpi ne, %rem3A_596, %ne3A_597 : i32
      %and3A_599 = arith.andi %ne3A_595, %ne3A_598 : i1
      %sub3A_600 = arith.constant 1 : i32
      %sub3A_601 = arith.subi %div3A_580, %sub3A_600 : i32
      %select_n3A_602 = arith.select %and3A_599, %sub3A_601, %div3A_580 : i32
      %mul3A_603 = arith.constant 16 : i32
      %mul3A_604 = arith.muli %select_n3A_602, %mul3A_603 : i32
      %add3A_605 = arith.addi %add3A_578, %mul3A_604 : i32
      %dma_wait3A_606 = arith.constant 0 : i32
      %dma_wait3A_607 = tpu.memref_slice %arg2[%add3A_605, %dma_wait3A_606] : memref<32768x1024xf32, #tpu.memory_space<hbm>> -> memref<16x1024xf32, #tpu.memory_space<hbm>>
      %dma_wait3A_608 = arith.constant 0 : i32
      %dma_wait3A_609 = tpu.memref_slice %arg2[%add3A_605, %dma_wait3A_608] : memref<32768x1024xf32, #tpu.memory_space<hbm>> -> memref<16x1024xf32, #tpu.memory_space<hbm>>
      tpu.wait_dma2 semaphore(%arg13 : memref<!tpu.dma_semaphore, #tpu.memory_space<semaphore_mem>>) src(%dma_wait3A_609 : memref<16x1024xf32, #tpu.memory_space<hbm>>) dst(%arg7 : memref<16x1024xf32, #tpu.memory_space<vmem>>)
      %ge3A_610 = arith.constant 2 : i32
      %ge3A_611 = arith.cmpi sge, %add3A_559, %ge3A_610 : i32
      %convert_element_type3A_612 = arith.extui %ge3A_611 : i1 to i32
      %cond3A_613 = arith.constant 0 : i32
      %cond3A_614 = arith.cmpi ne, %convert_element_type3A_612, %cond3A_613 : i32
      scf.if %cond3A_614 {
        %sub3A_1026 = arith.constant 2 : i32
        %sub3A_1027 = arith.subi %add3A_559, %sub3A_1026 : i32
        %jit3A_1028 = arith.constant 4 : i32
        %eq3A_1029 = arith.constant 0 : i32
        %eq3A_1030 = arith.cmpi eq, %jit3A_1028, %eq3A_1029 : i32
        %jit3A_1031 = arith.constant 1 : i32
        %select_n3A_1032 = arith.select %eq3A_1030, %jit3A_1031, %jit3A_1028 : i32
        %rem3A_1033 = arith.remsi %sub3A_1027, %select_n3A_1032 : i32
        %ne3A_1034 = arith.constant 0 : i32
        %ne3A_1035 = arith.cmpi ne, %rem3A_1033, %ne3A_1034 : i32
        %lt3A_1036 = arith.constant 0 : i32
        %lt3A_1037 = arith.cmpi slt, %rem3A_1033, %lt3A_1036 : i32
        %lt3A_1038 = arith.constant 0 : i32
        %lt3A_1039 = arith.cmpi slt, %select_n3A_1032, %lt3A_1038 : i32
        %ne3A_1040 = arith.xori %lt3A_1037, %lt3A_1039 : i1
        %and3A_1041 = arith.andi %ne3A_1040, %ne3A_1035 : i1
        %add3A_1042 = arith.addi %rem3A_1033, %select_n3A_1032 : i32
        %select_n3A_1043 = arith.select %and3A_1041, %add3A_1042, %rem3A_1033 : i32
        %mul3A_1044 = arith.constant 8192 : i32
        %mul3A_1045 = arith.muli %select_n3A_1043, %mul3A_1044 : i32
        %add3A_1046 = arith.addi %mul3A_1045, %mul3A_2 : i32
        %jit3A_1047 = arith.constant 4 : i32
        %div3A_1048 = arith.divsi %sub3A_1027, %jit3A_1047 : i32
        %sign3A_1049 = arith.constant 0 : i32
        %sign3A_1050 = arith.cmpi sgt, %sub3A_1027, %sign3A_1049 : i32
        %sign3A_1051 = arith.extui %sign3A_1050 : i1 to i32
        %sign3A_1052 = arith.constant 0 : i32
        %sign3A_1053 = arith.cmpi slt, %sub3A_1027, %sign3A_1052 : i32
        %sign3A_1054 = arith.extui %sign3A_1053 : i1 to i32
        %sign3A_1055 = arith.subi %sign3A_1051, %sign3A_1054 : i32
        %sign3A_1056 = arith.constant 0 : i32
        %sign3A_1057 = arith.cmpi sgt, %jit3A_1047, %sign3A_1056 : i32
        %sign3A_1058 = arith.extui %sign3A_1057 : i1 to i32
        %sign3A_1059 = arith.constant 0 : i32
        %sign3A_1060 = arith.cmpi slt, %jit3A_1047, %sign3A_1059 : i32
        %sign3A_1061 = arith.extui %sign3A_1060 : i1 to i32
        %sign3A_1062 = arith.subi %sign3A_1058, %sign3A_1061 : i32
        %ne3A_1063 = arith.cmpi ne, %sign3A_1055, %sign3A_1062 : i32
        %rem3A_1064 = arith.remsi %sub3A_1027, %jit3A_1047 : i32
        %ne3A_1065 = arith.constant 0 : i32
        %ne3A_1066 = arith.cmpi ne, %rem3A_1064, %ne3A_1065 : i32
        %and3A_1067 = arith.andi %ne3A_1063, %ne3A_1066 : i1
        %sub3A_1068 = arith.constant 1 : i32
        %sub3A_1069 = arith.subi %div3A_1048, %sub3A_1068 : i32
        %select_n3A_1070 = arith.select %and3A_1067, %sub3A_1069, %div3A_1048 : i32
        %mul3A_1071 = arith.constant 16 : i32
        %mul3A_1072 = arith.muli %select_n3A_1070, %mul3A_1071 : i32
        %add3A_1073 = arith.addi %add3A_1046, %mul3A_1072 : i32
        %dma_wait3A_1074 = arith.constant 0 : i32
        %dma_wait3A_1075 = tpu.memref_slice %arg4[%add3A_1073, %dma_wait3A_1074] : memref<32768x1024xf32, #tpu.memory_space<hbm>> -> memref<16x1024xf32, #tpu.memory_space<hbm>>
        %dma_wait3A_1076 = arith.constant 0 : i32
        %dma_wait3A_1077 = tpu.memref_slice %arg4[%add3A_1073, %dma_wait3A_1076] : memref<32768x1024xf32, #tpu.memory_space<hbm>> -> memref<16x1024xf32, #tpu.memory_space<hbm>>
        tpu.wait_dma2 semaphore(%arg19 : memref<!tpu.dma_semaphore, #tpu.memory_space<semaphore_mem>>) src(%arg9 : memref<16x1024xf32, #tpu.memory_space<vmem>>) dst(%dma_wait3A_1077 : memref<16x1024xf32, #tpu.memory_space<hbm>>)
      } else {
      }
      %add3A_615 = arith.constant 2 : i32
      %add3A_616 = arith.addi %add3A_559, %add3A_615 : i32
      %lt3A_617 = arith.constant 64 : i32
      %lt3A_618 = arith.cmpi slt, %add3A_616, %lt3A_617 : i32
      %convert_element_type3A_619 = arith.extui %lt3A_618 : i1 to i32
      %cond3A_620 = arith.constant 0 : i32
      %cond3A_621 = arith.cmpi ne, %convert_element_type3A_619, %cond3A_620 : i32
      scf.if %cond3A_621 {
        %add3A_1026 = arith.constant 2 : i32
        %add3A_1027 = arith.addi %add3A_559, %add3A_1026 : i32
        %jit3A_1028 = arith.constant 4 : i32
        %eq3A_1029 = arith.constant 0 : i32
        %eq3A_1030 = arith.cmpi eq, %jit3A_1028, %eq3A_1029 : i32
        %jit3A_1031 = arith.constant 1 : i32
        %select_n3A_1032 = arith.select %eq3A_1030, %jit3A_1031, %jit3A_1028 : i32
        %rem3A_1033 = arith.remsi %add3A_1027, %select_n3A_1032 : i32
        %ne3A_1034 = arith.constant 0 : i32
        %ne3A_1035 = arith.cmpi ne, %rem3A_1033, %ne3A_1034 : i32
        %lt3A_1036 = arith.constant 0 : i32
        %lt3A_1037 = arith.cmpi slt, %rem3A_1033, %lt3A_1036 : i32
        %lt3A_1038 = arith.constant 0 : i32
        %lt3A_1039 = arith.cmpi slt, %select_n3A_1032, %lt3A_1038 : i32
        %ne3A_1040 = arith.xori %lt3A_1037, %lt3A_1039 : i1
        %and3A_1041 = arith.andi %ne3A_1040, %ne3A_1035 : i1
        %add3A_1042 = arith.addi %rem3A_1033, %select_n3A_1032 : i32
        %select_n3A_1043 = arith.select %and3A_1041, %add3A_1042, %rem3A_1033 : i32
        %mul3A_1044 = arith.constant 8192 : i32
        %mul3A_1045 = arith.muli %select_n3A_1043, %mul3A_1044 : i32
        %add3A_1046 = arith.addi %mul3A_1045, %mul3A_2 : i32
        %jit3A_1047 = arith.constant 4 : i32
        %div3A_1048 = arith.divsi %add3A_1027, %jit3A_1047 : i32
        %sign3A_1049 = arith.constant 0 : i32
        %sign3A_1050 = arith.cmpi sgt, %add3A_1027, %sign3A_1049 : i32
        %sign3A_1051 = arith.extui %sign3A_1050 : i1 to i32
        %sign3A_1052 = arith.constant 0 : i32
        %sign3A_1053 = arith.cmpi slt, %add3A_1027, %sign3A_1052 : i32
        %sign3A_1054 = arith.extui %sign3A_1053 : i1 to i32
        %sign3A_1055 = arith.subi %sign3A_1051, %sign3A_1054 : i32
        %sign3A_1056 = arith.constant 0 : i32
        %sign3A_1057 = arith.cmpi sgt, %jit3A_1047, %sign3A_1056 : i32
        %sign3A_1058 = arith.extui %sign3A_1057 : i1 to i32
        %sign3A_1059 = arith.constant 0 : i32
        %sign3A_1060 = arith.cmpi slt, %jit3A_1047, %sign3A_1059 : i32
        %sign3A_1061 = arith.extui %sign3A_1060 : i1 to i32
        %sign3A_1062 = arith.subi %sign3A_1058, %sign3A_1061 : i32
        %ne3A_1063 = arith.cmpi ne, %sign3A_1055, %sign3A_1062 : i32
        %rem3A_1064 = arith.remsi %add3A_1027, %jit3A_1047 : i32
        %ne3A_1065 = arith.constant 0 : i32
        %ne3A_1066 = arith.cmpi ne, %rem3A_1064, %ne3A_1065 : i32
        %and3A_1067 = arith.andi %ne3A_1063, %ne3A_1066 : i1
        %sub3A_1068 = arith.constant 1 : i32
        %sub3A_1069 = arith.subi %div3A_1048, %sub3A_1068 : i32
        %select_n3A_1070 = arith.select %and3A_1067, %sub3A_1069, %div3A_1048 : i32
        %mul3A_1071 = arith.constant 16 : i32
        %mul3A_1072 = arith.muli %select_n3A_1070, %mul3A_1071 : i32
        %add3A_1073 = arith.addi %add3A_1046, %mul3A_1072 : i32
        %dma_start3A_1074 = arith.constant 0 : i32
        %dma_start3A_1075 = tpu.memref_slice %arg2[%add3A_1073, %dma_start3A_1074] : memref<32768x1024xf32, #tpu.memory_space<hbm>> -> memref<16x1024xf32, #tpu.memory_space<hbm>>
        %dma_start3A_1076 = arith.constant 0 : i32
        %dma_start3A_1077 = tpu.memref_slice %arg2[%add3A_1073, %dma_start3A_1076] : memref<32768x1024xf32, #tpu.memory_space<hbm>> -> memref<16x1024xf32, #tpu.memory_space<hbm>>
        tpu.enqueue_dma source(%dma_start3A_1077 : memref<16x1024xf32, #tpu.memory_space<hbm>>) target(%arg9 : memref<16x1024xf32, #tpu.memory_space<vmem>>) target_semaphore(%arg15 : memref<!tpu.dma_semaphore, #tpu.memory_space<semaphore_mem>>)
      } else {
      }
      %parallel_loop3A_622 = arith.constant 0 : i32
      %parallel_loop3A_623 = arith.constant 1024 : i32
      %parallel_loop3A_624 = arith.constant 1 : i32
      scf.for %parallel_loop3A_1026 = %parallel_loop3A_622 to %parallel_loop3A_623 step %parallel_loop3A_624  : i32 {
        %parallel_loop3A_1027 = arith.constant 64 : i32
        %parallel_loop3A_1028 = arith.divsi %parallel_loop3A_1026, %parallel_loop3A_1027 : i32
        %parallel_loop3A_1029 = arith.constant 0 : i32
        %parallel_loop3A_1030 = arith.cmpi sgt, %parallel_loop3A_1026, %parallel_loop3A_1029 : i32
        %parallel_loop3A_1031 = arith.extui %parallel_loop3A_1030 : i1 to i32
        %parallel_loop3A_1032 = arith.constant 0 : i32
        %parallel_loop3A_1033 = arith.cmpi slt, %parallel_loop3A_1026, %parallel_loop3A_1032 : i32
        %parallel_loop3A_1034 = arith.extui %parallel_loop3A_1033 : i1 to i32
        %parallel_loop3A_1035 = arith.subi %parallel_loop3A_1031, %parallel_loop3A_1034 : i32
        %parallel_loop3A_1036 = arith.constant 0 : i32
        %parallel_loop3A_1037 = arith.cmpi sgt, %parallel_loop3A_1027, %parallel_loop3A_1036 : i32
        %parallel_loop3A_1038 = arith.extui %parallel_loop3A_1037 : i1 to i32
        %parallel_loop3A_1039 = arith.constant 0 : i32
        %parallel_loop3A_1040 = arith.cmpi slt, %parallel_loop3A_1027, %parallel_loop3A_1039 : i32
        %parallel_loop3A_1041 = arith.extui %parallel_loop3A_1040 : i1 to i32
        %parallel_loop3A_1042 = arith.subi %parallel_loop3A_1038, %parallel_loop3A_1041 : i32
        %parallel_loop3A_1043 = arith.cmpi ne, %parallel_loop3A_1035, %parallel_loop3A_1042 : i32
        %parallel_loop3A_1044 = arith.remsi %parallel_loop3A_1026, %parallel_loop3A_1027 : i32
        %parallel_loop3A_1045 = arith.constant 0 : i32
        %parallel_loop3A_1046 = arith.cmpi ne, %parallel_loop3A_1044, %parallel_loop3A_1045 : i32
        %parallel_loop3A_1047 = arith.andi %parallel_loop3A_1043, %parallel_loop3A_1046 : i1
        %parallel_loop3A_1048 = arith.constant 1 : i32
        %parallel_loop3A_1049 = arith.subi %parallel_loop3A_1028, %parallel_loop3A_1048 : i32
        %parallel_loop3A_1050 = arith.select %parallel_loop3A_1047, %parallel_loop3A_1049, %parallel_loop3A_1028 : i32
        %parallel_loop3A_1051 = arith.constant 64 : i32
        %parallel_loop3A_1052 = arith.constant 0 : i32
        %parallel_loop3A_1053 = arith.cmpi eq, %parallel_loop3A_1051, %parallel_loop3A_1052 : i32
        %parallel_loop3A_1054 = arith.constant 1 : i32
        %parallel_loop3A_1055 = arith.select %parallel_loop3A_1053, %parallel_loop3A_1054, %parallel_loop3A_1051 : i32
        %parallel_loop3A_1056 = arith.remsi %parallel_loop3A_1026, %parallel_loop3A_1055 : i32
        %parallel_loop3A_1057 = arith.constant 0 : i32
        %parallel_loop3A_1058 = arith.cmpi ne, %parallel_loop3A_1056, %parallel_loop3A_1057 : i32
        %parallel_loop3A_1059 = arith.constant 0 : i32
        %parallel_loop3A_1060 = arith.cmpi slt, %parallel_loop3A_1056, %parallel_loop3A_1059 : i32
        %parallel_loop3A_1061 = arith.constant 0 : i32
        %parallel_loop3A_1062 = arith.cmpi slt, %parallel_loop3A_1055, %parallel_loop3A_1061 : i32
        %parallel_loop3A_1063 = arith.xori %parallel_loop3A_1060, %parallel_loop3A_1062 : i1
        %parallel_loop3A_1064 = arith.andi %parallel_loop3A_1063, %parallel_loop3A_1058 : i1
        %parallel_loop3A_1065 = arith.addi %parallel_loop3A_1056, %parallel_loop3A_1055 : i32
        %parallel_loop3A_1066 = arith.select %parallel_loop3A_1064, %parallel_loop3A_1065, %parallel_loop3A_1056 : i32
        %parallel_loop3A_1067 = arith.constant 16 : i32
        %parallel_loop3A_1068 = arith.muli %parallel_loop3A_1066, %parallel_loop3A_1067 : i32
        %parallel_loop3A_1069 = arith.constant 16 : i32
        %parallel_loop3A_1070 = arith.muli %parallel_loop3A_1066, %parallel_loop3A_1069 : i32
        %parallel_loop3A_1071 = arith.index_cast %parallel_loop3A_1050 : i32 to index
        %parallel_loop3A_1072 = arith.index_cast %parallel_loop3A_1070 : i32 to index
        %parallel_loop3A_1073 = tpu.vector_load %arg6[%parallel_loop3A_1071, %parallel_loop3A_1072] {strides = array<i32>} : memref<16x1024xf32, #tpu.memory_space<vmem>>, vector<1x16xf32>,
        %parallel_loop3A_1074 = vector.shape_cast %parallel_loop3A_1073 : vector<1x16xf32> to vector<16xf32>
        %parallel_loop3A_1075 = arith.index_cast %parallel_loop3A_1050 : i32 to index
        %parallel_loop3A_1076 = arith.index_cast %parallel_loop3A_1068 : i32 to index
        %parallel_loop3A_1077 = tpu.vector_load %arg7[%parallel_loop3A_1075, %parallel_loop3A_1076] {strides = array<i32>} : memref<16x1024xf32, #tpu.memory_space<vmem>>, vector<1x16xf32>,
        %parallel_loop3A_1078 = vector.shape_cast %parallel_loop3A_1077 : vector<1x16xf32> to vector<16xf32>
        %parallel_loop3A_1079 = vector.shape_cast %parallel_loop3A_1074 : vector<16xf32> to vector<1x16xf32>
        tpu.vector_store %arg7[%parallel_loop3A_1075, %parallel_loop3A_1076], %parallel_loop3A_1079 {add = true, strides = array<i32>} : memref<16x1024xf32, #tpu.memory_space<vmem>>, vector<1x16xf32>,
      } {sc.loop_unroll_factor = 16 : i64, sc.parallel_access}
      %jit3A_625 = arith.constant 4 : i32
      %eq3A_626 = arith.constant 0 : i32
      %eq3A_627 = arith.cmpi eq, %jit3A_625, %eq3A_626 : i32
      %jit3A_628 = arith.constant 1 : i32
      %select_n3A_629 = arith.select %eq3A_627, %jit3A_628, %jit3A_625 : i32
      %rem3A_630 = arith.remsi %add3A_559, %select_n3A_629 : i32
      %ne3A_631 = arith.constant 0 : i32
      %ne3A_632 = arith.cmpi ne, %rem3A_630, %ne3A_631 : i32
      %lt3A_633 = arith.constant 0 : i32
      %lt3A_634 = arith.cmpi slt, %rem3A_630, %lt3A_633 : i32
      %lt3A_635 = arith.constant 0 : i32
      %lt3A_636 = arith.cmpi slt, %select_n3A_629, %lt3A_635 : i32
      %ne3A_637 = arith.xori %lt3A_634, %lt3A_636 : i1
      %and3A_638 = arith.andi %ne3A_637, %ne3A_632 : i1
      %add3A_639 = arith.addi %rem3A_630, %select_n3A_629 : i32
      %select_n3A_640 = arith.select %and3A_638, %add3A_639, %rem3A_630 : i32
      %mul3A_641 = arith.constant 8192 : i32
      %mul3A_642 = arith.muli %select_n3A_640, %mul3A_641 : i32
      %add3A_643 = arith.addi %mul3A_642, %mul3A_2 : i32
      %jit3A_644 = arith.constant 4 : i32
      %div3A_645 = arith.divsi %add3A_559, %jit3A_644 : i32
      %sign3A_646 = arith.constant 0 : i32
      %sign3A_647 = arith.cmpi sgt, %add3A_559, %sign3A_646 : i32
      %sign3A_648 = arith.extui %sign3A_647 : i1 to i32
      %sign3A_649 = arith.constant 0 : i32
      %sign3A_650 = arith.cmpi slt, %add3A_559, %sign3A_649 : i32
      %sign3A_651 = arith.extui %sign3A_650 : i1 to i32
      %sign3A_652 = arith.subi %sign3A_648, %sign3A_651 : i32
      %sign3A_653 = arith.constant 0 : i32
      %sign3A_654 = arith.cmpi sgt, %jit3A_644, %sign3A_653 : i32
      %sign3A_655 = arith.extui %sign3A_654 : i1 to i32
      %sign3A_656 = arith.constant 0 : i32
      %sign3A_657 = arith.cmpi slt, %jit3A_644, %sign3A_656 : i32
      %sign3A_658 = arith.extui %sign3A_657 : i1 to i32
      %sign3A_659 = arith.subi %sign3A_655, %sign3A_658 : i32
      %ne3A_660 = arith.cmpi ne, %sign3A_652, %sign3A_659 : i32
      %rem3A_661 = arith.remsi %add3A_559, %jit3A_644 : i32
      %ne3A_662 = arith.constant 0 : i32
      %ne3A_663 = arith.cmpi ne, %rem3A_661, %ne3A_662 : i32
      %and3A_664 = arith.andi %ne3A_660, %ne3A_663 : i1
      %sub3A_665 = arith.constant 1 : i32
      %sub3A_666 = arith.subi %div3A_645, %sub3A_665 : i32
      %select_n3A_667 = arith.select %and3A_664, %sub3A_666, %div3A_645 : i32
      %mul3A_668 = arith.constant 16 : i32
      %mul3A_669 = arith.muli %select_n3A_667, %mul3A_668 : i32
      %add3A_670 = arith.addi %add3A_643, %mul3A_669 : i32
      %dma_start3A_671 = arith.constant 0 : i32
      %dma_start3A_672 = tpu.memref_slice %arg4[%add3A_670, %dma_start3A_671] : memref<32768x1024xf32, #tpu.memory_space<hbm>> -> memref<16x1024xf32, #tpu.memory_space<hbm>>
      %dma_start3A_673 = arith.constant 0 : i32
      %dma_start3A_674 = tpu.memref_slice %arg4[%add3A_670, %dma_start3A_673] : memref<32768x1024xf32, #tpu.memory_space<hbm>> -> memref<16x1024xf32, #tpu.memory_space<hbm>>
      tpu.enqueue_dma source(%arg7 : memref<16x1024xf32, #tpu.memory_space<vmem>>) target(%dma_start3A_674 : memref<16x1024xf32, #tpu.memory_space<hbm>>) target_semaphore(%arg17 : memref<!tpu.dma_semaphore, #tpu.memory_space<semaphore_mem>>)
      %add3A_675 = arith.constant 5 : i32
      %add3A_676 = arith.addi %mul3A_61, %add3A_675 : i32
      %jit3A_677 = arith.constant 4 : i32
      %eq3A_678 = arith.constant 0 : i32
      %eq3A_679 = arith.cmpi eq, %jit3A_677, %eq3A_678 : i32
      %jit3A_680 = arith.constant 1 : i32
      %select_n3A_681 = arith.select %eq3A_679, %jit3A_680, %jit3A_677 : i32
      %rem3A_682 = arith.remsi %add3A_676, %select_n3A_681 : i32
      %ne3A_683 = arith.constant 0 : i32
      %ne3A_684 = arith.cmpi ne, %rem3A_682, %ne3A_683 : i32
      %lt3A_685 = arith.constant 0 : i32
      %lt3A_686 = arith.cmpi slt, %rem3A_682, %lt3A_685 : i32
      %lt3A_687 = arith.constant 0 : i32
      %lt3A_688 = arith.cmpi slt, %select_n3A_681, %lt3A_687 : i32
      %ne3A_689 = arith.xori %lt3A_686, %lt3A_688 : i1
      %and3A_690 = arith.andi %ne3A_689, %ne3A_684 : i1
      %add3A_691 = arith.addi %rem3A_682, %select_n3A_681 : i32
      %select_n3A_692 = arith.select %and3A_690, %add3A_691, %rem3A_682 : i32
      %mul3A_693 = arith.constant 8192 : i32
      %mul3A_694 = arith.muli %select_n3A_692, %mul3A_693 : i32
      %add3A_695 = arith.addi %mul3A_694, %mul3A_2 : i32
      %jit3A_696 = arith.constant 4 : i32
      %div3A_697 = arith.divsi %add3A_676, %jit3A_696 : i32
      %sign3A_698 = arith.constant 0 : i32
      %sign3A_699 = arith.cmpi sgt, %add3A_676, %sign3A_698 : i32
      %sign3A_700 = arith.extui %sign3A_699 : i1 to i32
      %sign3A_701 = arith.constant 0 : i32
      %sign3A_702 = arith.cmpi slt, %add3A_676, %sign3A_701 : i32
      %sign3A_703 = arith.extui %sign3A_702 : i1 to i32
      %sign3A_704 = arith.subi %sign3A_700, %sign3A_703 : i32
      %sign3A_705 = arith.constant 0 : i32
      %sign3A_706 = arith.cmpi sgt, %jit3A_696, %sign3A_705 : i32
      %sign3A_707 = arith.extui %sign3A_706 : i1 to i32
      %sign3A_708 = arith.constant 0 : i32
      %sign3A_709 = arith.cmpi slt, %jit3A_696, %sign3A_708 : i32
      %sign3A_710 = arith.extui %sign3A_709 : i1 to i32
      %sign3A_711 = arith.subi %sign3A_707, %sign3A_710 : i32
      %ne3A_712 = arith.cmpi ne, %sign3A_704, %sign3A_711 : i32
      %rem3A_713 = arith.remsi %add3A_676, %jit3A_696 : i32
      %ne3A_714 = arith.constant 0 : i32
      %ne3A_715 = arith.cmpi ne, %rem3A_713, %ne3A_714 : i32
      %and3A_716 = arith.andi %ne3A_712, %ne3A_715 : i1
      %sub3A_717 = arith.constant 1 : i32
      %sub3A_718 = arith.subi %div3A_697, %sub3A_717 : i32
      %select_n3A_719 = arith.select %and3A_716, %sub3A_718, %div3A_697 : i32
      %mul3A_720 = arith.constant 16 : i32
      %mul3A_721 = arith.muli %select_n3A_719, %mul3A_720 : i32
      %add3A_722 = arith.addi %add3A_695, %mul3A_721 : i32
      %dma_wait3A_723 = arith.constant 0 : i32
      %dma_wait3A_724 = tpu.memref_slice %arg2[%add3A_722, %dma_wait3A_723] : memref<32768x1024xf32, #tpu.memory_space<hbm>> -> memref<16x1024xf32, #tpu.memory_space<hbm>>
      %dma_wait3A_725 = arith.constant 0 : i32
      %dma_wait3A_726 = tpu.memref_slice %arg2[%add3A_722, %dma_wait3A_725] : memref<32768x1024xf32, #tpu.memory_space<hbm>> -> memref<16x1024xf32, #tpu.memory_space<hbm>>
      tpu.wait_dma2 semaphore(%arg14 : memref<!tpu.dma_semaphore, #tpu.memory_space<semaphore_mem>>) src(%dma_wait3A_726 : memref<16x1024xf32, #tpu.memory_space<hbm>>) dst(%arg8 : memref<16x1024xf32, #tpu.memory_space<vmem>>)
      %ge3A_727 = arith.constant 2 : i32
      %ge3A_728 = arith.cmpi sge, %add3A_676, %ge3A_727 : i32
      %convert_element_type3A_729 = arith.extui %ge3A_728 : i1 to i32
      %cond3A_730 = arith.constant 0 : i32
      %cond3A_731 = arith.cmpi ne, %convert_element_type3A_729, %cond3A_730 : i32
      scf.if %cond3A_731 {
        %sub3A_1026 = arith.constant 2 : i32
        %sub3A_1027 = arith.subi %add3A_676, %sub3A_1026 : i32
        %jit3A_1028 = arith.constant 4 : i32
        %eq3A_1029 = arith.constant 0 : i32
        %eq3A_1030 = arith.cmpi eq, %jit3A_1028, %eq3A_1029 : i32
        %jit3A_1031 = arith.constant 1 : i32
        %select_n3A_1032 = arith.select %eq3A_1030, %jit3A_1031, %jit3A_1028 : i32
        %rem3A_1033 = arith.remsi %sub3A_1027, %select_n3A_1032 : i32
        %ne3A_1034 = arith.constant 0 : i32
        %ne3A_1035 = arith.cmpi ne, %rem3A_1033, %ne3A_1034 : i32
        %lt3A_1036 = arith.constant 0 : i32
        %lt3A_1037 = arith.cmpi slt, %rem3A_1033, %lt3A_1036 : i32
        %lt3A_1038 = arith.constant 0 : i32
        %lt3A_1039 = arith.cmpi slt, %select_n3A_1032, %lt3A_1038 : i32
        %ne3A_1040 = arith.xori %lt3A_1037, %lt3A_1039 : i1
        %and3A_1041 = arith.andi %ne3A_1040, %ne3A_1035 : i1
        %add3A_1042 = arith.addi %rem3A_1033, %select_n3A_1032 : i32
        %select_n3A_1043 = arith.select %and3A_1041, %add3A_1042, %rem3A_1033 : i32
        %mul3A_1044 = arith.constant 8192 : i32
        %mul3A_1045 = arith.muli %select_n3A_1043, %mul3A_1044 : i32
        %add3A_1046 = arith.addi %mul3A_1045, %mul3A_2 : i32
        %jit3A_1047 = arith.constant 4 : i32
        %div3A_1048 = arith.divsi %sub3A_1027, %jit3A_1047 : i32
        %sign3A_1049 = arith.constant 0 : i32
        %sign3A_1050 = arith.cmpi sgt, %sub3A_1027, %sign3A_1049 : i32
        %sign3A_1051 = arith.extui %sign3A_1050 : i1 to i32
        %sign3A_1052 = arith.constant 0 : i32
        %sign3A_1053 = arith.cmpi slt, %sub3A_1027, %sign3A_1052 : i32
        %sign3A_1054 = arith.extui %sign3A_1053 : i1 to i32
        %sign3A_1055 = arith.subi %sign3A_1051, %sign3A_1054 : i32
        %sign3A_1056 = arith.constant 0 : i32
        %sign3A_1057 = arith.cmpi sgt, %jit3A_1047, %sign3A_1056 : i32
        %sign3A_1058 = arith.extui %sign3A_1057 : i1 to i32
        %sign3A_1059 = arith.constant 0 : i32
        %sign3A_1060 = arith.cmpi slt, %jit3A_1047, %sign3A_1059 : i32
        %sign3A_1061 = arith.extui %sign3A_1060 : i1 to i32
        %sign3A_1062 = arith.subi %sign3A_1058, %sign3A_1061 : i32
        %ne3A_1063 = arith.cmpi ne, %sign3A_1055, %sign3A_1062 : i32
        %rem3A_1064 = arith.remsi %sub3A_1027, %jit3A_1047 : i32
        %ne3A_1065 = arith.constant 0 : i32
        %ne3A_1066 = arith.cmpi ne, %rem3A_1064, %ne3A_1065 : i32
        %and3A_1067 = arith.andi %ne3A_1063, %ne3A_1066 : i1
        %sub3A_1068 = arith.constant 1 : i32
        %sub3A_1069 = arith.subi %div3A_1048, %sub3A_1068 : i32
        %select_n3A_1070 = arith.select %and3A_1067, %sub3A_1069, %div3A_1048 : i32
        %mul3A_1071 = arith.constant 16 : i32
        %mul3A_1072 = arith.muli %select_n3A_1070, %mul3A_1071 : i32
        %add3A_1073 = arith.addi %add3A_1046, %mul3A_1072 : i32
        %dma_wait3A_1074 = arith.constant 0 : i32
        %dma_wait3A_1075 = tpu.memref_slice %arg4[%add3A_1073, %dma_wait3A_1074] : memref<32768x1024xf32, #tpu.memory_space<hbm>> -> memref<16x1024xf32, #tpu.memory_space<hbm>>
        %dma_wait3A_1076 = arith.constant 0 : i32
        %dma_wait3A_1077 = tpu.memref_slice %arg4[%add3A_1073, %dma_wait3A_1076] : memref<32768x1024xf32, #tpu.memory_space<hbm>> -> memref<16x1024xf32, #tpu.memory_space<hbm>>
        tpu.wait_dma2 semaphore(%arg20 : memref<!tpu.dma_semaphore, #tpu.memory_space<semaphore_mem>>) src(%arg10 : memref<16x1024xf32, #tpu.memory_space<vmem>>) dst(%dma_wait3A_1077 : memref<16x1024xf32, #tpu.memory_space<hbm>>)
      } else {
      }
      %add3A_732 = arith.constant 2 : i32
      %add3A_733 = arith.addi %add3A_676, %add3A_732 : i32
      %lt3A_734 = arith.constant 64 : i32
      %lt3A_735 = arith.cmpi slt, %add3A_733, %lt3A_734 : i32
      %convert_element_type3A_736 = arith.extui %lt3A_735 : i1 to i32
      %cond3A_737 = arith.constant 0 : i32
      %cond3A_738 = arith.cmpi ne, %convert_element_type3A_736, %cond3A_737 : i32
      scf.if %cond3A_738 {
        %add3A_1026 = arith.constant 2 : i32
        %add3A_1027 = arith.addi %add3A_676, %add3A_1026 : i32
        %jit3A_1028 = arith.constant 4 : i32
        %eq3A_1029 = arith.constant 0 : i32
        %eq3A_1030 = arith.cmpi eq, %jit3A_1028, %eq3A_1029 : i32
        %jit3A_1031 = arith.constant 1 : i32
        %select_n3A_1032 = arith.select %eq3A_1030, %jit3A_1031, %jit3A_1028 : i32
        %rem3A_1033 = arith.remsi %add3A_1027, %select_n3A_1032 : i32
        %ne3A_1034 = arith.constant 0 : i32
        %ne3A_1035 = arith.cmpi ne, %rem3A_1033, %ne3A_1034 : i32
        %lt3A_1036 = arith.constant 0 : i32
        %lt3A_1037 = arith.cmpi slt, %rem3A_1033, %lt3A_1036 : i32
        %lt3A_1038 = arith.constant 0 : i32
        %lt3A_1039 = arith.cmpi slt, %select_n3A_1032, %lt3A_1038 : i32
        %ne3A_1040 = arith.xori %lt3A_1037, %lt3A_1039 : i1
        %and3A_1041 = arith.andi %ne3A_1040, %ne3A_1035 : i1
        %add3A_1042 = arith.addi %rem3A_1033, %select_n3A_1032 : i32
        %select_n3A_1043 = arith.select %and3A_1041, %add3A_1042, %rem3A_1033 : i32
        %mul3A_1044 = arith.constant 8192 : i32
        %mul3A_1045 = arith.muli %select_n3A_1043, %mul3A_1044 : i32
        %add3A_1046 = arith.addi %mul3A_1045, %mul3A_2 : i32
        %jit3A_1047 = arith.constant 4 : i32
        %div3A_1048 = arith.divsi %add3A_1027, %jit3A_1047 : i32
        %sign3A_1049 = arith.constant 0 : i32
        %sign3A_1050 = arith.cmpi sgt, %add3A_1027, %sign3A_1049 : i32
        %sign3A_1051 = arith.extui %sign3A_1050 : i1 to i32
        %sign3A_1052 = arith.constant 0 : i32
        %sign3A_1053 = arith.cmpi slt, %add3A_1027, %sign3A_1052 : i32
        %sign3A_1054 = arith.extui %sign3A_1053 : i1 to i32
        %sign3A_1055 = arith.subi %sign3A_1051, %sign3A_1054 : i32
        %sign3A_1056 = arith.constant 0 : i32
        %sign3A_1057 = arith.cmpi sgt, %jit3A_1047, %sign3A_1056 : i32
        %sign3A_1058 = arith.extui %sign3A_1057 : i1 to i32
        %sign3A_1059 = arith.constant 0 : i32
        %sign3A_1060 = arith.cmpi slt, %jit3A_1047, %sign3A_1059 : i32
        %sign3A_1061 = arith.extui %sign3A_1060 : i1 to i32
        %sign3A_1062 = arith.subi %sign3A_1058, %sign3A_1061 : i32
        %ne3A_1063 = arith.cmpi ne, %sign3A_1055, %sign3A_1062 : i32
        %rem3A_1064 = arith.remsi %add3A_1027, %jit3A_1047 : i32
        %ne3A_1065 = arith.constant 0 : i32
        %ne3A_1066 = arith.cmpi ne, %rem3A_1064, %ne3A_1065 : i32
        %and3A_1067 = arith.andi %ne3A_1063, %ne3A_1066 : i1
        %sub3A_1068 = arith.constant 1 : i32
        %sub3A_1069 = arith.subi %div3A_1048, %sub3A_1068 : i32
        %select_n3A_1070 = arith.select %and3A_1067, %sub3A_1069, %div3A_1048 : i32
        %mul3A_1071 = arith.constant 16 : i32
        %mul3A_1072 = arith.muli %select_n3A_1070, %mul3A_1071 : i32
        %add3A_1073 = arith.addi %add3A_1046, %mul3A_1072 : i32
        %dma_start3A_1074 = arith.constant 0 : i32
        %dma_start3A_1075 = tpu.memref_slice %arg2[%add3A_1073, %dma_start3A_1074] : memref<32768x1024xf32, #tpu.memory_space<hbm>> -> memref<16x1024xf32, #tpu.memory_space<hbm>>
        %dma_start3A_1076 = arith.constant 0 : i32
        %dma_start3A_1077 = tpu.memref_slice %arg2[%add3A_1073, %dma_start3A_1076] : memref<32768x1024xf32, #tpu.memory_space<hbm>> -> memref<16x1024xf32, #tpu.memory_space<hbm>>
        tpu.enqueue_dma source(%dma_start3A_1077 : memref<16x1024xf32, #tpu.memory_space<hbm>>) target(%arg10 : memref<16x1024xf32, #tpu.memory_space<vmem>>) target_semaphore(%arg16 : memref<!tpu.dma_semaphore, #tpu.memory_space<semaphore_mem>>)
      } else {
      }
      %parallel_loop3A_739 = arith.constant 0 : i32
      %parallel_loop3A_740 = arith.constant 1024 : i32
      %parallel_loop3A_741 = arith.constant 1 : i32
      scf.for %parallel_loop3A_1026 = %parallel_loop3A_739 to %parallel_loop3A_740 step %parallel_loop3A_741  : i32 {
        %parallel_loop3A_1027 = arith.constant 64 : i32
        %parallel_loop3A_1028 = arith.divsi %parallel_loop3A_1026, %parallel_loop3A_1027 : i32
        %parallel_loop3A_1029 = arith.constant 0 : i32
        %parallel_loop3A_1030 = arith.cmpi sgt, %parallel_loop3A_1026, %parallel_loop3A_1029 : i32
        %parallel_loop3A_1031 = arith.extui %parallel_loop3A_1030 : i1 to i32
        %parallel_loop3A_1032 = arith.constant 0 : i32
        %parallel_loop3A_1033 = arith.cmpi slt, %parallel_loop3A_1026, %parallel_loop3A_1032 : i32
        %parallel_loop3A_1034 = arith.extui %parallel_loop3A_1033 : i1 to i32
        %parallel_loop3A_1035 = arith.subi %parallel_loop3A_1031, %parallel_loop3A_1034 : i32
        %parallel_loop3A_1036 = arith.constant 0 : i32
        %parallel_loop3A_1037 = arith.cmpi sgt, %parallel_loop3A_1027, %parallel_loop3A_1036 : i32
        %parallel_loop3A_1038 = arith.extui %parallel_loop3A_1037 : i1 to i32
        %parallel_loop3A_1039 = arith.constant 0 : i32
        %parallel_loop3A_1040 = arith.cmpi slt, %parallel_loop3A_1027, %parallel_loop3A_1039 : i32
        %parallel_loop3A_1041 = arith.extui %parallel_loop3A_1040 : i1 to i32
        %parallel_loop3A_1042 = arith.subi %parallel_loop3A_1038, %parallel_loop3A_1041 : i32
        %parallel_loop3A_1043 = arith.cmpi ne, %parallel_loop3A_1035, %parallel_loop3A_1042 : i32
        %parallel_loop3A_1044 = arith.remsi %parallel_loop3A_1026, %parallel_loop3A_1027 : i32
        %parallel_loop3A_1045 = arith.constant 0 : i32
        %parallel_loop3A_1046 = arith.cmpi ne, %parallel_loop3A_1044, %parallel_loop3A_1045 : i32
        %parallel_loop3A_1047 = arith.andi %parallel_loop3A_1043, %parallel_loop3A_1046 : i1
        %parallel_loop3A_1048 = arith.constant 1 : i32
        %parallel_loop3A_1049 = arith.subi %parallel_loop3A_1028, %parallel_loop3A_1048 : i32
        %parallel_loop3A_1050 = arith.select %parallel_loop3A_1047, %parallel_loop3A_1049, %parallel_loop3A_1028 : i32
        %parallel_loop3A_1051 = arith.constant 64 : i32
        %parallel_loop3A_1052 = arith.constant 0 : i32
        %parallel_loop3A_1053 = arith.cmpi eq, %parallel_loop3A_1051, %parallel_loop3A_1052 : i32
        %parallel_loop3A_1054 = arith.constant 1 : i32
        %parallel_loop3A_1055 = arith.select %parallel_loop3A_1053, %parallel_loop3A_1054, %parallel_loop3A_1051 : i32
        %parallel_loop3A_1056 = arith.remsi %parallel_loop3A_1026, %parallel_loop3A_1055 : i32
        %parallel_loop3A_1057 = arith.constant 0 : i32
        %parallel_loop3A_1058 = arith.cmpi ne, %parallel_loop3A_1056, %parallel_loop3A_1057 : i32
        %parallel_loop3A_1059 = arith.constant 0 : i32
        %parallel_loop3A_1060 = arith.cmpi slt, %parallel_loop3A_1056, %parallel_loop3A_1059 : i32
        %parallel_loop3A_1061 = arith.constant 0 : i32
        %parallel_loop3A_1062 = arith.cmpi slt, %parallel_loop3A_1055, %parallel_loop3A_1061 : i32
        %parallel_loop3A_1063 = arith.xori %parallel_loop3A_1060, %parallel_loop3A_1062 : i1
        %parallel_loop3A_1064 = arith.andi %parallel_loop3A_1063, %parallel_loop3A_1058 : i1
        %parallel_loop3A_1065 = arith.addi %parallel_loop3A_1056, %parallel_loop3A_1055 : i32
        %parallel_loop3A_1066 = arith.select %parallel_loop3A_1064, %parallel_loop3A_1065, %parallel_loop3A_1056 : i32
        %parallel_loop3A_1067 = arith.constant 16 : i32
        %parallel_loop3A_1068 = arith.muli %parallel_loop3A_1066, %parallel_loop3A_1067 : i32
        %parallel_loop3A_1069 = arith.constant 16 : i32
        %parallel_loop3A_1070 = arith.muli %parallel_loop3A_1066, %parallel_loop3A_1069 : i32
        %parallel_loop3A_1071 = arith.index_cast %parallel_loop3A_1050 : i32 to index
        %parallel_loop3A_1072 = arith.index_cast %parallel_loop3A_1070 : i32 to index
        %parallel_loop3A_1073 = tpu.vector_load %arg6[%parallel_loop3A_1071, %parallel_loop3A_1072] {strides = array<i32>} : memref<16x1024xf32, #tpu.memory_space<vmem>>, vector<1x16xf32>,
        %parallel_loop3A_1074 = vector.shape_cast %parallel_loop3A_1073 : vector<1x16xf32> to vector<16xf32>
        %parallel_loop3A_1075 = arith.index_cast %parallel_loop3A_1050 : i32 to index
        %parallel_loop3A_1076 = arith.index_cast %parallel_loop3A_1068 : i32 to index
        %parallel_loop3A_1077 = tpu.vector_load %arg8[%parallel_loop3A_1075, %parallel_loop3A_1076] {strides = array<i32>} : memref<16x1024xf32, #tpu.memory_space<vmem>>, vector<1x16xf32>,
        %parallel_loop3A_1078 = vector.shape_cast %parallel_loop3A_1077 : vector<1x16xf32> to vector<16xf32>
        %parallel_loop3A_1079 = vector.shape_cast %parallel_loop3A_1074 : vector<16xf32> to vector<1x16xf32>
        tpu.vector_store %arg8[%parallel_loop3A_1075, %parallel_loop3A_1076], %parallel_loop3A_1079 {add = true, strides = array<i32>} : memref<16x1024xf32, #tpu.memory_space<vmem>>, vector<1x16xf32>,
      } {sc.loop_unroll_factor = 16 : i64, sc.parallel_access}
      %jit3A_742 = arith.constant 4 : i32
      %eq3A_743 = arith.constant 0 : i32
      %eq3A_744 = arith.cmpi eq, %jit3A_742, %eq3A_743 : i32
      %jit3A_745 = arith.constant 1 : i32
      %select_n3A_746 = arith.select %eq3A_744, %jit3A_745, %jit3A_742 : i32
      %rem3A_747 = arith.remsi %add3A_676, %select_n3A_746 : i32
      %ne3A_748 = arith.constant 0 : i32
      %ne3A_749 = arith.cmpi ne, %rem3A_747, %ne3A_748 : i32
      %lt3A_750 = arith.constant 0 : i32
      %lt3A_751 = arith.cmpi slt, %rem3A_747, %lt3A_750 : i32
      %lt3A_752 = arith.constant 0 : i32
      %lt3A_753 = arith.cmpi slt, %select_n3A_746, %lt3A_752 : i32
      %ne3A_754 = arith.xori %lt3A_751, %lt3A_753 : i1
      %and3A_755 = arith.andi %ne3A_754, %ne3A_749 : i1
      %add3A_756 = arith.addi %rem3A_747, %select_n3A_746 : i32
      %select_n3A_757 = arith.select %and3A_755, %add3A_756, %rem3A_747 : i32
      %mul3A_758 = arith.constant 8192 : i32
      %mul3A_759 = arith.muli %select_n3A_757, %mul3A_758 : i32
      %add3A_760 = arith.addi %mul3A_759, %mul3A_2 : i32
      %jit3A_761 = arith.constant 4 : i32
      %div3A_762 = arith.divsi %add3A_676, %jit3A_761 : i32
      %sign3A_763 = arith.constant 0 : i32
      %sign3A_764 = arith.cmpi sgt, %add3A_676, %sign3A_763 : i32
      %sign3A_765 = arith.extui %sign3A_764 : i1 to i32
      %sign3A_766 = arith.constant 0 : i32
      %sign3A_767 = arith.cmpi slt, %add3A_676, %sign3A_766 : i32
      %sign3A_768 = arith.extui %sign3A_767 : i1 to i32
      %sign3A_769 = arith.subi %sign3A_765, %sign3A_768 : i32
      %sign3A_770 = arith.constant 0 : i32
      %sign3A_771 = arith.cmpi sgt, %jit3A_761, %sign3A_770 : i32
      %sign3A_772 = arith.extui %sign3A_771 : i1 to i32
      %sign3A_773 = arith.constant 0 : i32
      %sign3A_774 = arith.cmpi slt, %jit3A_761, %sign3A_773 : i32
      %sign3A_775 = arith.extui %sign3A_774 : i1 to i32
      %sign3A_776 = arith.subi %sign3A_772, %sign3A_775 : i32
      %ne3A_777 = arith.cmpi ne, %sign3A_769, %sign3A_776 : i32
      %rem3A_778 = arith.remsi %add3A_676, %jit3A_761 : i32
      %ne3A_779 = arith.constant 0 : i32
      %ne3A_780 = arith.cmpi ne, %rem3A_778, %ne3A_779 : i32
      %and3A_781 = arith.andi %ne3A_777, %ne3A_780 : i1
      %sub3A_782 = arith.constant 1 : i32
      %sub3A_783 = arith.subi %div3A_762, %sub3A_782 : i32
      %select_n3A_784 = arith.select %and3A_781, %sub3A_783, %div3A_762 : i32
      %mul3A_785 = arith.constant 16 : i32
      %mul3A_786 = arith.muli %select_n3A_784, %mul3A_785 : i32
      %add3A_787 = arith.addi %add3A_760, %mul3A_786 : i32
      %dma_start3A_788 = arith.constant 0 : i32
      %dma_start3A_789 = tpu.memref_slice %arg4[%add3A_787, %dma_start3A_788] : memref<32768x1024xf32, #tpu.memory_space<hbm>> -> memref<16x1024xf32, #tpu.memory_space<hbm>>
      %dma_start3A_790 = arith.constant 0 : i32
      %dma_start3A_791 = tpu.memref_slice %arg4[%add3A_787, %dma_start3A_790] : memref<32768x1024xf32, #tpu.memory_space<hbm>> -> memref<16x1024xf32, #tpu.memory_space<hbm>>
      tpu.enqueue_dma source(%arg8 : memref<16x1024xf32, #tpu.memory_space<vmem>>) target(%dma_start3A_791 : memref<16x1024xf32, #tpu.memory_space<hbm>>) target_semaphore(%arg18 : memref<!tpu.dma_semaphore, #tpu.memory_space<semaphore_mem>>)
      %add3A_792 = arith.constant 6 : i32
      %add3A_793 = arith.addi %mul3A_61, %add3A_792 : i32
      %jit3A_794 = arith.constant 4 : i32
      %eq3A_795 = arith.constant 0 : i32
      %eq3A_796 = arith.cmpi eq, %jit3A_794, %eq3A_795 : i32
      %jit3A_797 = arith.constant 1 : i32
      %select_n3A_798 = arith.select %eq3A_796, %jit3A_797, %jit3A_794 : i32
      %rem3A_799 = arith.remsi %add3A_793, %select_n3A_798 : i32
      %ne3A_800 = arith.constant 0 : i32
      %ne3A_801 = arith.cmpi ne, %rem3A_799, %ne3A_800 : i32
      %lt3A_802 = arith.constant 0 : i32
      %lt3A_803 = arith.cmpi slt, %rem3A_799, %lt3A_802 : i32
      %lt3A_804 = arith.constant 0 : i32
      %lt3A_805 = arith.cmpi slt, %select_n3A_798, %lt3A_804 : i32
      %ne3A_806 = arith.xori %lt3A_803, %lt3A_805 : i1
      %and3A_807 = arith.andi %ne3A_806, %ne3A_801 : i1
      %add3A_808 = arith.addi %rem3A_799, %select_n3A_798 : i32
      %select_n3A_809 = arith.select %and3A_807, %add3A_808, %rem3A_799 : i32
      %mul3A_810 = arith.constant 8192 : i32
      %mul3A_811 = arith.muli %select_n3A_809, %mul3A_810 : i32
      %add3A_812 = arith.addi %mul3A_811, %mul3A_2 : i32
      %jit3A_813 = arith.constant 4 : i32
      %div3A_814 = arith.divsi %add3A_793, %jit3A_813 : i32
      %sign3A_815 = arith.constant 0 : i32
      %sign3A_816 = arith.cmpi sgt, %add3A_793, %sign3A_815 : i32
      %sign3A_817 = arith.extui %sign3A_816 : i1 to i32
      %sign3A_818 = arith.constant 0 : i32
      %sign3A_819 = arith.cmpi slt, %add3A_793, %sign3A_818 : i32
      %sign3A_820 = arith.extui %sign3A_819 : i1 to i32
      %sign3A_821 = arith.subi %sign3A_817, %sign3A_820 : i32
      %sign3A_822 = arith.constant 0 : i32
      %sign3A_823 = arith.cmpi sgt, %jit3A_813, %sign3A_822 : i32
      %sign3A_824 = arith.extui %sign3A_823 : i1 to i32
      %sign3A_825 = arith.constant 0 : i32
      %sign3A_826 = arith.cmpi slt, %jit3A_813, %sign3A_825 : i32
      %sign3A_827 = arith.extui %sign3A_826 : i1 to i32
      %sign3A_828 = arith.subi %sign3A_824, %sign3A_827 : i32
      %ne3A_829 = arith.cmpi ne, %sign3A_821, %sign3A_828 : i32
      %rem3A_830 = arith.remsi %add3A_793, %jit3A_813 : i32
      %ne3A_831 = arith.constant 0 : i32
      %ne3A_832 = arith.cmpi ne, %rem3A_830, %ne3A_831 : i32
      %and3A_833 = arith.andi %ne3A_829, %ne3A_832 : i1
      %sub3A_834 = arith.constant 1 : i32
      %sub3A_835 = arith.subi %div3A_814, %sub3A_834 : i32
      %select_n3A_836 = arith.select %and3A_833, %sub3A_835, %div3A_814 : i32
      %mul3A_837 = arith.constant 16 : i32
      %mul3A_838 = arith.muli %select_n3A_836, %mul3A_837 : i32
      %add3A_839 = arith.addi %add3A_812, %mul3A_838 : i32
      %dma_wait3A_840 = arith.constant 0 : i32
      %dma_wait3A_841 = tpu.memref_slice %arg2[%add3A_839, %dma_wait3A_840] : memref<32768x1024xf32, #tpu.memory_space<hbm>> -> memref<16x1024xf32, #tpu.memory_space<hbm>>
      %dma_wait3A_842 = arith.constant 0 : i32
      %dma_wait3A_843 = tpu.memref_slice %arg2[%add3A_839, %dma_wait3A_842] : memref<32768x1024xf32, #tpu.memory_space<hbm>> -> memref<16x1024xf32, #tpu.memory_space<hbm>>
      tpu.wait_dma2 semaphore(%arg15 : memref<!tpu.dma_semaphore, #tpu.memory_space<semaphore_mem>>) src(%dma_wait3A_843 : memref<16x1024xf32, #tpu.memory_space<hbm>>) dst(%arg9 : memref<16x1024xf32, #tpu.memory_space<vmem>>)
      %ge3A_844 = arith.constant 2 : i32
      %ge3A_845 = arith.cmpi sge, %add3A_793, %ge3A_844 : i32
      %convert_element_type3A_846 = arith.extui %ge3A_845 : i1 to i32
      %cond3A_847 = arith.constant 0 : i32
      %cond3A_848 = arith.cmpi ne, %convert_element_type3A_846, %cond3A_847 : i32
      scf.if %cond3A_848 {
        %sub3A_1026 = arith.constant 2 : i32
        %sub3A_1027 = arith.subi %add3A_793, %sub3A_1026 : i32
        %jit3A_1028 = arith.constant 4 : i32
        %eq3A_1029 = arith.constant 0 : i32
        %eq3A_1030 = arith.cmpi eq, %jit3A_1028, %eq3A_1029 : i32
        %jit3A_1031 = arith.constant 1 : i32
        %select_n3A_1032 = arith.select %eq3A_1030, %jit3A_1031, %jit3A_1028 : i32
        %rem3A_1033 = arith.remsi %sub3A_1027, %select_n3A_1032 : i32
        %ne3A_1034 = arith.constant 0 : i32
        %ne3A_1035 = arith.cmpi ne, %rem3A_1033, %ne3A_1034 : i32
        %lt3A_1036 = arith.constant 0 : i32
        %lt3A_1037 = arith.cmpi slt, %rem3A_1033, %lt3A_1036 : i32
        %lt3A_1038 = arith.constant 0 : i32
        %lt3A_1039 = arith.cmpi slt, %select_n3A_1032, %lt3A_1038 : i32
        %ne3A_1040 = arith.xori %lt3A_1037, %lt3A_1039 : i1
        %and3A_1041 = arith.andi %ne3A_1040, %ne3A_1035 : i1
        %add3A_1042 = arith.addi %rem3A_1033, %select_n3A_1032 : i32
        %select_n3A_1043 = arith.select %and3A_1041, %add3A_1042, %rem3A_1033 : i32
        %mul3A_1044 = arith.constant 8192 : i32
        %mul3A_1045 = arith.muli %select_n3A_1043, %mul3A_1044 : i32
        %add3A_1046 = arith.addi %mul3A_1045, %mul3A_2 : i32
        %jit3A_1047 = arith.constant 4 : i32
        %div3A_1048 = arith.divsi %sub3A_1027, %jit3A_1047 : i32
        %sign3A_1049 = arith.constant 0 : i32
        %sign3A_1050 = arith.cmpi sgt, %sub3A_1027, %sign3A_1049 : i32
        %sign3A_1051 = arith.extui %sign3A_1050 : i1 to i32
        %sign3A_1052 = arith.constant 0 : i32
        %sign3A_1053 = arith.cmpi slt, %sub3A_1027, %sign3A_1052 : i32
        %sign3A_1054 = arith.extui %sign3A_1053 : i1 to i32
        %sign3A_1055 = arith.subi %sign3A_1051, %sign3A_1054 : i32
        %sign3A_1056 = arith.constant 0 : i32
        %sign3A_1057 = arith.cmpi sgt, %jit3A_1047, %sign3A_1056 : i32
        %sign3A_1058 = arith.extui %sign3A_1057 : i1 to i32
        %sign3A_1059 = arith.constant 0 : i32
        %sign3A_1060 = arith.cmpi slt, %jit3A_1047, %sign3A_1059 : i32
        %sign3A_1061 = arith.extui %sign3A_1060 : i1 to i32
        %sign3A_1062 = arith.subi %sign3A_1058, %sign3A_1061 : i32
        %ne3A_1063 = arith.cmpi ne, %sign3A_1055, %sign3A_1062 : i32
        %rem3A_1064 = arith.remsi %sub3A_1027, %jit3A_1047 : i32
        %ne3A_1065 = arith.constant 0 : i32
        %ne3A_1066 = arith.cmpi ne, %rem3A_1064, %ne3A_1065 : i32
        %and3A_1067 = arith.andi %ne3A_1063, %ne3A_1066 : i1
        %sub3A_1068 = arith.constant 1 : i32
        %sub3A_1069 = arith.subi %div3A_1048, %sub3A_1068 : i32
        %select_n3A_1070 = arith.select %and3A_1067, %sub3A_1069, %div3A_1048 : i32
        %mul3A_1071 = arith.constant 16 : i32
        %mul3A_1072 = arith.muli %select_n3A_1070, %mul3A_1071 : i32
        %add3A_1073 = arith.addi %add3A_1046, %mul3A_1072 : i32
        %dma_wait3A_1074 = arith.constant 0 : i32
        %dma_wait3A_1075 = tpu.memref_slice %arg4[%add3A_1073, %dma_wait3A_1074] : memref<32768x1024xf32, #tpu.memory_space<hbm>> -> memref<16x1024xf32, #tpu.memory_space<hbm>>
        %dma_wait3A_1076 = arith.constant 0 : i32
        %dma_wait3A_1077 = tpu.memref_slice %arg4[%add3A_1073, %dma_wait3A_1076] : memref<32768x1024xf32, #tpu.memory_space<hbm>> -> memref<16x1024xf32, #tpu.memory_space<hbm>>
        tpu.wait_dma2 semaphore(%arg17 : memref<!tpu.dma_semaphore, #tpu.memory_space<semaphore_mem>>) src(%arg7 : memref<16x1024xf32, #tpu.memory_space<vmem>>) dst(%dma_wait3A_1077 : memref<16x1024xf32, #tpu.memory_space<hbm>>)
      } else {
      }
      %add3A_849 = arith.constant 2 : i32
      %add3A_850 = arith.addi %add3A_793, %add3A_849 : i32
      %lt3A_851 = arith.constant 64 : i32
      %lt3A_852 = arith.cmpi slt, %add3A_850, %lt3A_851 : i32
      %convert_element_type3A_853 = arith.extui %lt3A_852 : i1 to i32
      %cond3A_854 = arith.constant 0 : i32
      %cond3A_855 = arith.cmpi ne, %convert_element_type3A_853, %cond3A_854 : i32
      scf.if %cond3A_855 {
        %add3A_1026 = arith.constant 2 : i32
        %add3A_1027 = arith.addi %add3A_793, %add3A_1026 : i32
        %jit3A_1028 = arith.constant 4 : i32
        %eq3A_1029 = arith.constant 0 : i32
        %eq3A_1030 = arith.cmpi eq, %jit3A_1028, %eq3A_1029 : i32
        %jit3A_1031 = arith.constant 1 : i32
        %select_n3A_1032 = arith.select %eq3A_1030, %jit3A_1031, %jit3A_1028 : i32
        %rem3A_1033 = arith.remsi %add3A_1027, %select_n3A_1032 : i32
        %ne3A_1034 = arith.constant 0 : i32
        %ne3A_1035 = arith.cmpi ne, %rem3A_1033, %ne3A_1034 : i32
        %lt3A_1036 = arith.constant 0 : i32
        %lt3A_1037 = arith.cmpi slt, %rem3A_1033, %lt3A_1036 : i32
        %lt3A_1038 = arith.constant 0 : i32
        %lt3A_1039 = arith.cmpi slt, %select_n3A_1032, %lt3A_1038 : i32
        %ne3A_1040 = arith.xori %lt3A_1037, %lt3A_1039 : i1
        %and3A_1041 = arith.andi %ne3A_1040, %ne3A_1035 : i1
        %add3A_1042 = arith.addi %rem3A_1033, %select_n3A_1032 : i32
        %select_n3A_1043 = arith.select %and3A_1041, %add3A_1042, %rem3A_1033 : i32
        %mul3A_1044 = arith.constant 8192 : i32
        %mul3A_1045 = arith.muli %select_n3A_1043, %mul3A_1044 : i32
        %add3A_1046 = arith.addi %mul3A_1045, %mul3A_2 : i32
        %jit3A_1047 = arith.constant 4 : i32
        %div3A_1048 = arith.divsi %add3A_1027, %jit3A_1047 : i32
        %sign3A_1049 = arith.constant 0 : i32
        %sign3A_1050 = arith.cmpi sgt, %add3A_1027, %sign3A_1049 : i32
        %sign3A_1051 = arith.extui %sign3A_1050 : i1 to i32
        %sign3A_1052 = arith.constant 0 : i32
        %sign3A_1053 = arith.cmpi slt, %add3A_1027, %sign3A_1052 : i32
        %sign3A_1054 = arith.extui %sign3A_1053 : i1 to i32
        %sign3A_1055 = arith.subi %sign3A_1051, %sign3A_1054 : i32
        %sign3A_1056 = arith.constant 0 : i32
        %sign3A_1057 = arith.cmpi sgt, %jit3A_1047, %sign3A_1056 : i32
        %sign3A_1058 = arith.extui %sign3A_1057 : i1 to i32
        %sign3A_1059 = arith.constant 0 : i32
        %sign3A_1060 = arith.cmpi slt, %jit3A_1047, %sign3A_1059 : i32
        %sign3A_1061 = arith.extui %sign3A_1060 : i1 to i32
        %sign3A_1062 = arith.subi %sign3A_1058, %sign3A_1061 : i32
        %ne3A_1063 = arith.cmpi ne, %sign3A_1055, %sign3A_1062 : i32
        %rem3A_1064 = arith.remsi %add3A_1027, %jit3A_1047 : i32
        %ne3A_1065 = arith.constant 0 : i32
        %ne3A_1066 = arith.cmpi ne, %rem3A_1064, %ne3A_1065 : i32
        %and3A_1067 = arith.andi %ne3A_1063, %ne3A_1066 : i1
        %sub3A_1068 = arith.constant 1 : i32
        %sub3A_1069 = arith.subi %div3A_1048, %sub3A_1068 : i32
        %select_n3A_1070 = arith.select %and3A_1067, %sub3A_1069, %div3A_1048 : i32
        %mul3A_1071 = arith.constant 16 : i32
        %mul3A_1072 = arith.muli %select_n3A_1070, %mul3A_1071 : i32
        %add3A_1073 = arith.addi %add3A_1046, %mul3A_1072 : i32
        %dma_start3A_1074 = arith.constant 0 : i32
        %dma_start3A_1075 = tpu.memref_slice %arg2[%add3A_1073, %dma_start3A_1074] : memref<32768x1024xf32, #tpu.memory_space<hbm>> -> memref<16x1024xf32, #tpu.memory_space<hbm>>
        %dma_start3A_1076 = arith.constant 0 : i32
        %dma_start3A_1077 = tpu.memref_slice %arg2[%add3A_1073, %dma_start3A_1076] : memref<32768x1024xf32, #tpu.memory_space<hbm>> -> memref<16x1024xf32, #tpu.memory_space<hbm>>
        tpu.enqueue_dma source(%dma_start3A_1077 : memref<16x1024xf32, #tpu.memory_space<hbm>>) target(%arg7 : memref<16x1024xf32, #tpu.memory_space<vmem>>) target_semaphore(%arg13 : memref<!tpu.dma_semaphore, #tpu.memory_space<semaphore_mem>>)
      } else {
      }
      %parallel_loop3A_856 = arith.constant 0 : i32
      %parallel_loop3A_857 = arith.constant 1024 : i32
      %parallel_loop3A_858 = arith.constant 1 : i32
      scf.for %parallel_loop3A_1026 = %parallel_loop3A_856 to %parallel_loop3A_857 step %parallel_loop3A_858  : i32 {
        %parallel_loop3A_1027 = arith.constant 64 : i32
        %parallel_loop3A_1028 = arith.divsi %parallel_loop3A_1026, %parallel_loop3A_1027 : i32
        %parallel_loop3A_1029 = arith.constant 0 : i32
        %parallel_loop3A_1030 = arith.cmpi sgt, %parallel_loop3A_1026, %parallel_loop3A_1029 : i32
        %parallel_loop3A_1031 = arith.extui %parallel_loop3A_1030 : i1 to i32
        %parallel_loop3A_1032 = arith.constant 0 : i32
        %parallel_loop3A_1033 = arith.cmpi slt, %parallel_loop3A_1026, %parallel_loop3A_1032 : i32
        %parallel_loop3A_1034 = arith.extui %parallel_loop3A_1033 : i1 to i32
        %parallel_loop3A_1035 = arith.subi %parallel_loop3A_1031, %parallel_loop3A_1034 : i32
        %parallel_loop3A_1036 = arith.constant 0 : i32
        %parallel_loop3A_1037 = arith.cmpi sgt, %parallel_loop3A_1027, %parallel_loop3A_1036 : i32
        %parallel_loop3A_1038 = arith.extui %parallel_loop3A_1037 : i1 to i32
        %parallel_loop3A_1039 = arith.constant 0 : i32
        %parallel_loop3A_1040 = arith.cmpi slt, %parallel_loop3A_1027, %parallel_loop3A_1039 : i32
        %parallel_loop3A_1041 = arith.extui %parallel_loop3A_1040 : i1 to i32
        %parallel_loop3A_1042 = arith.subi %parallel_loop3A_1038, %parallel_loop3A_1041 : i32
        %parallel_loop3A_1043 = arith.cmpi ne, %parallel_loop3A_1035, %parallel_loop3A_1042 : i32
        %parallel_loop3A_1044 = arith.remsi %parallel_loop3A_1026, %parallel_loop3A_1027 : i32
        %parallel_loop3A_1045 = arith.constant 0 : i32
        %parallel_loop3A_1046 = arith.cmpi ne, %parallel_loop3A_1044, %parallel_loop3A_1045 : i32
        %parallel_loop3A_1047 = arith.andi %parallel_loop3A_1043, %parallel_loop3A_1046 : i1
        %parallel_loop3A_1048 = arith.constant 1 : i32
        %parallel_loop3A_1049 = arith.subi %parallel_loop3A_1028, %parallel_loop3A_1048 : i32
        %parallel_loop3A_1050 = arith.select %parallel_loop3A_1047, %parallel_loop3A_1049, %parallel_loop3A_1028 : i32
        %parallel_loop3A_1051 = arith.constant 64 : i32
        %parallel_loop3A_1052 = arith.constant 0 : i32
        %parallel_loop3A_1053 = arith.cmpi eq, %parallel_loop3A_1051, %parallel_loop3A_1052 : i32
        %parallel_loop3A_1054 = arith.constant 1 : i32
        %parallel_loop3A_1055 = arith.select %parallel_loop3A_1053, %parallel_loop3A_1054, %parallel_loop3A_1051 : i32
        %parallel_loop3A_1056 = arith.remsi %parallel_loop3A_1026, %parallel_loop3A_1055 : i32
        %parallel_loop3A_1057 = arith.constant 0 : i32
        %parallel_loop3A_1058 = arith.cmpi ne, %parallel_loop3A_1056, %parallel_loop3A_1057 : i32
        %parallel_loop3A_1059 = arith.constant 0 : i32
        %parallel_loop3A_1060 = arith.cmpi slt, %parallel_loop3A_1056, %parallel_loop3A_1059 : i32
        %parallel_loop3A_1061 = arith.constant 0 : i32
        %parallel_loop3A_1062 = arith.cmpi slt, %parallel_loop3A_1055, %parallel_loop3A_1061 : i32
        %parallel_loop3A_1063 = arith.xori %parallel_loop3A_1060, %parallel_loop3A_1062 : i1
        %parallel_loop3A_1064 = arith.andi %parallel_loop3A_1063, %parallel_loop3A_1058 : i1
        %parallel_loop3A_1065 = arith.addi %parallel_loop3A_1056, %parallel_loop3A_1055 : i32
        %parallel_loop3A_1066 = arith.select %parallel_loop3A_1064, %parallel_loop3A_1065, %parallel_loop3A_1056 : i32
        %parallel_loop3A_1067 = arith.constant 16 : i32
        %parallel_loop3A_1068 = arith.muli %parallel_loop3A_1066, %parallel_loop3A_1067 : i32
        %parallel_loop3A_1069 = arith.constant 16 : i32
        %parallel_loop3A_1070 = arith.muli %parallel_loop3A_1066, %parallel_loop3A_1069 : i32
        %parallel_loop3A_1071 = arith.index_cast %parallel_loop3A_1050 : i32 to index
        %parallel_loop3A_1072 = arith.index_cast %parallel_loop3A_1070 : i32 to index
        %parallel_loop3A_1073 = tpu.vector_load %arg6[%parallel_loop3A_1071, %parallel_loop3A_1072] {strides = array<i32>} : memref<16x1024xf32, #tpu.memory_space<vmem>>, vector<1x16xf32>,
        %parallel_loop3A_1074 = vector.shape_cast %parallel_loop3A_1073 : vector<1x16xf32> to vector<16xf32>
        %parallel_loop3A_1075 = arith.index_cast %parallel_loop3A_1050 : i32 to index
        %parallel_loop3A_1076 = arith.index_cast %parallel_loop3A_1068 : i32 to index
        %parallel_loop3A_1077 = tpu.vector_load %arg9[%parallel_loop3A_1075, %parallel_loop3A_1076] {strides = array<i32>} : memref<16x1024xf32, #tpu.memory_space<vmem>>, vector<1x16xf32>,
        %parallel_loop3A_1078 = vector.shape_cast %parallel_loop3A_1077 : vector<1x16xf32> to vector<16xf32>
        %parallel_loop3A_1079 = vector.shape_cast %parallel_loop3A_1074 : vector<16xf32> to vector<1x16xf32>
        tpu.vector_store %arg9[%parallel_loop3A_1075, %parallel_loop3A_1076], %parallel_loop3A_1079 {add = true, strides = array<i32>} : memref<16x1024xf32, #tpu.memory_space<vmem>>, vector<1x16xf32>,
      } {sc.loop_unroll_factor = 16 : i64, sc.parallel_access}
      %jit3A_859 = arith.constant 4 : i32
      %eq3A_860 = arith.constant 0 : i32
      %eq3A_861 = arith.cmpi eq, %jit3A_859, %eq3A_860 : i32
      %jit3A_862 = arith.constant 1 : i32
      %select_n3A_863 = arith.select %eq3A_861, %jit3A_862, %jit3A_859 : i32
      %rem3A_864 = arith.remsi %add3A_793, %select_n3A_863 : i32
      %ne3A_865 = arith.constant 0 : i32
      %ne3A_866 = arith.cmpi ne, %rem3A_864, %ne3A_865 : i32
      %lt3A_867 = arith.constant 0 : i32
      %lt3A_868 = arith.cmpi slt, %rem3A_864, %lt3A_867 : i32
      %lt3A_869 = arith.constant 0 : i32
      %lt3A_870 = arith.cmpi slt, %select_n3A_863, %lt3A_869 : i32
      %ne3A_871 = arith.xori %lt3A_868, %lt3A_870 : i1
      %and3A_872 = arith.andi %ne3A_871, %ne3A_866 : i1
      %add3A_873 = arith.addi %rem3A_864, %select_n3A_863 : i32
      %select_n3A_874 = arith.select %and3A_872, %add3A_873, %rem3A_864 : i32
      %mul3A_875 = arith.constant 8192 : i32
      %mul3A_876 = arith.muli %select_n3A_874, %mul3A_875 : i32
      %add3A_877 = arith.addi %mul3A_876, %mul3A_2 : i32
      %jit3A_878 = arith.constant 4 : i32
      %div3A_879 = arith.divsi %add3A_793, %jit3A_878 : i32
      %sign3A_880 = arith.constant 0 : i32
      %sign3A_881 = arith.cmpi sgt, %add3A_793, %sign3A_880 : i32
      %sign3A_882 = arith.extui %sign3A_881 : i1 to i32
      %sign3A_883 = arith.constant 0 : i32
      %sign3A_884 = arith.cmpi slt, %add3A_793, %sign3A_883 : i32
      %sign3A_885 = arith.extui %sign3A_884 : i1 to i32
      %sign3A_886 = arith.subi %sign3A_882, %sign3A_885 : i32
      %sign3A_887 = arith.constant 0 : i32
      %sign3A_888 = arith.cmpi sgt, %jit3A_878, %sign3A_887 : i32
      %sign3A_889 = arith.extui %sign3A_888 : i1 to i32
      %sign3A_890 = arith.constant 0 : i32
      %sign3A_891 = arith.cmpi slt, %jit3A_878, %sign3A_890 : i32
      %sign3A_892 = arith.extui %sign3A_891 : i1 to i32
      %sign3A_893 = arith.subi %sign3A_889, %sign3A_892 : i32
      %ne3A_894 = arith.cmpi ne, %sign3A_886, %sign3A_893 : i32
      %rem3A_895 = arith.remsi %add3A_793, %jit3A_878 : i32
      %ne3A_896 = arith.constant 0 : i32
      %ne3A_897 = arith.cmpi ne, %rem3A_895, %ne3A_896 : i32
      %and3A_898 = arith.andi %ne3A_894, %ne3A_897 : i1
      %sub3A_899 = arith.constant 1 : i32
      %sub3A_900 = arith.subi %div3A_879, %sub3A_899 : i32
      %select_n3A_901 = arith.select %and3A_898, %sub3A_900, %div3A_879 : i32
      %mul3A_902 = arith.constant 16 : i32
      %mul3A_903 = arith.muli %select_n3A_901, %mul3A_902 : i32
      %add3A_904 = arith.addi %add3A_877, %mul3A_903 : i32
      %dma_start3A_905 = arith.constant 0 : i32
      %dma_start3A_906 = tpu.memref_slice %arg4[%add3A_904, %dma_start3A_905] : memref<32768x1024xf32, #tpu.memory_space<hbm>> -> memref<16x1024xf32, #tpu.memory_space<hbm>>
      %dma_start3A_907 = arith.constant 0 : i32
      %dma_start3A_908 = tpu.memref_slice %arg4[%add3A_904, %dma_start3A_907] : memref<32768x1024xf32, #tpu.memory_space<hbm>> -> memref<16x1024xf32, #tpu.memory_space<hbm>>
      tpu.enqueue_dma source(%arg9 : memref<16x1024xf32, #tpu.memory_space<vmem>>) target(%dma_start3A_908 : memref<16x1024xf32, #tpu.memory_space<hbm>>) target_semaphore(%arg19 : memref<!tpu.dma_semaphore, #tpu.memory_space<semaphore_mem>>)
      %add3A_909 = arith.constant 7 : i32
      %add3A_910 = arith.addi %mul3A_61, %add3A_909 : i32
      %jit3A_911 = arith.constant 4 : i32
      %eq3A_912 = arith.constant 0 : i32
      %eq3A_913 = arith.cmpi eq, %jit3A_911, %eq3A_912 : i32
      %jit3A_914 = arith.constant 1 : i32
      %select_n3A_915 = arith.select %eq3A_913, %jit3A_914, %jit3A_911 : i32
      %rem3A_916 = arith.remsi %add3A_910, %select_n3A_915 : i32
      %ne3A_917 = arith.constant 0 : i32
      %ne3A_918 = arith.cmpi ne, %rem3A_916, %ne3A_917 : i32
      %lt3A_919 = arith.constant 0 : i32
      %lt3A_920 = arith.cmpi slt, %rem3A_916, %lt3A_919 : i32
      %lt3A_921 = arith.constant 0 : i32
      %lt3A_922 = arith.cmpi slt, %select_n3A_915, %lt3A_921 : i32
      %ne3A_923 = arith.xori %lt3A_920, %lt3A_922 : i1
      %and3A_924 = arith.andi %ne3A_923, %ne3A_918 : i1
      %add3A_925 = arith.addi %rem3A_916, %select_n3A_915 : i32
      %select_n3A_926 = arith.select %and3A_924, %add3A_925, %rem3A_916 : i32
      %mul3A_927 = arith.constant 8192 : i32
      %mul3A_928 = arith.muli %select_n3A_926, %mul3A_927 : i32
      %add3A_929 = arith.addi %mul3A_928, %mul3A_2 : i32
      %jit3A_930 = arith.constant 4 : i32
      %div3A_931 = arith.divsi %add3A_910, %jit3A_930 : i32
      %sign3A_932 = arith.constant 0 : i32
      %sign3A_933 = arith.cmpi sgt, %add3A_910, %sign3A_932 : i32
      %sign3A_934 = arith.extui %sign3A_933 : i1 to i32
      %sign3A_935 = arith.constant 0 : i32
      %sign3A_936 = arith.cmpi slt, %add3A_910, %sign3A_935 : i32
      %sign3A_937 = arith.extui %sign3A_936 : i1 to i32
      %sign3A_938 = arith.subi %sign3A_934, %sign3A_937 : i32
      %sign3A_939 = arith.constant 0 : i32
      %sign3A_940 = arith.cmpi sgt, %jit3A_930, %sign3A_939 : i32
      %sign3A_941 = arith.extui %sign3A_940 : i1 to i32
      %sign3A_942 = arith.constant 0 : i32
      %sign3A_943 = arith.cmpi slt, %jit3A_930, %sign3A_942 : i32
      %sign3A_944 = arith.extui %sign3A_943 : i1 to i32
      %sign3A_945 = arith.subi %sign3A_941, %sign3A_944 : i32
      %ne3A_946 = arith.cmpi ne, %sign3A_938, %sign3A_945 : i32
      %rem3A_947 = arith.remsi %add3A_910, %jit3A_930 : i32
      %ne3A_948 = arith.constant 0 : i32
      %ne3A_949 = arith.cmpi ne, %rem3A_947, %ne3A_948 : i32
      %and3A_950 = arith.andi %ne3A_946, %ne3A_949 : i1
      %sub3A_951 = arith.constant 1 : i32
      %sub3A_952 = arith.subi %div3A_931, %sub3A_951 : i32
      %select_n3A_953 = arith.select %and3A_950, %sub3A_952, %div3A_931 : i32
      %mul3A_954 = arith.constant 16 : i32
      %mul3A_955 = arith.muli %select_n3A_953, %mul3A_954 : i32
      %add3A_956 = arith.addi %add3A_929, %mul3A_955 : i32
      %dma_wait3A_957 = arith.constant 0 : i32
      %dma_wait3A_958 = tpu.memref_slice %arg2[%add3A_956, %dma_wait3A_957] : memref<32768x1024xf32, #tpu.memory_space<hbm>> -> memref<16x1024xf32, #tpu.memory_space<hbm>>
      %dma_wait3A_959 = arith.constant 0 : i32
      %dma_wait3A_960 = tpu.memref_slice %arg2[%add3A_956, %dma_wait3A_959] : memref<32768x1024xf32, #tpu.memory_space<hbm>> -> memref<16x1024xf32, #tpu.memory_space<hbm>>
      tpu.wait_dma2 semaphore(%arg16 : memref<!tpu.dma_semaphore, #tpu.memory_space<semaphore_mem>>) src(%dma_wait3A_960 : memref<16x1024xf32, #tpu.memory_space<hbm>>) dst(%arg10 : memref<16x1024xf32, #tpu.memory_space<vmem>>)
      %ge3A_961 = arith.constant 2 : i32
      %ge3A_962 = arith.cmpi sge, %add3A_910, %ge3A_961 : i32
      %convert_element_type3A_963 = arith.extui %ge3A_962 : i1 to i32
      %cond3A_964 = arith.constant 0 : i32
      %cond3A_965 = arith.cmpi ne, %convert_element_type3A_963, %cond3A_964 : i32
      scf.if %cond3A_965 {
        %sub3A_1026 = arith.constant 2 : i32
        %sub3A_1027 = arith.subi %add3A_910, %sub3A_1026 : i32
        %jit3A_1028 = arith.constant 4 : i32
        %eq3A_1029 = arith.constant 0 : i32
        %eq3A_1030 = arith.cmpi eq, %jit3A_1028, %eq3A_1029 : i32
        %jit3A_1031 = arith.constant 1 : i32
        %select_n3A_1032 = arith.select %eq3A_1030, %jit3A_1031, %jit3A_1028 : i32
        %rem3A_1033 = arith.remsi %sub3A_1027, %select_n3A_1032 : i32
        %ne3A_1034 = arith.constant 0 : i32
        %ne3A_1035 = arith.cmpi ne, %rem3A_1033, %ne3A_1034 : i32
        %lt3A_1036 = arith.constant 0 : i32
        %lt3A_1037 = arith.cmpi slt, %rem3A_1033, %lt3A_1036 : i32
        %lt3A_1038 = arith.constant 0 : i32
        %lt3A_1039 = arith.cmpi slt, %select_n3A_1032, %lt3A_1038 : i32
        %ne3A_1040 = arith.xori %lt3A_1037, %lt3A_1039 : i1
        %and3A_1041 = arith.andi %ne3A_1040, %ne3A_1035 : i1
        %add3A_1042 = arith.addi %rem3A_1033, %select_n3A_1032 : i32
        %select_n3A_1043 = arith.select %and3A_1041, %add3A_1042, %rem3A_1033 : i32
        %mul3A_1044 = arith.constant 8192 : i32
        %mul3A_1045 = arith.muli %select_n3A_1043, %mul3A_1044 : i32
        %add3A_1046 = arith.addi %mul3A_1045, %mul3A_2 : i32
        %jit3A_1047 = arith.constant 4 : i32
        %div3A_1048 = arith.divsi %sub3A_1027, %jit3A_1047 : i32
        %sign3A_1049 = arith.constant 0 : i32
        %sign3A_1050 = arith.cmpi sgt, %sub3A_1027, %sign3A_1049 : i32
        %sign3A_1051 = arith.extui %sign3A_1050 : i1 to i32
        %sign3A_1052 = arith.constant 0 : i32
        %sign3A_1053 = arith.cmpi slt, %sub3A_1027, %sign3A_1052 : i32
        %sign3A_1054 = arith.extui %sign3A_1053 : i1 to i32
        %sign3A_1055 = arith.subi %sign3A_1051, %sign3A_1054 : i32
        %sign3A_1056 = arith.constant 0 : i32
        %sign3A_1057 = arith.cmpi sgt, %jit3A_1047, %sign3A_1056 : i32
        %sign3A_1058 = arith.extui %sign3A_1057 : i1 to i32
        %sign3A_1059 = arith.constant 0 : i32
        %sign3A_1060 = arith.cmpi slt, %jit3A_1047, %sign3A_1059 : i32
        %sign3A_1061 = arith.extui %sign3A_1060 : i1 to i32
        %sign3A_1062 = arith.subi %sign3A_1058, %sign3A_1061 : i32
        %ne3A_1063 = arith.cmpi ne, %sign3A_1055, %sign3A_1062 : i32
        %rem3A_1064 = arith.remsi %sub3A_1027, %jit3A_1047 : i32
        %ne3A_1065 = arith.constant 0 : i32
        %ne3A_1066 = arith.cmpi ne, %rem3A_1064, %ne3A_1065 : i32
        %and3A_1067 = arith.andi %ne3A_1063, %ne3A_1066 : i1
        %sub3A_1068 = arith.constant 1 : i32
        %sub3A_1069 = arith.subi %div3A_1048, %sub3A_1068 : i32
        %select_n3A_1070 = arith.select %and3A_1067, %sub3A_1069, %div3A_1048 : i32
        %mul3A_1071 = arith.constant 16 : i32
        %mul3A_1072 = arith.muli %select_n3A_1070, %mul3A_1071 : i32
        %add3A_1073 = arith.addi %add3A_1046, %mul3A_1072 : i32
        %dma_wait3A_1074 = arith.constant 0 : i32
        %dma_wait3A_1075 = tpu.memref_slice %arg4[%add3A_1073, %dma_wait3A_1074] : memref<32768x1024xf32, #tpu.memory_space<hbm>> -> memref<16x1024xf32, #tpu.memory_space<hbm>>
        %dma_wait3A_1076 = arith.constant 0 : i32
        %dma_wait3A_1077 = tpu.memref_slice %arg4[%add3A_1073, %dma_wait3A_1076] : memref<32768x1024xf32, #tpu.memory_space<hbm>> -> memref<16x1024xf32, #tpu.memory_space<hbm>>
        tpu.wait_dma2 semaphore(%arg18 : memref<!tpu.dma_semaphore, #tpu.memory_space<semaphore_mem>>) src(%arg8 : memref<16x1024xf32, #tpu.memory_space<vmem>>) dst(%dma_wait3A_1077 : memref<16x1024xf32, #tpu.memory_space<hbm>>)
      } else {
      }
      %add3A_966 = arith.constant 2 : i32
      %add3A_967 = arith.addi %add3A_910, %add3A_966 : i32
      %lt3A_968 = arith.constant 64 : i32
      %lt3A_969 = arith.cmpi slt, %add3A_967, %lt3A_968 : i32
      %convert_element_type3A_970 = arith.extui %lt3A_969 : i1 to i32
      %cond3A_971 = arith.constant 0 : i32
      %cond3A_972 = arith.cmpi ne, %convert_element_type3A_970, %cond3A_971 : i32
      scf.if %cond3A_972 {
        %add3A_1026 = arith.constant 2 : i32
        %add3A_1027 = arith.addi %add3A_910, %add3A_1026 : i32
        %jit3A_1028 = arith.constant 4 : i32
        %eq3A_1029 = arith.constant 0 : i32
        %eq3A_1030 = arith.cmpi eq, %jit3A_1028, %eq3A_1029 : i32
        %jit3A_1031 = arith.constant 1 : i32
        %select_n3A_1032 = arith.select %eq3A_1030, %jit3A_1031, %jit3A_1028 : i32
        %rem3A_1033 = arith.remsi %add3A_1027, %select_n3A_1032 : i32
        %ne3A_1034 = arith.constant 0 : i32
        %ne3A_1035 = arith.cmpi ne, %rem3A_1033, %ne3A_1034 : i32
        %lt3A_1036 = arith.constant 0 : i32
        %lt3A_1037 = arith.cmpi slt, %rem3A_1033, %lt3A_1036 : i32
        %lt3A_1038 = arith.constant 0 : i32
        %lt3A_1039 = arith.cmpi slt, %select_n3A_1032, %lt3A_1038 : i32
        %ne3A_1040 = arith.xori %lt3A_1037, %lt3A_1039 : i1
        %and3A_1041 = arith.andi %ne3A_1040, %ne3A_1035 : i1
        %add3A_1042 = arith.addi %rem3A_1033, %select_n3A_1032 : i32
        %select_n3A_1043 = arith.select %and3A_1041, %add3A_1042, %rem3A_1033 : i32
        %mul3A_1044 = arith.constant 8192 : i32
        %mul3A_1045 = arith.muli %select_n3A_1043, %mul3A_1044 : i32
        %add3A_1046 = arith.addi %mul3A_1045, %mul3A_2 : i32
        %jit3A_1047 = arith.constant 4 : i32
        %div3A_1048 = arith.divsi %add3A_1027, %jit3A_1047 : i32
        %sign3A_1049 = arith.constant 0 : i32
        %sign3A_1050 = arith.cmpi sgt, %add3A_1027, %sign3A_1049 : i32
        %sign3A_1051 = arith.extui %sign3A_1050 : i1 to i32
        %sign3A_1052 = arith.constant 0 : i32
        %sign3A_1053 = arith.cmpi slt, %add3A_1027, %sign3A_1052 : i32
        %sign3A_1054 = arith.extui %sign3A_1053 : i1 to i32
        %sign3A_1055 = arith.subi %sign3A_1051, %sign3A_1054 : i32
        %sign3A_1056 = arith.constant 0 : i32
        %sign3A_1057 = arith.cmpi sgt, %jit3A_1047, %sign3A_1056 : i32
        %sign3A_1058 = arith.extui %sign3A_1057 : i1 to i32
        %sign3A_1059 = arith.constant 0 : i32
        %sign3A_1060 = arith.cmpi slt, %jit3A_1047, %sign3A_1059 : i32
        %sign3A_1061 = arith.extui %sign3A_1060 : i1 to i32
        %sign3A_1062 = arith.subi %sign3A_1058, %sign3A_1061 : i32
        %ne3A_1063 = arith.cmpi ne, %sign3A_1055, %sign3A_1062 : i32
        %rem3A_1064 = arith.remsi %add3A_1027, %jit3A_1047 : i32
        %ne3A_1065 = arith.constant 0 : i32
        %ne3A_1066 = arith.cmpi ne, %rem3A_1064, %ne3A_1065 : i32
        %and3A_1067 = arith.andi %ne3A_1063, %ne3A_1066 : i1
        %sub3A_1068 = arith.constant 1 : i32
        %sub3A_1069 = arith.subi %div3A_1048, %sub3A_1068 : i32
        %select_n3A_1070 = arith.select %and3A_1067, %sub3A_1069, %div3A_1048 : i32
        %mul3A_1071 = arith.constant 16 : i32
        %mul3A_1072 = arith.muli %select_n3A_1070, %mul3A_1071 : i32
        %add3A_1073 = arith.addi %add3A_1046, %mul3A_1072 : i32
        %dma_start3A_1074 = arith.constant 0 : i32
        %dma_start3A_1075 = tpu.memref_slice %arg2[%add3A_1073, %dma_start3A_1074] : memref<32768x1024xf32, #tpu.memory_space<hbm>> -> memref<16x1024xf32, #tpu.memory_space<hbm>>
        %dma_start3A_1076 = arith.constant 0 : i32
        %dma_start3A_1077 = tpu.memref_slice %arg2[%add3A_1073, %dma_start3A_1076] : memref<32768x1024xf32, #tpu.memory_space<hbm>> -> memref<16x1024xf32, #tpu.memory_space<hbm>>
        tpu.enqueue_dma source(%dma_start3A_1077 : memref<16x1024xf32, #tpu.memory_space<hbm>>) target(%arg8 : memref<16x1024xf32, #tpu.memory_space<vmem>>) target_semaphore(%arg14 : memref<!tpu.dma_semaphore, #tpu.memory_space<semaphore_mem>>)
      } else {
      }
      %parallel_loop3A_973 = arith.constant 0 : i32
      %parallel_loop3A_974 = arith.constant 1024 : i32
      %parallel_loop3A_975 = arith.constant 1 : i32
      scf.for %parallel_loop3A_1026 = %parallel_loop3A_973 to %parallel_loop3A_974 step %parallel_loop3A_975  : i32 {
        %parallel_loop3A_1027 = arith.constant 64 : i32
        %parallel_loop3A_1028 = arith.divsi %parallel_loop3A_1026, %parallel_loop3A_1027 : i32
        %parallel_loop3A_1029 = arith.constant 0 : i32
        %parallel_loop3A_1030 = arith.cmpi sgt, %parallel_loop3A_1026, %parallel_loop3A_1029 : i32
        %parallel_loop3A_1031 = arith.extui %parallel_loop3A_1030 : i1 to i32
        %parallel_loop3A_1032 = arith.constant 0 : i32
        %parallel_loop3A_1033 = arith.cmpi slt, %parallel_loop3A_1026, %parallel_loop3A_1032 : i32
        %parallel_loop3A_1034 = arith.extui %parallel_loop3A_1033 : i1 to i32
        %parallel_loop3A_1035 = arith.subi %parallel_loop3A_1031, %parallel_loop3A_1034 : i32
        %parallel_loop3A_1036 = arith.constant 0 : i32
        %parallel_loop3A_1037 = arith.cmpi sgt, %parallel_loop3A_1027, %parallel_loop3A_1036 : i32
        %parallel_loop3A_1038 = arith.extui %parallel_loop3A_1037 : i1 to i32
        %parallel_loop3A_1039 = arith.constant 0 : i32
        %parallel_loop3A_1040 = arith.cmpi slt, %parallel_loop3A_1027, %parallel_loop3A_1039 : i32
        %parallel_loop3A_1041 = arith.extui %parallel_loop3A_1040 : i1 to i32
        %parallel_loop3A_1042 = arith.subi %parallel_loop3A_1038, %parallel_loop3A_1041 : i32
        %parallel_loop3A_1043 = arith.cmpi ne, %parallel_loop3A_1035, %parallel_loop3A_1042 : i32
        %parallel_loop3A_1044 = arith.remsi %parallel_loop3A_1026, %parallel_loop3A_1027 : i32
        %parallel_loop3A_1045 = arith.constant 0 : i32
        %parallel_loop3A_1046 = arith.cmpi ne, %parallel_loop3A_1044, %parallel_loop3A_1045 : i32
        %parallel_loop3A_1047 = arith.andi %parallel_loop3A_1043, %parallel_loop3A_1046 : i1
        %parallel_loop3A_1048 = arith.constant 1 : i32
        %parallel_loop3A_1049 = arith.subi %parallel_loop3A_1028, %parallel_loop3A_1048 : i32
        %parallel_loop3A_1050 = arith.select %parallel_loop3A_1047, %parallel_loop3A_1049, %parallel_loop3A_1028 : i32
        %parallel_loop3A_1051 = arith.constant 64 : i32
        %parallel_loop3A_1052 = arith.constant 0 : i32
        %parallel_loop3A_1053 = arith.cmpi eq, %parallel_loop3A_1051, %parallel_loop3A_1052 : i32
        %parallel_loop3A_1054 = arith.constant 1 : i32
        %parallel_loop3A_1055 = arith.select %parallel_loop3A_1053, %parallel_loop3A_1054, %parallel_loop3A_1051 : i32
        %parallel_loop3A_1056 = arith.remsi %parallel_loop3A_1026, %parallel_loop3A_1055 : i32
        %parallel_loop3A_1057 = arith.constant 0 : i32
        %parallel_loop3A_1058 = arith.cmpi ne, %parallel_loop3A_1056, %parallel_loop3A_1057 : i32
        %parallel_loop3A_1059 = arith.constant 0 : i32
        %parallel_loop3A_1060 = arith.cmpi slt, %parallel_loop3A_1056, %parallel_loop3A_1059 : i32
        %parallel_loop3A_1061 = arith.constant 0 : i32
        %parallel_loop3A_1062 = arith.cmpi slt, %parallel_loop3A_1055, %parallel_loop3A_1061 : i32
        %parallel_loop3A_1063 = arith.xori %parallel_loop3A_1060, %parallel_loop3A_1062 : i1
        %parallel_loop3A_1064 = arith.andi %parallel_loop3A_1063, %parallel_loop3A_1058 : i1
        %parallel_loop3A_1065 = arith.addi %parallel_loop3A_1056, %parallel_loop3A_1055 : i32
        %parallel_loop3A_1066 = arith.select %parallel_loop3A_1064, %parallel_loop3A_1065, %parallel_loop3A_1056 : i32
        %parallel_loop3A_1067 = arith.constant 16 : i32
        %parallel_loop3A_1068 = arith.muli %parallel_loop3A_1066, %parallel_loop3A_1067 : i32
        %parallel_loop3A_1069 = arith.constant 16 : i32
        %parallel_loop3A_1070 = arith.muli %parallel_loop3A_1066, %parallel_loop3A_1069 : i32
        %parallel_loop3A_1071 = arith.index_cast %parallel_loop3A_1050 : i32 to index
        %parallel_loop3A_1072 = arith.index_cast %parallel_loop3A_1070 : i32 to index
        %parallel_loop3A_1073 = tpu.vector_load %arg6[%parallel_loop3A_1071, %parallel_loop3A_1072] {strides = array<i32>} : memref<16x1024xf32, #tpu.memory_space<vmem>>, vector<1x16xf32>,
        %parallel_loop3A_1074 = vector.shape_cast %parallel_loop3A_1073 : vector<1x16xf32> to vector<16xf32>
        %parallel_loop3A_1075 = arith.index_cast %parallel_loop3A_1050 : i32 to index
        %parallel_loop3A_1076 = arith.index_cast %parallel_loop3A_1068 : i32 to index
        %parallel_loop3A_1077 = tpu.vector_load %arg10[%parallel_loop3A_1075, %parallel_loop3A_1076] {strides = array<i32>} : memref<16x1024xf32, #tpu.memory_space<vmem>>, vector<1x16xf32>,
        %parallel_loop3A_1078 = vector.shape_cast %parallel_loop3A_1077 : vector<1x16xf32> to vector<16xf32>
        %parallel_loop3A_1079 = vector.shape_cast %parallel_loop3A_1074 : vector<16xf32> to vector<1x16xf32>
        tpu.vector_store %arg10[%parallel_loop3A_1075, %parallel_loop3A_1076], %parallel_loop3A_1079 {add = true, strides = array<i32>} : memref<16x1024xf32, #tpu.memory_space<vmem>>, vector<1x16xf32>,
      } {sc.loop_unroll_factor = 16 : i64, sc.parallel_access}
      %jit3A_976 = arith.constant 4 : i32
      %eq3A_977 = arith.constant 0 : i32
      %eq3A_978 = arith.cmpi eq, %jit3A_976, %eq3A_977 : i32
      %jit3A_979 = arith.constant 1 : i32
      %select_n3A_980 = arith.select %eq3A_978, %jit3A_979, %jit3A_976 : i32
      %rem3A_981 = arith.remsi %add3A_910, %select_n3A_980 : i32
      %ne3A_982 = arith.constant 0 : i32
      %ne3A_983 = arith.cmpi ne, %rem3A_981, %ne3A_982 : i32
      %lt3A_984 = arith.constant 0 : i32
      %lt3A_985 = arith.cmpi slt, %rem3A_981, %lt3A_984 : i32
      %lt3A_986 = arith.constant 0 : i32
      %lt3A_987 = arith.cmpi slt, %select_n3A_980, %lt3A_986 : i32
      %ne3A_988 = arith.xori %lt3A_985, %lt3A_987 : i1
      %and3A_989 = arith.andi %ne3A_988, %ne3A_983 : i1
      %add3A_990 = arith.addi %rem3A_981, %select_n3A_980 : i32
      %select_n3A_991 = arith.select %and3A_989, %add3A_990, %rem3A_981 : i32
      %mul3A_992 = arith.constant 8192 : i32
      %mul3A_993 = arith.muli %select_n3A_991, %mul3A_992 : i32
      %add3A_994 = arith.addi %mul3A_993, %mul3A_2 : i32
      %jit3A_995 = arith.constant 4 : i32
      %div3A_996 = arith.divsi %add3A_910, %jit3A_995 : i32
      %sign3A_997 = arith.constant 0 : i32
      %sign3A_998 = arith.cmpi sgt, %add3A_910, %sign3A_997 : i32
      %sign3A_999 = arith.extui %sign3A_998 : i1 to i32
      %sign3A_1000 = arith.constant 0 : i32
      %sign3A_1001 = arith.cmpi slt, %add3A_910, %sign3A_1000 : i32
      %sign3A_1002 = arith.extui %sign3A_1001 : i1 to i32
      %sign3A_1003 = arith.subi %sign3A_999, %sign3A_1002 : i32
      %sign3A_1004 = arith.constant 0 : i32
      %sign3A_1005 = arith.cmpi sgt, %jit3A_995, %sign3A_1004 : i32
      %sign3A_1006 = arith.extui %sign3A_1005 : i1 to i32
      %sign3A_1007 = arith.constant 0 : i32
      %sign3A_1008 = arith.cmpi slt, %jit3A_995, %sign3A_1007 : i32
      %sign3A_1009 = arith.extui %sign3A_1008 : i1 to i32
      %sign3A_1010 = arith.subi %sign3A_1006, %sign3A_1009 : i32
      %ne3A_1011 = arith.cmpi ne, %sign3A_1003, %sign3A_1010 : i32
      %rem3A_1012 = arith.remsi %add3A_910, %jit3A_995 : i32
      %ne3A_1013 = arith.constant 0 : i32
      %ne3A_1014 = arith.cmpi ne, %rem3A_1012, %ne3A_1013 : i32
      %and3A_1015 = arith.andi %ne3A_1011, %ne3A_1014 : i1
      %sub3A_1016 = arith.constant 1 : i32
      %sub3A_1017 = arith.subi %div3A_996, %sub3A_1016 : i32
      %select_n3A_1018 = arith.select %and3A_1015, %sub3A_1017, %div3A_996 : i32
      %mul3A_1019 = arith.constant 16 : i32
      %mul3A_1020 = arith.muli %select_n3A_1018, %mul3A_1019 : i32
      %add3A_1021 = arith.addi %add3A_994, %mul3A_1020 : i32
      %dma_start3A_1022 = arith.constant 0 : i32
      %dma_start3A_1023 = tpu.memref_slice %arg4[%add3A_1021, %dma_start3A_1022] : memref<32768x1024xf32, #tpu.memory_space<hbm>> -> memref<16x1024xf32, #tpu.memory_space<hbm>>
      %dma_start3A_1024 = arith.constant 0 : i32
      %dma_start3A_1025 = tpu.memref_slice %arg4[%add3A_1021, %dma_start3A_1024] : memref<32768x1024xf32, #tpu.memory_space<hbm>> -> memref<16x1024xf32, #tpu.memory_space<hbm>>
      tpu.enqueue_dma source(%arg10 : memref<16x1024xf32, #tpu.memory_space<vmem>>) target(%dma_start3A_1025 : memref<16x1024xf32, #tpu.memory_space<hbm>>) target_semaphore(%arg20 : memref<!tpu.dma_semaphore, #tpu.memory_space<semaphore_mem>>)
    }
    %scan3A_31 = arith.constant 8 : i32
    %add3A_32 = arith.constant 16384 : i32
    %add3A_33 = arith.addi %add3A_32, %mul3A_2 : i32
    %add3A_34 = arith.constant 240 : i32
    %add3A_35 = arith.addi %add3A_33, %add3A_34 : i32
    %dma_wait3A = arith.constant 0 : i32
    %dma_wait3A_36 = tpu.memref_slice %arg4[%add3A_35, %dma_wait3A] : memref<32768x1024xf32, #tpu.memory_space<hbm>> -> memref<16x1024xf32, #tpu.memory_space<hbm>>
    %dma_wait3A_37 = arith.constant 0 : i32
    %dma_wait3A_38 = tpu.memref_slice %arg4[%add3A_35, %dma_wait3A_37] : memref<32768x1024xf32, #tpu.memory_space<hbm>> -> memref<16x1024xf32, #tpu.memory_space<hbm>>
    tpu.wait_dma2 semaphore(%arg19 : memref<!tpu.dma_semaphore, #tpu.memory_space<semaphore_mem>>) src(%arg9 : memref<16x1024xf32, #tpu.memory_space<vmem>>) dst(%dma_wait3A_38 : memref<16x1024xf32, #tpu.memory_space<hbm>>)
    %add3A_39 = arith.constant 24576 : i32
    %add3A_40 = arith.addi %add3A_39, %mul3A_2 : i32
    %add3A_41 = arith.constant 240 : i32
    %add3A_42 = arith.addi %add3A_40, %add3A_41 : i32
    %dma_wait3A_43 = arith.constant 0 : i32
    %dma_wait3A_44 = tpu.memref_slice %arg4[%add3A_42, %dma_wait3A_43] : memref<32768x1024xf32, #tpu.memory_space<hbm>> -> memref<16x1024xf32, #tpu.memory_space<hbm>>
    %dma_wait3A_45 = arith.constant 0 : i32
    %dma_wait3A_46 = tpu.memref_slice %arg4[%add3A_42, %dma_wait3A_45] : memref<32768x1024xf32, #tpu.memory_space<hbm>> -> memref<16x1024xf32, #tpu.memory_space<hbm>>
    tpu.wait_dma2 semaphore(%arg20 : memref<!tpu.dma_semaphore, #tpu.memory_space<semaphore_mem>>) src(%arg10 : memref<16x1024xf32, #tpu.memory_space<vmem>>) dst(%dma_wait3A_46 : memref<16x1024xf32, #tpu.memory_space<hbm>>)
    %min3A_47 = arith.constant 15 : i32
    %min3A_48 = arith.constant 15 : i32
    %min3A_49 = arith.minsi %min3A_47, %min3A_48 : i32
    %mul3A_50 = arith.constant 16 : i32
    %mul3A_51 = arith.muli %min3A_49, %mul3A_50 : i32
    %add3A_52 = arith.addi %mul3A_2, %mul3A_51 : i32
    %dma_wait3A_53 = arith.constant 0 : i32
    %dma_wait3A_54 = tpu.memref_slice %arg3[%add3A_52, %dma_wait3A_53] : memref<8192x1024xf32, #tpu.memory_space<hbm>> -> memref<16x1024xf32, #tpu.memory_space<hbm>>
    %dma_wait3A_55 = arith.constant 0 : i32
    %dma_wait3A_56 = tpu.memref_slice %arg3[%add3A_52, %dma_wait3A_55] : memref<8192x1024xf32, #tpu.memory_space<hbm>> -> memref<16x1024xf32, #tpu.memory_space<hbm>>
    tpu.wait_dma2 semaphore(%arg11 : memref<!tpu.dma_semaphore, #tpu.memory_space<semaphore_mem>>) src(%dma_wait3A_56 : memref<16x1024xf32, #tpu.memory_space<hbm>>) dst(%arg5 : memref<16x1024xf32, #tpu.memory_space<vmem>>)
    return
  }
}

</mosaic_0001>

<sc_bundles>
// kernel: kernel.3.cloned.1.call-start
scs
__scs_entry_jumppad:
0x0: {  	(pc) =	sbr.rel $0x88, $3  }
0x1: {  	(tag) =	ssettag $0x0;
	lr =	simm.s32 $0x1  }
0x2: {  	[smem:$0x3F9F] =	sst lr;
	_ =	strace $0xD0000000  }
0x3: {  	_ = 	snop  }
0x4: {  	_ = 	snop  }
0x5: {  	_ = 	snop  }
0x6: {  	_ = 	snop  }
0x7: {  	_ = 	snop  }
__scs_overlays_trampoline_lowered:
0x8: {  	[smem:$0x3FAE] =	sst s0  }
0x9: {  	[smem:$0x3FAF] =	sst s1  }
0xa: {  	[smem:$0x3FB0] =	sst s2  }
0xb: {  	[smem:$0x3FB1] =	sst s3  }
0xc: {  	[smem:$0x3FB2] =	sst s4  }
0xd: {  	[smem:$0x3FB3] =	sst s5  }
0xe: {  	[smem:$0x3FB4] =	sst s6  }
0xf: {  	[smem:$0x3FB5] =	sst s7  }
0x10: {  	[smem:$0x3FB6] =	sst s8  }
0x11: {  	[smem:$0x3FB7] =	sst s9;
	s0 =	simm.s32 @!p0 $0x0  }
0x12: {  	s1 =	sld [smem:$0x3F9D];
	s0 =	simm.s32 @p0 $0x1  }
0x13: {  	[smem:$0x3FB8] =	sst s0;
	s0 =	simm.s32 @!p1 $0x0  }
0x14: {  	s2 =	sld [smem:$0x3F9C];
	s0 =	simm.s32 @p1 $0x1  }
0x15: {  	[smem:$0x3FB9] =	sst s0;
	s0 =	simm.s32 @!p2 $0x0  }
0x16: {  	s3 =	sld [smem:$0x3FDB];
	s0 =	simm.s32 @p2 $0x1  }
0x17: {  	s4 =	simm.s32 $0x1BF5;
	[smem:$0x3FBB] =	sst s0  }
0x18: {  	s0 =	sld [smem:$0x3F9E];
	_ =	swait.ge [sflag:s4], $0x0  }
0x19: {  	s7 =	sld [smem:$0x3F9F]  }
0x1a: {  	s8 =	sadd.s32 $0xFFFFE003, lr  }
0x1b: {  	s9 =	sadd.s32 $0xFFFFFEF7, lr;
	s5 =	simm.s32 $0xFFFFFFFF;
	p2 =	slt.u32 s8, $0xFFFFF086  }
0x1c: {  	p1 =	slt.u32 s9, $0xF7A;
	s5 =	simm.s32 @!p2 $0x0  }
0x1d: {  	s5 =	simm.s32 @p1 $0x1;
	p0 =	seq.s32 s7, s2  }
0x1e: {  	s7 =	smul.u32 @!p0 $0xF7A, s2;
	p2 =	seq.s32 @!p0 s5, $0x0  }
0x1f: {  	s9 =	smul.u32 $0xF7A, s1;
	s8 =	simm.s32 @!p0 $0x1BF5;
	p2 =	por !p2, p0  }
0x20: {  	[sflag:s8] =	ssyncset.s32 @!p0 $0xFFFFF086;
	s6 =	sadd.s32 @!p0 s3, s7;
	s7 =	simm.s32 @!p0 $0x108  }
0x21: {  	s3 =	sadd.s32 s3, s9;
	s6 =	sadd.s32 @!p0 $0x88, s6;
	s7 =	simm.s32 @p2 $0x1082  }
0x22: {  	[simem:s7], [sflag:s8] =	dma.local @!p0 [hbm:s6], $0xF7A  }
0x23: {  	s9 =	sor.u32 $0xD0000000, s2;
	s6 =	simm.s32 $0x108;
	_ =	swait.ge @!p0 [sflag:s8], $0x0  }
0x24: {  	s3 =	sadd.s32 $0x88, s3;
	s6 =	simm.s32 @!p1 $0x1082;
	[sflag:s4] =	ssyncset.s32 $0xFFFFF086  }
0x25: {  	[simem:s6], [sflag:s4] =	dma.local [hbm:s3], $0xF7A  }
0x26: {  	[smem:$0x3F9F] =	sst s1;
	(tag) =	ssettag s2;
	_ =	strace s9  }
0x27: {  	s1 =	sld [smem:$0x3FAF]  }
0x28: {  	s2 =	sld [smem:$0x3FB0]  }
0x29: {  	s4 =	sld [smem:$0x3FB2]  }
0x2a: {  	p0 =	seq.s32 s5, $0x0;
	s5 =	sld [smem:$0x3FB3]  }
0x2b: {  	s6 =	sld [smem:$0x3FB4]  }
0x2c: {  	s7 =	sld [smem:$0x3FB5]  }
0x2d: {  	s3 =	simm.s32 $0x108;
	s8 =	sld [smem:$0x3FB6]  }
0x2e: {  	s3 =	simm.s32 @!p0 $0x1082;
	s9 =	sld [smem:$0x3FB7]  }
0x2f: {  	lr =	sadd.s32 s0, s3;
	s0 =	sld [smem:$0x3FAE]  }
0x30: {  	s3 =	sld [smem:$0x3FB1]  }
0x31: {  	[smem:$0x3FBA] =	sst s10  }
0x32: {  	s10 =	sld [smem:$0x3FB8];
	_ =	sdelay $0x3  }
0x33: {  	p0 =	seq.s32 s10, $0x1;
	s10 =	sld [smem:$0x3FBA];
	_ =	sdelay $0x3  }
0x34: {  	[smem:$0x3FBA] =	sst s10  }
0x35: {  	s10 =	sld [smem:$0x3FB9];
	_ =	sdelay $0x3  }
0x36: {  	p1 =	seq.s32 s10, $0x1;
	s10 =	sld [smem:$0x3FBA];
	_ =	sdelay $0x3  }
0x37: {  	[smem:$0x3FBA] =	sst s10  }
0x38: {  	s10 =	sld [smem:$0x3FBB]  }
0x39: {  	_ = 	snop;
	(pc) =	sbr.ind lr, $3  }
0x3a: {  	_ = 	snop  }
0x3b: {  	_ = 	snop  }
0x3c: {  	p2 =	seq.s32 s10, $0x1;
	s10 =	sld [smem:$0x3FBA]  }
0x3d: {  	_ =	shalt  }
0x3e: {  	_ =	shalt  }
0x3f: {  	_ =	shalt  }
0x40: {  	_ =	shalt  }
0x41: {  	_ =	shalt  }
0x42: {  	_ =	shalt  }
0x43: {  	_ =	shalt  }
0x44: {  	_ =	shalt  }
0x45: {  	_ =	shalt  }
0x46: {  	_ =	shalt  }
0x47: {  	_ =	shalt  }
0x48: {  	_ =	shalt  }
0x49: {  	_ =	shalt  }
0x4a: {  	_ =	shalt  }
0x4b: {  	_ =	shalt  }
0x4c: {  	_ =	shalt  }
0x4d: {  	_ =	shalt  }
0x4e: {  	_ =	shalt  }
0x4f: {  	_ =	shalt  }
0x50: {  	_ =	shalt  }
0x51: {  	_ =	shalt  }
0x52: {  	_ =	shalt  }
0x53: {  	_ =	shalt  }
0x54: {  	_ =	shalt  }
0x55: {  	_ =	shalt  }
0x56: {  	_ =	shalt  }
0x57: {  	_ =	shalt  }
0x58: {  	_ =	shalt  }
0x59: {  	_ =	shalt  }
0x5a: {  	_ =	shalt  }
0x5b: {  	_ =	shalt  }
0x5c: {  	_ =	shalt  }
0x5d: {  	_ =	shalt  }
0x5e: {  	_ =	shalt  }
0x5f: {  	_ =	shalt  }
0x60: {  	_ =	shalt  }
0x61: {  	_ =	shalt  }
0x62: {  	_ =	shalt  }
0x63: {  	_ =	shalt  }
0x64: {  	_ =	shalt  }
0x65: {  	_ =	shalt  }
0x66: {  	_ =	shalt  }
0x67: {  	_ =	shalt  }
0x68: {  	_ =	shalt  }
0x69: {  	_ =	shalt  }
0x6a: {  	_ =	shalt  }
0x6b: {  	_ =	shalt  }
0x6c: {  	_ =	shalt  }
0x6d: {  	_ =	shalt  }
0x6e: {  	_ =	shalt  }
0x6f: {  	_ =	shalt  }
0x70: {  	_ =	shalt  }
0x71: {  	_ =	shalt  }
0x72: {  	_ =	shalt  }
0x73: {  	_ =	shalt  }
0x74: {  	_ =	shalt  }
0x75: {  	_ =	shalt  }
0x76: {  	_ =	shalt  }
0x77: {  	_ =	shalt  }
0x78: {  	_ =	shalt  }
0x79: {  	_ =	shalt  }
0x7a: {  	_ =	shalt  }
0x7b: {  	_ =	shalt  }
0x7c: {  	_ =	shalt  }
0x7d: {  	_ =	shalt  }
0x7e: {  	_ =	shalt  }
0x7f: {  	_ =	shalt  }
0x80: {  	_ =	shalt  }
0x81: {  	_ =	shalt  }
0x82: {  	_ =	shalt  }
0x83: {  	_ =	shalt  }
0x84: {  	_ =	shalt  }
0x85: {  	_ =	shalt  }
0x86: {  	_ =	shalt  }
0x87: {  	_ =	shalt  }
.Lfunc_end0:
.L_simem_size_0:
called_computation_lowered:
.L_overlay_start_0:
0x88: {  	s2 =	sld [smem:$0x3FD9]  }
0x89: {  	s3 =	sld [smem:$0x3FFE];
	_ =	sdelay $0x1  }
0x8a: {  	s1 =	srdreg.scid  }
0x8b: {  	s0 =	sand.u32 $0x1, s1  }
0x8c: {  	s18 =	sshll.u32 s0, $0xA;
	s2 =	sadd.s32 s3, s2  }
0x8d: {  	s2 =	sadd.s32 s2, s18  }
0x8e: {  	[smem:$0x3FC6] =	sst s2  }
0x8f: {  	_ = 	snop  }
0x90: {  	s2 =	sld [smem:$0x3FC9]  }
0x91: {  	s19 =	sld [smem:$0x3FC8]  }
0x92: {  	s4 =	sld [smem:$0x3FD0];
	(tm) =	ssettm $0x1  }
0x93: {  	s5 =	sld [smem:$0x3FFB];
	_ =	sdelay $0x3  }
0x94: {  	_ =	strace s5  }
0x95: {  	s5 =	sld [smem:$0x3FFC];
	_ =	sdelay $0x3  }
0x96: {  	_ =	strace s5  }
0x97: {  	s5 =	sld [smem:$0x3FFD];
	_ =	sdelay $0x3  }
0x98: {  	_ =	strace s5  }
0x99: {  	_ =	strace $0x8FFFFFFF  }
0x9a: {  	s20 =	sld [smem:$0x3FDB];
	_ =	sdelay $0x1  }
0x9b: {  	s6 =	simm.s32 $_scs_section_size  }
0x9c: {  	s7 =	simm.s32 $_size__tile_overlayer_lowered;
	s8 =	simm.s32 $_tile_overlayer_lowered  }
0x9d: {  	s23 =	simm.s32 $0x1BFF;
	s22 =	sshll.u32 s8, $0x1;
	s5 =	sadd.s32 s6, s20  }
0x9e: {  	s9 =	simm.s32 $0x0;
	s21 =	sshll.u32 s7, $0x1;
	s7 =	sadd.s32 s22, s5  }
0x9f: {  	[timem:s9], [sflag:s23] =	dma.local [hbm:s7], s21  }
0xa0: {  	_ =	swait.ge [sflag:s23], s21  }
0xa1: {  	s6 =	ssub.s32 $0x0, s21;
	[sflag:s23] =	ssyncset.done $0x0  }
0xa2: {  	[sflag:s23] =	ssyncadd.s32 s6;
	_ =	sdelay $0x1  }
0xa3: {  	s24 =	simm.s32 $0x1B8B  }
0xa4: {  	_ =	swait.ge [sflag:s24], $0x1  }
0xa5: {  	[sflag:s24] =	ssyncset.done $0x0  }
0xa6: {  	s25 =	simm.s32 $0x1B8E;
	[sflag:s24] =	ssyncadd.s32 $0xFFFFFFFF  }
0xa7: {  	s26 =	simm.s32 $execute0_lowered;
	[smem:$0x3FD2] =	sst s25  }
0xa8: {  	s6 =	sshll.u32 s26, $0x1;
	_ =	strace $0x80000046;
	[dreg:$0x1] =	wrdreg $0xFFFFFFFF  }
0xa9: {  	s28 =	simm.s32 $_size_execute0_lowered;
	s5 =	sadd.s32 s5, s6;
	[dreg:$0x0] =	wrdreg $0x0  }
0xaa: {  	s6 =	sshll.u32 s28, $0x1;
	[dreg:$0x2] =	wrdreg s5  }
0xab: {  	[dreg:$0x3] =	wrdreg s6  }
0xac: {  	[dreg:$0x4] =	wrdreg $0xC0  }
0xad: {  	_ =	task [dreg:s9], $0x5FFFF  }
0xae: {  	[dreg:$0x1] =	wrdreg $0xFFFFFFFF  }
0xaf: {  	[dreg:$0x0] =	wrdreg $0x60  }
0xb0: {  	[dreg:$0x2] =	wrdreg s2  }
0xb1: {  	[dreg:$0x3] =	wrdreg s19  }
0xb2: {  	[dreg:$0x4] =	wrdreg s4  }
0xb3: {  	[dreg:$0x5] =	wrdreg $0x9  }
0xb4: {  	_ =	task.clear_ibuf [dreg:s9], $0x6FFFF;
	_ =	strace $0x90000046  }
0xb5: {  	s29 =	simm.s32 $0x9;
	_ =	strace $0x80000048  }
0xb6: {  	_ =	swait.ge [sflag:s29], $0x1  }
0xb7: {  	[sflag:s29] =	ssyncadd.s32 $0xFFFFFFFF  }
0xb8: {  	_ =	strace $0x90000048  }
0xb9: {  	_ =	sfence  }
0xba: {  	s30 =	sld [smem:$0x0];
	_ =	sdelay $0x2  }
0xbb: {  	s31 =	sshll.u32 s1, $0xD;
	s1 =	sshrl.u32 s1, $0x2  }
0xbc: {  	s3 =	sand.u32 $0x4000, s31;
	s1 =	sadd.s32 s1, s30  }
0xbd: {  	s0 =	sor.u32 s3, s0;
	s1 =	sshll.u32 s1, $0x11  }
0xbe: {  	s0 =	sor.u32 s1, s0  }
0xbf: {  	s0 =	sadd.s32 $0x8F2B, s0  }
0xc0: {  	[sflag:s0] =	ssyncadd.remote.s32 $0x1  }
0xc1: {  	_ =	sfence.sel $0xFFFF  }
0xc2: {  	[dreg:$0x0] =	wrdreg $0xFFFFFFFF;
	(pc) =	sbr.abs _section_cstart, $3  }
0xc3: {  	[dreg:$0x1] =	wrdreg $0xFFFFFFFF  }
0xc4: {  	_ =	task.clear_ibuf [dreg:s9], $0x2FFFF;
	_ =	strace $0x9FFFFFFF  }
0xc5: {  	(tm) =	ssettm $0x7FFFFFFF  }
tec
execute0_lowered:
.L_overlay_start_1:
0x0: {  	(tag) =	ssettag $0x1  }
0x1: {  	s1 =	rddreg [dreg:$0x0]  }
0x2: {  	s0 =	rddreg [dreg:$0x1];
	s2 =	srdreg.scid  }
0x3: {  	s3 =	rddreg [dreg:$0x2];
	s4 =	stileid.u32;
	s2 =	sand.u32 $0x1, s2  }
0x4: {  	s25 =	simm.s32 $0x0;
	s5 =	sshll.u32 s4, $0x10;
	s6 =	sshll.u32 s2, $0xF  }
0x5: {  	[smem:$0x7FF] =	sst s25;
	s4 =	sor.u32 s6, s5  }
0x6: {  	_ =	strace $0x80000047;
	s6 =	sadd.s32 s1, s4;
	[dreg:$0x4] =	wrdreg s4  }
0x7: {  	s14 =	sadd.s32 s0, s4;
	s0 =	sadd.s32 $0x800, s0;
	[dreg:$0x5] =	wrdreg s6  }
0x8: {  	s15 =	sor.u32 $0x800, s4;
	[dreg:$0x8] =	wrdreg s0  }
0x9: {  	s17 =	sor.u32 $0x200000, s4;
	[dreg:$0x9] =	wrdreg s15  }
0xa: {  	s18 =	sor.u32 $0x300000, s4;
	[dreg:$0xa] =	wrdreg s17  }
0xb: {  	s20 =	sor.u32 $0x100800, s4;
	[dreg:$0xb] =	wrdreg s18  }
0xc: {  	s29 =	simm.s32 $0x3;
	s30 =	simm.s32 $0x5;
	[dreg:$0xd] =	wrdreg s20  }
0xd: {  	s31 =	simm.s32 $0x7;
	s22 =	sor.u32 $0x200800, s4;
	[dreg:$0x6] =	wrdreg s14  }
0xe: {  	s21 =	sadd.s32 $0x1000, s1;
	s23 =	sor.u32 $0x300800, s4;
	[dreg:$0xf] =	wrdreg s22  }
0xf: {  	s28 =	smov.u32 s1;
	s24 =	sadd.s32 s4, s21;
	[dreg:$0x10] =	wrdreg s23  }
0x10: {  	s16 =	sor.u32 $0x100000, s4;
	s6 =	sadd.s32 $0x100000, s6;
	[dreg:$0x11] =	wrdreg s24  }
0x11: {  	s2 =	ssub.s32 $0x2, s2;
	s19 =	sadd.s32 s3, s16;
	[dreg:$0x7] =	wrdreg s6  }
0x12: {  	s13 =	sshrl.u32 s2, $0x1;
	s5 =	sadd.s32 $0x1000, s14;
	[dreg:$0xc] =	wrdreg s19  }
0x13: {  	s2 =	ssub.s32 s2, s13;
	s0 =	sadd.s32 s16, s21;
	[dreg:$0xe] =	wrdreg s5  }
0x14: {  	s26 =	smax.u32 s2, $0x1;
	s2 =	simm.s32 $0x8;
	[dreg:$0x12] =	wrdreg s0  }
0x15: {  	[dreg:$0x13] =	wrdreg s26;
	s0 =	simm.s32 $0x6;
	s5 =	simm.s32 $0x0  }
.LBB2_1:
0x16: {  	[dreg:$0x14] =	wrdreg s5  }
0x17: {  	s1 =	rddreg [dreg:$0x6]  }
0x18: {  	[tilespmem:s25], [sflag:$0x1] =	stream.linear.gather [hbm4b:s1+s25], $0x4000, $0x38;
	[tilespmem:$0x18000] =	vst v63  }
0x19: {  	s23 =	rddreg [dreg:$0x5];
	s4 =	simm.s32 $0x8000  }
0x1a: {  	[tilespmem:s4], [sflag:$0x3] =	stream.linear.gather [hbm4b:s23+s25], $0x4000, $0x38;
	[tilespmem:$0x18000] =	vst v63  }
0x1b: {  	s24 =	rddreg [dreg:$0x7];
	s26 =	simm.s32 $0xC000;
	s7 =	simm.s32 $0x0  }
0x1c: {  	[tilespmem:s26], [sflag:$0x4] =	stream.linear.gather [hbm4b:s24+s25], $0x4000, $0x38;
	[tilespmem:$0x18000] =	vst v63  }
.LBB2_2:
0x1d: {  	s23 =	sshll.u32 s7, $0xC;
	s1 =	rddreg [dreg:$0x4]  }
0x1e: {  	s9 =	rddreg [dreg:$0x8];
	s10 =	sor.u32 s1, s23  }
0x1f: {  	s11 =	simm.s32 $0x4000;
	s12 =	simm.s32 $0x1;
	s5 =	sadd.s32 s10, s9  }
0x20: {  	[tilespmem:s11], [sflag:$0x2] =	stream.linear.gather [hbm4b:s5+s25], $0x4000, $0x38;
	[tilespmem:$0x18000] =	vst v63  }
0x21: {  	_ =	swait.ge [sflag:s12], $0x4000  }
0x22: {  	[sflag:s12] =	ssyncset.done $0x0  }
0x23: {  	[sflag:s12] =	ssyncadd.s32 $0xFFFFC000  }
0x24: {  	_ =	swait.ge [sflag:s29], $0x4000  }
0x25: {  	p0 =	seq.s32 s7, $0x0;
	[sflag:s29] =	ssyncset.done $0x0  }
0x26: {  	s5 =	simm.s32 @!p0 $0x9;
	[sflag:s29] =	ssyncadd.s32 $0xFFFFC000  }
0x27: {  	s15 =	simm.s32 $0x10000;
	_ =	swait.ge @!p0 [sflag:s5], $0x4000  }
0x28: {  	s16 =	simm.s32 $0x0;
	s12 =	simm.s32 $0x0;
	s13 =	rddreg [dreg:$0xa]  }
0x29: {  	s9 =	sand.u32 $0x1800, s12;
	[sflag:s5] =	ssyncset.done @!p0 $0x0;
	s11 =	sor.u32 s13, s23  }
0x2a: {  	[sflag:s5] =	ssyncadd.s32 @!p0 $0xFFFFC000;
	s5 =	sand.u32 $0x2000, s16;
	s13 =	simm.s32 $0x0  }
0x2b: {  	s14 =	sadd.s32 s28, s11;
	s5 =	sor.u32 s9, s5;
	s17 =	sand.u32 $0x380, s13  }
0x2c: {  	[tilespmem:s15], [sflag:$0x5] =	stream.linear.gather [hbm4b:s14+s12], $0x4000, $0x38;
	[tilespmem:$0x18000] =	vst v63  }
0x2d: {  	s5 =	sor.u32 s17, s5  }
0x2e: {  	v0 =	vld [tilespmem:s5+$0x470]  }
0x2f: {  	v4 =	vld [tilespmem:s5+$0x0]  }
0x30: {  	v5 =	vld [tilespmem:s5+$0x10]  }
0x31: {  	v6 =	vld [tilespmem:s5+$0x20]  }
0x32: {  	v7 =	vld [tilespmem:s5+$0x30]  }
0x33: {  	v8 =	vld [tilespmem:s5+$0x40]  }
0x34: {  	v9 =	vld [tilespmem:s5+$0x50]  }
0x35: {  	v10 =	vld [tilespmem:s5+$0x60]  }
0x36: {  	v11 =	vld [tilespmem:s5+$0x70]  }
0x37: {  	v12 =	vld [tilespmem:s5+$0x400]  }
0x38: {  	v13 =	vld [tilespmem:s5+$0x410]  }
0x39: {  	v3 =	vld [tilespmem:s5+$0x420]  }
0x3a: {  	v2 =	vld [tilespmem:s5+$0x430]  }
0x3b: {  	s9 =	sor.u32 $0x8470, s5;
	v1 =	vld [tilespmem:s5+$0x440]  }
0x3c: {  	[tilespmem:s9+$0x0] =	vst.add.f32.msk $0xffff, v0  }
0x3d: {  	s18 =	sor.u32 $0x8000, s5;
	v0 =	vld [tilespmem:s5+$0x450]  }
0x3e: {  	s19 =	sor.u32 $0x8010, s5;
	[tilespmem:s18+$0x0] =	vst.add.f32.msk $0xffff, v4  }
0x3f: {  	s20 =	sor.u32 $0x8020, s5;
	[tilespmem:s19+$0x0] =	vst.add.f32.msk $0xffff, v5  }
0x40: {  	s21 =	sor.u32 $0x8030, s5;
	[tilespmem:s20+$0x0] =	vst.add.f32.msk $0xffff, v6  }
0x41: {  	s22 =	sor.u32 $0x8040, s5;
	[tilespmem:s21+$0x0] =	vst.add.f32.msk $0xffff, v7  }
0x42: {  	s24 =	sor.u32 $0x8050, s5;
	[tilespmem:s22+$0x0] =	vst.add.f32.msk $0xffff, v8  }
0x43: {  	s26 =	sor.u32 $0x8060, s5;
	[tilespmem:s24+$0x0] =	vst.add.f32.msk $0xffff, v9  }
0x44: {  	s29 =	sor.u32 $0x8070, s5;
	[tilespmem:s26+$0x0] =	vst.add.f32.msk $0xffff, v10  }
0x45: {  	s14 =	sor.u32 $0x8400, s5;
	[tilespmem:s29+$0x0] =	vst.add.f32.msk $0xffff, v11  }
0x46: {  	s13 =	simm.s32 $0x0;
	s15 =	sor.u32 $0x8410, s5;
	[tilespmem:s14+$0x0] =	vst.add.f32.msk $0xffff, v12  }
0x47: {  	s17 =	sor.u32 $0x8420, s5;
	s16 =	sor.u32 $0x8430, s5;
	s9 =	sshll.u32 s7, $0x1;
	[tilespmem:s15+$0x0] =	vst.add.f32.msk $0xffff, v13  }
0x48: {  	s15 =	sor.u32 $0x8440, s5;
	s14 =	sor.u32 $0x8450, s5;
	v4 =	vld [tilespmem:s5+$0x460];
	s5 =	sor.u32 $0x8460, s5  }
.LBB2_3:
0x49: {  	s13 =	sadd.s32 $0x10, s13;
	[tilespmem:s17+$0x0] =	vst.add.f32.msk $0xffff, v3  }
0x4a: {  	s12 =	sadd.s32 $0x800, s12;
	s17 =	sshll.u32 s13, $0x4;
	p1 =	slt.u32 s13, $0x3F0;
	[tilespmem:s16+$0x0] =	vst.add.f32.msk $0xffff, v2  }
0x4b: {  	s18 =	sshll.u32 s13, $0x1;
	s16 =	sand.u32 $0x2000, s17;
	s17 =	sand.u32 $0x1800, s12;
	[tilespmem:s15+$0x0] =	vst.add.f32.msk $0xffff, v1  }
0x4c: {  	s15 =	sor.u32 s17, s16;
	s16 =	sand.u32 $0x380, s18;
	[tilespmem:s14+$0x0] =	vst.add.f32.msk $0xffff, v0  }
0x4d: {  	s18 =	sor.u32 s16, s15;
	[tilespmem:s5+$0x0] =	vst.add.f32.msk $0xffff, v4  }
0x4e: {  	s19 =	sor.u32 $0x8000, s18;
	s8 =	sor.u32 $0x8010, s18;
	s21 =	sor.u32 $0x8020, s18;
	v0 =	vld [tilespmem:s18+$0x470]  }
0x4f: {  	s22 =	sor.u32 $0x8030, s18;
	s24 =	sor.u32 $0x8040, s18;
	s20 =	sor.u32 $0x8050, s18;
	v5 =	vld [tilespmem:s18+$0x0]  }
0x50: {  	s6 =	sor.u32 $0x8060, s18;
	s26 =	sor.u32 $0x8070, s18;
	s29 =	sor.u32 $0x8400, s18;
	v6 =	vld [tilespmem:s18+$0x10]  }
0x51: {  	s4 =	sor.u32 $0x8410, s18;
	s17 =	sor.u32 $0x8420, s18;
	s16 =	sor.u32 $0x8430, s18;
	v7 =	vld [tilespmem:s18+$0x20]  }
0x52: {  	s15 =	sor.u32 $0x8440, s18;
	s14 =	sor.u32 $0x8450, s18;
	s1 =	sor.u32 $0x8470, s18;
	v8 =	vld [tilespmem:s18+$0x30]  }
0x53: {  	s5 =	sor.u32 $0x8460, s18;
	[tilespmem:s1+$0x0] =	vst.add.f32.msk $0xffff, v0  }
0x54: {  	v9 =	vld [tilespmem:s18+$0x40]  }
0x55: {  	v10 =	vld [tilespmem:s18+$0x50]  }
0x56: {  	v11 =	vld [tilespmem:s18+$0x60]  }
0x57: {  	v12 =	vld [tilespmem:s18+$0x70]  }
0x58: {  	v13 =	vld [tilespmem:s18+$0x400]  }
0x59: {  	v14 =	vld [tilespmem:s18+$0x410]  }
0x5a: {  	v3 =	vld [tilespmem:s18+$0x420]  }
0x5b: {  	v2 =	vld [tilespmem:s18+$0x430]  }
0x5c: {  	v1 =	vld [tilespmem:s18+$0x440]  }
0x5d: {  	v0 =	vld [tilespmem:s18+$0x450]  }
0x5e: {  	v4 =	vld [tilespmem:s18+$0x460]  }
0x5f: {  	[tilespmem:s19+$0x0] =	vst.add.f32.msk $0xffff, v5  }
0x60: {  	[tilespmem:s8+$0x0] =	vst.add.f32.msk $0xffff, v6  }
0x61: {  	[tilespmem:s21+$0x0] =	vst.add.f32.msk $0xffff, v7  }
0x62: {  	[tilespmem:s22+$0x0] =	vst.add.f32.msk $0xffff, v8  }
0x63: {  	[tilespmem:s24+$0x0] =	vst.add.f32.msk $0xffff, v9  }
.Ltmp0:
0x64: {  	[tilespmem:s20+$0x0] =	vst.add.f32.msk $0xffff, v10;
	(pc) =	sbr.rel @p1 .LBB2_3-.Ltmp0, $4  }
0x65: {  	[tilespmem:s6+$0x0] =	vst.add.f32.msk $0xffff, v11  }
0x66: {  	[tilespmem:s26+$0x0] =	vst.add.f32.msk $0xffff, v12  }
0x67: {  	[tilespmem:s29+$0x0] =	vst.add.f32.msk $0xffff, v13  }
0x68: {  	[tilespmem:s4+$0x0] =	vst.add.f32.msk $0xffff, v14  }
0x69: {  	[tilespmem:s17+$0x0] =	vst.add.f32.msk $0xffff, v3  }
0x6a: {  	[tilespmem:s16+$0x0] =	vst.add.f32.msk $0xffff, v2  }
0x6b: {  	[tilespmem:s15+$0x0] =	vst.add.f32.msk $0xffff, v1  }
0x6c: {  	[tilespmem:s14+$0x0] =	vst.add.f32.msk $0xffff, v0  }
0x6d: {  	[tilespmem:s5+$0x0] =	vst.add.f32.msk $0xffff, v4;
	s1 =	sadd.s32 s3, s10;
	s4 =	simm.s32 $0x8000  }
0x6e: {  	[hbm4b:s1+s25] =	stream.linear.scatter [tilespmem:s4], [sflag:$0x7], $0x4000, $0x38;
	[tilespmem:$0x18000] =	vst v63  }
0x6f: {  	s4 =	simm.s32 $0x4  }
0x70: {  	_ =	swait.ge [sflag:s4], $0x4000  }
0x71: {  	s10 =	simm.s32 $0x0;
	[sflag:s4] =	ssyncset.done $0x0  }
0x72: {  	s8 =	simm.s32 $0x14000;
	s1 =	simm.s32 @!p0 $0xA;
	[sflag:s4] =	ssyncadd.s32 $0xFFFFC000  }
0x73: {  	s13 =	simm.s32 $0x0;
	s15 =	simm.s32 $0x0;
	_ =	swait.ge @!p0 [sflag:s1], $0x4000  }
0x74: {  	s14 =	sand.u32 $0x1800, s10;
	[sflag:s1] =	ssyncset.done @!p0 $0x0;
	s5 =	rddreg [dreg:$0xb]  }
0x75: {  	s12 =	sor.u32 s5, s23;
	[sflag:s1] =	ssyncadd.s32 @!p0 $0xFFFFC000;
	s1 =	sand.u32 $0x2000, s13  }
0x76: {  	s16 =	sand.u32 $0x380, s15;
	s6 =	sadd.s32 s28, s12;
	s1 =	sor.u32 s14, s1  }
0x77: {  	[tilespmem:s8], [sflag:$0x6] =	stream.linear.gather [hbm4b:s6+s10], $0x4000, $0x38;
	[tilespmem:$0x18000] =	vst v63  }
0x78: {  	s1 =	sor.u32 s16, s1  }
0x79: {  	v0 =	vld [tilespmem:s1+$0x470]  }
0x7a: {  	v4 =	vld [tilespmem:s1+$0x0]  }
0x7b: {  	v5 =	vld [tilespmem:s1+$0x10]  }
0x7c: {  	v6 =	vld [tilespmem:s1+$0x20]  }
0x7d: {  	v7 =	vld [tilespmem:s1+$0x30]  }
0x7e: {  	v8 =	vld [tilespmem:s1+$0x40]  }
0x7f: {  	v9 =	vld [tilespmem:s1+$0x50]  }
0x80: {  	v10 =	vld [tilespmem:s1+$0x60]  }
0x81: {  	v11 =	vld [tilespmem:s1+$0x70]  }
0x82: {  	v12 =	vld [tilespmem:s1+$0x400]  }
0x83: {  	v13 =	vld [tilespmem:s1+$0x410]  }
0x84: {  	v3 =	vld [tilespmem:s1+$0x420]  }
0x85: {  	v2 =	vld [tilespmem:s1+$0x430]  }
0x86: {  	s4 =	sor.u32 $0xC470, s1;
	v1 =	vld [tilespmem:s1+$0x440]  }
0x87: {  	[tilespmem:s4+$0x0] =	vst.add.f32.msk $0xffff, v0  }
0x88: {  	s17 =	sor.u32 $0xC000, s1;
	v0 =	vld [tilespmem:s1+$0x450]  }
0x89: {  	s18 =	sor.u32 $0xC010, s1;
	[tilespmem:s17+$0x0] =	vst.add.f32.msk $0xffff, v4  }
0x8a: {  	s19 =	sor.u32 $0xC020, s1;
	[tilespmem:s18+$0x0] =	vst.add.f32.msk $0xffff, v5  }
0x8b: {  	s20 =	sor.u32 $0xC030, s1;
	[tilespmem:s19+$0x0] =	vst.add.f32.msk $0xffff, v6  }
0x8c: {  	s21 =	sor.u32 $0xC040, s1;
	[tilespmem:s20+$0x0] =	vst.add.f32.msk $0xffff, v7  }
0x8d: {  	s22 =	sor.u32 $0xC050, s1;
	[tilespmem:s21+$0x0] =	vst.add.f32.msk $0xffff, v8  }
0x8e: {  	s24 =	sor.u32 $0xC060, s1;
	[tilespmem:s22+$0x0] =	vst.add.f32.msk $0xffff, v9  }
0x8f: {  	s25 =	sor.u32 $0xC070, s1;
	[tilespmem:s24+$0x0] =	vst.add.f32.msk $0xffff, v10  }
0x90: {  	s26 =	sor.u32 $0xC400, s1;
	[tilespmem:s25+$0x0] =	vst.add.f32.msk $0xffff, v11  }
0x91: {  	s29 =	sor.u32 $0xC410, s1;
	[tilespmem:s26+$0x0] =	vst.add.f32.msk $0xffff, v12  }
0x92: {  	s13 =	simm.s32 $0x0;
	s16 =	sor.u32 $0xC430, s1;
	s15 =	sor.u32 $0xC440, s1;
	[tilespmem:s29+$0x0] =	vst.add.f32.msk $0xffff, v13  }
0x93: {  	s14 =	sor.u32 $0xC450, s1;
	s5 =	sor.u32 $0xC460, s1;
	s17 =	sor.u32 $0xC420, s1;
	v4 =	vld [tilespmem:s1+$0x460]  }
.LBB2_5:
0x94: {  	s13 =	sadd.s32 $0x10, s13;
	[tilespmem:s17+$0x0] =	vst.add.f32.msk $0xffff, v3  }
0x95: {  	s10 =	sadd.s32 $0x800, s10;
	s1 =	sshll.u32 s13, $0x4;
	p0 =	slt.u32 s13, $0x3F0;
	[tilespmem:s16+$0x0] =	vst.add.f32.msk $0xffff, v2  }
0x96: {  	s4 =	sand.u32 $0x1800, s10;
	s6 =	sshll.u32 s13, $0x1;
	s1 =	sand.u32 $0x2000, s1;
	[tilespmem:s15+$0x0] =	vst.add.f32.msk $0xffff, v1  }
0x97: {  	s1 =	sor.u32 s4, s1;
	s4 =	sand.u32 $0x380, s6;
	[tilespmem:s14+$0x0] =	vst.add.f32.msk $0xffff, v0  }
0x98: {  	s1 =	sor.u32 s4, s1;
	[tilespmem:s5+$0x0] =	vst.add.f32.msk $0xffff, v4  }
0x99: {  	s4 =	sor.u32 $0xC000, s1;
	s6 =	sor.u32 $0xC010, s1;
	s8 =	sor.u32 $0xC020, s1;
	v0 =	vld [tilespmem:s1+$0x470]  }
0x9a: {  	s18 =	sor.u32 $0xC030, s1;
	s19 =	sor.u32 $0xC040, s1;
	s20 =	sor.u32 $0xC050, s1;
	v5 =	vld [tilespmem:s1+$0x0]  }
0x9b: {  	s21 =	sor.u32 $0xC060, s1;
	s22 =	sor.u32 $0xC070, s1;
	s24 =	sor.u32 $0xC400, s1;
	v6 =	vld [tilespmem:s1+$0x10]  }
0x9c: {  	s26 =	sor.u32 $0xC410, s1;
	s17 =	sor.u32 $0xC420, s1;
	s16 =	sor.u32 $0xC430, s1;
	v7 =	vld [tilespmem:s1+$0x20]  }
0x9d: {  	s15 =	sor.u32 $0xC440, s1;
	s14 =	sor.u32 $0xC450, s1;
	s29 =	sor.u32 $0xC470, s1;
	v8 =	vld [tilespmem:s1+$0x30]  }
0x9e: {  	s5 =	sor.u32 $0xC460, s1;
	[tilespmem:s29+$0x0] =	vst.add.f32.msk $0xffff, v0  }
0x9f: {  	v9 =	vld [tilespmem:s1+$0x40]  }
0xa0: {  	v10 =	vld [tilespmem:s1+$0x50]  }
0xa1: {  	v11 =	vld [tilespmem:s1+$0x60]  }
0xa2: {  	v12 =	vld [tilespmem:s1+$0x70]  }
0xa3: {  	v13 =	vld [tilespmem:s1+$0x400]  }
0xa4: {  	v14 =	vld [tilespmem:s1+$0x410]  }
0xa5: {  	v3 =	vld [tilespmem:s1+$0x420]  }
0xa6: {  	v2 =	vld [tilespmem:s1+$0x430]  }
0xa7: {  	v1 =	vld [tilespmem:s1+$0x440]  }
0xa8: {  	v0 =	vld [tilespmem:s1+$0x450]  }
0xa9: {  	v4 =	vld [tilespmem:s1+$0x460]  }
0xaa: {  	[tilespmem:s4+$0x0] =	vst.add.f32.msk $0xffff, v5  }
0xab: {  	[tilespmem:s6+$0x0] =	vst.add.f32.msk $0xffff, v6  }
0xac: {  	[tilespmem:s8+$0x0] =	vst.add.f32.msk $0xffff, v7  }
0xad: {  	[tilespmem:s18+$0x0] =	vst.add.f32.msk $0xffff, v8  }
0xae: {  	[tilespmem:s19+$0x0] =	vst.add.f32.msk $0xffff, v9  }
.Ltmp1:
0xaf: {  	[tilespmem:s20+$0x0] =	vst.add.f32.msk $0xffff, v10;
	(pc) =	sbr.rel @p0 .LBB2_5-.Ltmp1, $4  }
0xb0: {  	[tilespmem:s21+$0x0] =	vst.add.f32.msk $0xffff, v11  }
0xb1: {  	[tilespmem:s22+$0x0] =	vst.add.f32.msk $0xffff, v12  }
0xb2: {  	[tilespmem:s24+$0x0] =	vst.add.f32.msk $0xffff, v13  }
0xb3: {  	[tilespmem:s26+$0x0] =	vst.add.f32.msk $0xffff, v14  }
0xb4: {  	[tilespmem:s17+$0x0] =	vst.add.f32.msk $0xffff, v3  }
0xb5: {  	[tilespmem:s16+$0x0] =	vst.add.f32.msk $0xffff, v2  }
0xb6: {  	[tilespmem:s15+$0x0] =	vst.add.f32.msk $0xffff, v1  }
0xb7: {  	[tilespmem:s14+$0x0] =	vst.add.f32.msk $0xffff, v0  }
0xb8: {  	[tilespmem:s5+$0x0] =	vst.add.f32.msk $0xffff, v4  }
0xb9: {  	s1 =	rddreg [dreg:$0xc]  }
0xba: {  	s13 =	simm.s32 $0x0;
	s4 =	simm.s32 $0xC000;
	s1 =	sadd.s32 s23, s1  }
0xbb: {  	[hbm4b:s1+s13] =	stream.linear.scatter [tilespmem:s4], [sflag:$0x8], $0x4000, $0x38;
	[tilespmem:$0x18000] =	vst v63  }
0xbc: {  	_ =	swait.ge [sflag:s30], $0x4000  }
0xbd: {  	[sflag:s30] =	ssyncset.done $0x0  }
0xbe: {  	[sflag:s30] =	ssyncadd.s32 $0xFFFFC000  }
0xbf: {  	_ =	swait.ge [sflag:s31], $0x4000  }
0xc0: {  	s5 =	rddreg [dreg:$0x9]  }
0xc1: {  	s6 =	simm.s32 $0x8000;
	[sflag:s31] =	ssyncset.done $0x0;
	s10 =	sadd.s32 s5, s23  }
0xc2: {  	s8 =	simm.s32 $0x0;
	[sflag:s31] =	ssyncadd.s32 $0xFFFFC000;
	s1 =	sadd.s32 s28, s10  }
0xc3: {  	[tilespmem:s6], [sflag:$0x3] =	stream.linear.gather [hbm4b:s1+s13], $0x4000, $0x38;
	[tilespmem:$0x18000] =	vst v63  }
0xc4: {  	s15 =	simm.s32 $0x0;
	s14 =	sand.u32 $0x1800, s13;
	s1 =	sand.u32 $0x2000, s8  }
0xc5: {  	s16 =	sand.u32 $0x380, s15;
	s1 =	sor.u32 s14, s1  }
0xc6: {  	s1 =	sor.u32 s16, s1  }
0xc7: {  	v0 =	vld [tilespmem:s1+$0x470]  }
0xc8: {  	v4 =	vld [tilespmem:s1+$0x0]  }
0xc9: {  	v5 =	vld [tilespmem:s1+$0x10]  }
0xca: {  	v6 =	vld [tilespmem:s1+$0x20]  }
0xcb: {  	v7 =	vld [tilespmem:s1+$0x30]  }
0xcc: {  	v8 =	vld [tilespmem:s1+$0x40]  }
0xcd: {  	v9 =	vld [tilespmem:s1+$0x50]  }
0xce: {  	v10 =	vld [tilespmem:s1+$0x60]  }
0xcf: {  	v11 =	vld [tilespmem:s1+$0x70]  }
0xd0: {  	v12 =	vld [tilespmem:s1+$0x400]  }
0xd1: {  	v13 =	vld [tilespmem:s1+$0x410]  }
0xd2: {  	v3 =	vld [tilespmem:s1+$0x420]  }
0xd3: {  	v2 =	vld [tilespmem:s1+$0x430]  }
0xd4: {  	s4 =	sor.u32 $0x10470, s1;
	v1 =	vld [tilespmem:s1+$0x440]  }
0xd5: {  	[tilespmem:s4+$0x0] =	vst.add.f32.msk $0xffff, v0  }
0xd6: {  	s17 =	sor.u32 $0x10000, s1;
	v0 =	vld [tilespmem:s1+$0x450]  }
0xd7: {  	s18 =	sor.u32 $0x10010, s1;
	[tilespmem:s17+$0x0] =	vst.add.f32.msk $0xffff, v4  }
0xd8: {  	s19 =	sor.u32 $0x10020, s1;
	[tilespmem:s18+$0x0] =	vst.add.f32.msk $0xffff, v5  }
0xd9: {  	s20 =	sor.u32 $0x10030, s1;
	[tilespmem:s19+$0x0] =	vst.add.f32.msk $0xffff, v6  }
0xda: {  	s21 =	sor.u32 $0x10040, s1;
	[tilespmem:s20+$0x0] =	vst.add.f32.msk $0xffff, v7  }
0xdb: {  	s22 =	sor.u32 $0x10050, s1;
	[tilespmem:s21+$0x0] =	vst.add.f32.msk $0xffff, v8  }
0xdc: {  	s24 =	sor.u32 $0x10060, s1;
	[tilespmem:s22+$0x0] =	vst.add.f32.msk $0xffff, v9  }
0xdd: {  	s25 =	sor.u32 $0x10070, s1;
	[tilespmem:s24+$0x0] =	vst.add.f32.msk $0xffff, v10  }
0xde: {  	s26 =	sor.u32 $0x10400, s1;
	[tilespmem:s25+$0x0] =	vst.add.f32.msk $0xffff, v11  }
0xdf: {  	s29 =	sor.u32 $0x10410, s1;
	[tilespmem:s26+$0x0] =	vst.add.f32.msk $0xffff, v12  }
0xe0: {  	s14 =	simm.s32 $0x0;
	s16 =	sor.u32 $0x10440, s1;
	s5 =	sor.u32 $0x10450, s1;
	[tilespmem:s29+$0x0] =	vst.add.f32.msk $0xffff, v13  }
0xe1: {  	s15 =	sor.u32 $0x10460, s1;
	s18 =	sor.u32 $0x10420, s1;
	s17 =	sor.u32 $0x10430, s1;
	v4 =	vld [tilespmem:s1+$0x460]  }
.LBB2_7:
0xe2: {  	s14 =	sadd.s32 $0x10, s14;
	[tilespmem:s18+$0x0] =	vst.add.f32.msk $0xffff, v3  }
0xe3: {  	s13 =	sadd.s32 $0x800, s13;
	s1 =	sshll.u32 s14, $0x4;
	p0 =	slt.u32 s14, $0x3F0;
	[tilespmem:s17+$0x0] =	vst.add.f32.msk $0xffff, v2  }
0xe4: {  	s4 =	sand.u32 $0x1800, s13;
	s6 =	sshll.u32 s14, $0x1;
	s1 =	sand.u32 $0x2000, s1;
	[tilespmem:s16+$0x0] =	vst.add.f32.msk $0xffff, v1  }
0xe5: {  	s1 =	sor.u32 s4, s1;
	s4 =	sand.u32 $0x380, s6;
	[tilespmem:s5+$0x0] =	vst.add.f32.msk $0xffff, v0  }
0xe6: {  	s1 =	sor.u32 s4, s1;
	[tilespmem:s15+$0x0] =	vst.add.f32.msk $0xffff, v4  }
0xe7: {  	s4 =	sor.u32 $0x10000, s1;
	s6 =	sor.u32 $0x10010, s1;
	s8 =	sor.u32 $0x10020, s1;
	v0 =	vld [tilespmem:s1+$0x470]  }
0xe8: {  	s19 =	sor.u32 $0x10030, s1;
	s20 =	sor.u32 $0x10040, s1;
	s21 =	sor.u32 $0x10050, s1;
	v5 =	vld [tilespmem:s1+$0x0]  }
0xe9: {  	s22 =	sor.u32 $0x10060, s1;
	s24 =	sor.u32 $0x10070, s1;
	s26 =	sor.u32 $0x10400, s1;
	v6 =	vld [tilespmem:s1+$0x10]  }
0xea: {  	s29 =	sor.u32 $0x10410, s1;
	s18 =	sor.u32 $0x10420, s1;
	s17 =	sor.u32 $0x10430, s1;
	v7 =	vld [tilespmem:s1+$0x20]  }
0xeb: {  	s16 =	sor.u32 $0x10440, s1;
	s5 =	sor.u32 $0x10450, s1;
	s25 =	sor.u32 $0x10470, s1;
	v8 =	vld [tilespmem:s1+$0x30]  }
0xec: {  	s15 =	sor.u32 $0x10460, s1;
	[tilespmem:s25+$0x0] =	vst.add.f32.msk $0xffff, v0  }
0xed: {  	v9 =	vld [tilespmem:s1+$0x40]  }
0xee: {  	v10 =	vld [tilespmem:s1+$0x50]  }
0xef: {  	v11 =	vld [tilespmem:s1+$0x60]  }
0xf0: {  	v12 =	vld [tilespmem:s1+$0x70]  }
0xf1: {  	v13 =	vld [tilespmem:s1+$0x400]  }
0xf2: {  	v14 =	vld [tilespmem:s1+$0x410]  }
0xf3: {  	v3 =	vld [tilespmem:s1+$0x420]  }
0xf4: {  	v2 =	vld [tilespmem:s1+$0x430]  }
0xf5: {  	v1 =	vld [tilespmem:s1+$0x440]  }
0xf6: {  	v0 =	vld [tilespmem:s1+$0x450]  }
0xf7: {  	v4 =	vld [tilespmem:s1+$0x460]  }
0xf8: {  	[tilespmem:s4+$0x0] =	vst.add.f32.msk $0xffff, v5  }
0xf9: {  	[tilespmem:s6+$0x0] =	vst.add.f32.msk $0xffff, v6  }
0xfa: {  	[tilespmem:s8+$0x0] =	vst.add.f32.msk $0xffff, v7  }
0xfb: {  	[tilespmem:s19+$0x0] =	vst.add.f32.msk $0xffff, v8  }
0xfc: {  	[tilespmem:s20+$0x0] =	vst.add.f32.msk $0xffff, v9  }
.Ltmp2:
0xfd: {  	[tilespmem:s21+$0x0] =	vst.add.f32.msk $0xffff, v10;
	(pc) =	sbr.rel @p0 .LBB2_7-.Ltmp2, $4  }
0xfe: {  	[tilespmem:s22+$0x0] =	vst.add.f32.msk $0xffff, v11  }
0xff: {  	[tilespmem:s24+$0x0] =	vst.add.f32.msk $0xffff, v12  }
0x100: {  	[tilespmem:s26+$0x0] =	vst.add.f32.msk $0xffff, v13  }
0x101: {  	[tilespmem:s29+$0x0] =	vst.add.f32.msk $0xffff, v14  }
0x102: {  	[tilespmem:s18+$0x0] =	vst.add.f32.msk $0xffff, v3  }
0x103: {  	[tilespmem:s17+$0x0] =	vst.add.f32.msk $0xffff, v2  }
0x104: {  	[tilespmem:s16+$0x0] =	vst.add.f32.msk $0xffff, v1  }
0x105: {  	[tilespmem:s5+$0x0] =	vst.add.f32.msk $0xffff, v0  }
0x106: {  	[tilespmem:s15+$0x0] =	vst.add.f32.msk $0xffff, v4;
	s1 =	sadd.s32 s3, s11;
	s13 =	simm.s32 $0x0;
	s4 =	simm.s32 $0x10000  }
0x107: {  	[hbm4b:s1+s13] =	stream.linear.scatter [tilespmem:s4], [sflag:$0x9], $0x4000, $0x38;
	[tilespmem:$0x18000] =	vst v63  }
0x108: {  	_ =	swait.ge [sflag:s0], $0x4000  }
0x109: {  	[sflag:s0] =	ssyncset.done $0x0  }
0x10a: {  	[sflag:s0] =	ssyncadd.s32 $0xFFFFC000  }
0x10b: {  	_ =	swait.ge [sflag:s2], $0x4000  }
0x10c: {  	s5 =	rddreg [dreg:$0xd]  }
0x10d: {  	s6 =	simm.s32 $0xC000;
	[sflag:s2] =	ssyncset.done $0x0;
	s11 =	sadd.s32 s5, s23  }
0x10e: {  	s8 =	simm.s32 $0x0;
	[sflag:s2] =	ssyncadd.s32 $0xFFFFC000;
	s1 =	sadd.s32 s28, s11  }
0x10f: {  	[tilespmem:s6], [sflag:$0x4] =	stream.linear.gather [hbm4b:s1+s13], $0x4000, $0x38;
	[tilespmem:$0x18000] =	vst v63  }
0x110: {  	s15 =	simm.s32 $0x0;
	s14 =	sand.u32 $0x1800, s13;
	s1 =	sand.u32 $0x2000, s8  }
0x111: {  	s16 =	sand.u32 $0x380, s15;
	s1 =	sor.u32 s14, s1  }
0x112: {  	s1 =	sor.u32 s16, s1  }
0x113: {  	v0 =	vld [tilespmem:s1+$0x470]  }
0x114: {  	v4 =	vld [tilespmem:s1+$0x0]  }
0x115: {  	v5 =	vld [tilespmem:s1+$0x10]  }
0x116: {  	v6 =	vld [tilespmem:s1+$0x20]  }
0x117: {  	v7 =	vld [tilespmem:s1+$0x30]  }
0x118: {  	v8 =	vld [tilespmem:s1+$0x40]  }
0x119: {  	v9 =	vld [tilespmem:s1+$0x50]  }
0x11a: {  	v10 =	vld [tilespmem:s1+$0x60]  }
0x11b: {  	v11 =	vld [tilespmem:s1+$0x70]  }
0x11c: {  	v12 =	vld [tilespmem:s1+$0x400]  }
0x11d: {  	v13 =	vld [tilespmem:s1+$0x410]  }
0x11e: {  	v3 =	vld [tilespmem:s1+$0x420]  }
0x11f: {  	v2 =	vld [tilespmem:s1+$0x430]  }
0x120: {  	s4 =	sor.u32 $0x14470, s1;
	v1 =	vld [tilespmem:s1+$0x440]  }
0x121: {  	[tilespmem:s4+$0x0] =	vst.add.f32.msk $0xffff, v0  }
0x122: {  	s17 =	sor.u32 $0x14000, s1;
	v0 =	vld [tilespmem:s1+$0x450]  }
0x123: {  	s18 =	sor.u32 $0x14010, s1;
	[tilespmem:s17+$0x0] =	vst.add.f32.msk $0xffff, v4  }
0x124: {  	s19 =	sor.u32 $0x14020, s1;
	[tilespmem:s18+$0x0] =	vst.add.f32.msk $0xffff, v5  }
0x125: {  	s20 =	sor.u32 $0x14030, s1;
	[tilespmem:s19+$0x0] =	vst.add.f32.msk $0xffff, v6  }
0x126: {  	s21 =	sor.u32 $0x14040, s1;
	[tilespmem:s20+$0x0] =	vst.add.f32.msk $0xffff, v7  }
0x127: {  	s22 =	sor.u32 $0x14050, s1;
	[tilespmem:s21+$0x0] =	vst.add.f32.msk $0xffff, v8  }
0x128: {  	s24 =	sor.u32 $0x14060, s1;
	[tilespmem:s22+$0x0] =	vst.add.f32.msk $0xffff, v9  }
0x129: {  	s25 =	sor.u32 $0x14070, s1;
	[tilespmem:s24+$0x0] =	vst.add.f32.msk $0xffff, v10  }
0x12a: {  	s26 =	sor.u32 $0x14400, s1;
	[tilespmem:s25+$0x0] =	vst.add.f32.msk $0xffff, v11  }
0x12b: {  	s29 =	sor.u32 $0x14410, s1;
	[tilespmem:s26+$0x0] =	vst.add.f32.msk $0xffff, v12  }
0x12c: {  	s14 =	simm.s32 $0x0;
	s16 =	sor.u32 $0x14440, s1;
	s5 =	sor.u32 $0x14450, s1;
	[tilespmem:s29+$0x0] =	vst.add.f32.msk $0xffff, v13  }
0x12d: {  	s15 =	sor.u32 $0x14460, s1;
	s18 =	sor.u32 $0x14420, s1;
	s17 =	sor.u32 $0x14430, s1;
	v4 =	vld [tilespmem:s1+$0x460]  }
.LBB2_9:
0x12e: {  	s14 =	sadd.s32 $0x10, s14;
	[tilespmem:s18+$0x0] =	vst.add.f32.msk $0xffff, v3  }
0x12f: {  	s13 =	sadd.s32 $0x800, s13;
	s1 =	sshll.u32 s14, $0x4;
	p0 =	slt.u32 s14, $0x3F0;
	[tilespmem:s17+$0x0] =	vst.add.f32.msk $0xffff, v2  }
0x130: {  	s4 =	sand.u32 $0x1800, s13;
	s6 =	sshll.u32 s14, $0x1;
	s1 =	sand.u32 $0x2000, s1;
	[tilespmem:s16+$0x0] =	vst.add.f32.msk $0xffff, v1  }
0x131: {  	s1 =	sor.u32 s4, s1;
	s4 =	sand.u32 $0x380, s6;
	[tilespmem:s5+$0x0] =	vst.add.f32.msk $0xffff, v0  }
0x132: {  	s1 =	sor.u32 s4, s1;
	[tilespmem:s15+$0x0] =	vst.add.f32.msk $0xffff, v4  }
0x133: {  	s4 =	sor.u32 $0x14000, s1;
	s6 =	sor.u32 $0x14010, s1;
	s8 =	sor.u32 $0x14020, s1;
	v0 =	vld [tilespmem:s1+$0x470]  }
0x134: {  	s19 =	sor.u32 $0x14030, s1;
	s20 =	sor.u32 $0x14040, s1;
	s21 =	sor.u32 $0x14050, s1;
	v5 =	vld [tilespmem:s1+$0x0]  }
0x135: {  	s22 =	sor.u32 $0x14060, s1;
	s24 =	sor.u32 $0x14070, s1;
	s25 =	sor.u32 $0x14400, s1;
	v6 =	vld [tilespmem:s1+$0x10]  }
0x136: {  	s26 =	sor.u32 $0x14410, s1;
	s18 =	sor.u32 $0x14420, s1;
	s17 =	sor.u32 $0x14430, s1;
	v7 =	vld [tilespmem:s1+$0x20]  }
0x137: {  	s16 =	sor.u32 $0x14440, s1;
	s5 =	sor.u32 $0x14450, s1;
	s29 =	sor.u32 $0x14470, s1;
	v8 =	vld [tilespmem:s1+$0x30]  }
0x138: {  	s15 =	sor.u32 $0x14460, s1;
	[tilespmem:s29+$0x0] =	vst.add.f32.msk $0xffff, v0  }
0x139: {  	v9 =	vld [tilespmem:s1+$0x40]  }
0x13a: {  	v10 =	vld [tilespmem:s1+$0x50]  }
0x13b: {  	v11 =	vld [tilespmem:s1+$0x60]  }
0x13c: {  	v12 =	vld [tilespmem:s1+$0x70]  }
0x13d: {  	v13 =	vld [tilespmem:s1+$0x400]  }
0x13e: {  	v14 =	vld [tilespmem:s1+$0x410]  }
0x13f: {  	v3 =	vld [tilespmem:s1+$0x420]  }
0x140: {  	v2 =	vld [tilespmem:s1+$0x430]  }
0x141: {  	v1 =	vld [tilespmem:s1+$0x440]  }
0x142: {  	v0 =	vld [tilespmem:s1+$0x450]  }
0x143: {  	v4 =	vld [tilespmem:s1+$0x460]  }
0x144: {  	[tilespmem:s4+$0x0] =	vst.add.f32.msk $0xffff, v5  }
0x145: {  	[tilespmem:s6+$0x0] =	vst.add.f32.msk $0xffff, v6  }
0x146: {  	[tilespmem:s8+$0x0] =	vst.add.f32.msk $0xffff, v7  }
0x147: {  	[tilespmem:s19+$0x0] =	vst.add.f32.msk $0xffff, v8  }
0x148: {  	[tilespmem:s20+$0x0] =	vst.add.f32.msk $0xffff, v9  }
.Ltmp3:
0x149: {  	[tilespmem:s21+$0x0] =	vst.add.f32.msk $0xffff, v10;
	(pc) =	sbr.rel @p0 .LBB2_9-.Ltmp3, $4  }
0x14a: {  	[tilespmem:s22+$0x0] =	vst.add.f32.msk $0xffff, v11  }
0x14b: {  	[tilespmem:s24+$0x0] =	vst.add.f32.msk $0xffff, v12  }
0x14c: {  	[tilespmem:s25+$0x0] =	vst.add.f32.msk $0xffff, v13  }
0x14d: {  	[tilespmem:s26+$0x0] =	vst.add.f32.msk $0xffff, v14  }
0x14e: {  	[tilespmem:s18+$0x0] =	vst.add.f32.msk $0xffff, v3  }
0x14f: {  	[tilespmem:s17+$0x0] =	vst.add.f32.msk $0xffff, v2  }
0x150: {  	[tilespmem:s16+$0x0] =	vst.add.f32.msk $0xffff, v1  }
0x151: {  	[tilespmem:s5+$0x0] =	vst.add.f32.msk $0xffff, v0;
	s1 =	sadd.s32 s3, s12  }
0x152: {  	[tilespmem:s15+$0x0] =	vst.add.f32.msk $0xffff, v4;
	s13 =	simm.s32 $0x0;
	s4 =	simm.s32 $0x14000;
	s22 =	smin.u32 s9, $0xD  }
0x153: {  	[hbm4b:s1+s13] =	stream.linear.scatter [tilespmem:s4], [sflag:$0xA], $0x4000, $0x38;
	[tilespmem:$0x18000] =	vst v63  }
0x154: {  	s1 =	sshll.u32 s22, $0xB;
	s24 =	rddreg [dreg:$0xe]  }
0x155: {  	s25 =	simm.s32 $0x2;
	s1 =	sadd.s32 s1, s24  }
0x156: {  	[tilespmem:s13], [sflag:$0x1] =	stream.linear.gather [hbm4b:s1+s13], $0x4000, $0x38;
	[tilespmem:$0x18000] =	vst v63  }
0x157: {  	_ =	swait.ge [sflag:s25], $0x4000  }
0x158: {  	[sflag:s25] =	ssyncset.done $0x0  }
0x159: {  	s29 =	simm.s32 $0x3;
	[sflag:s25] =	ssyncadd.s32 $0xFFFFC000  }
0x15a: {  	_ =	swait.ge [sflag:s29], $0x4000  }
0x15b: {  	[sflag:s29] =	ssyncset.done $0x0  }
0x15c: {  	s26 =	simm.s32 $0x9;
	[sflag:s29] =	ssyncadd.s32 $0xFFFFC000  }
0x15d: {  	_ =	swait.ge [sflag:s26], $0x4000  }
0x15e: {  	s5 =	rddreg [dreg:$0xf]  }
0x15f: {  	s6 =	simm.s32 $0x10000;
	[sflag:s26] =	ssyncset.done $0x0;
	s12 =	sadd.s32 s5, s23  }
0x160: {  	s8 =	simm.s32 $0x0;
	[sflag:s26] =	ssyncadd.s32 $0xFFFFC000;
	s1 =	sadd.s32 s28, s12  }
0x161: {  	[tilespmem:s6], [sflag:$0x5] =	stream.linear.gather [hbm4b:s1+s13], $0x4000, $0x38;
	[tilespmem:$0x18000] =	vst v63  }
0x162: {  	s14 =	simm.s32 $0x0;
	s9 =	sand.u32 $0x1800, s13;
	s1 =	sand.u32 $0x2000, s8  }
0x163: {  	s15 =	sand.u32 $0x380, s14;
	s1 =	sor.u32 s9, s1  }
0x164: {  	s1 =	sor.u32 s15, s1  }
0x165: {  	v0 =	vld [tilespmem:s1+$0x4470]  }
0x166: {  	v4 =	vld [tilespmem:s1+$0x4000]  }
0x167: {  	v5 =	vld [tilespmem:s1+$0x4010]  }
0x168: {  	v6 =	vld [tilespmem:s1+$0x4020]  }
0x169: {  	v7 =	vld [tilespmem:s1+$0x4030]  }
0x16a: {  	v8 =	vld [tilespmem:s1+$0x4040]  }
0x16b: {  	v9 =	vld [tilespmem:s1+$0x4050]  }
0x16c: {  	v10 =	vld [tilespmem:s1+$0x4060]  }
0x16d: {  	v11 =	vld [tilespmem:s1+$0x4070]  }
0x16e: {  	v12 =	vld [tilespmem:s1+$0x4400]  }
0x16f: {  	v13 =	vld [tilespmem:s1+$0x4410]  }
0x170: {  	v3 =	vld [tilespmem:s1+$0x4420]  }
0x171: {  	v2 =	vld [tilespmem:s1+$0x4430]  }
0x172: {  	s4 =	sor.u32 $0x8470, s1;
	v1 =	vld [tilespmem:s1+$0x4440]  }
0x173: {  	[tilespmem:s4+$0x0] =	vst.add.f32.msk $0xffff, v0  }
0x174: {  	s16 =	sor.u32 $0x8000, s1;
	v0 =	vld [tilespmem:s1+$0x4450]  }
0x175: {  	s17 =	sor.u32 $0x8010, s1;
	[tilespmem:s16+$0x0] =	vst.add.f32.msk $0xffff, v4  }
0x176: {  	s18 =	sor.u32 $0x8020, s1;
	[tilespmem:s17+$0x0] =	vst.add.f32.msk $0xffff, v5  }
0x177: {  	s19 =	sor.u32 $0x8030, s1;
	[tilespmem:s18+$0x0] =	vst.add.f32.msk $0xffff, v6  }
0x178: {  	s20 =	sor.u32 $0x8040, s1;
	[tilespmem:s19+$0x0] =	vst.add.f32.msk $0xffff, v7  }
0x179: {  	s21 =	sor.u32 $0x8050, s1;
	[tilespmem:s20+$0x0] =	vst.add.f32.msk $0xffff, v8  }
0x17a: {  	s22 =	sor.u32 $0x8060, s1;
	[tilespmem:s21+$0x0] =	vst.add.f32.msk $0xffff, v9  }
0x17b: {  	s24 =	sor.u32 $0x8070, s1;
	[tilespmem:s22+$0x0] =	vst.add.f32.msk $0xffff, v10  }
0x17c: {  	s25 =	sor.u32 $0x8400, s1;
	[tilespmem:s24+$0x0] =	vst.add.f32.msk $0xffff, v11  }
0x17d: {  	s26 =	sor.u32 $0x8410, s1;
	[tilespmem:s25+$0x0] =	vst.add.f32.msk $0xffff, v12  }
0x17e: {  	s9 =	simm.s32 $0x0;
	s15 =	sor.u32 $0x8440, s1;
	s5 =	sor.u32 $0x8450, s1;
	[tilespmem:s26+$0x0] =	vst.add.f32.msk $0xffff, v13  }
0x17f: {  	s14 =	sor.u32 $0x8460, s1;
	s17 =	sor.u32 $0x8420, s1;
	s16 =	sor.u32 $0x8430, s1;
	v4 =	vld [tilespmem:s1+$0x4460]  }
.LBB2_11:
0x180: {  	s9 =	sadd.s32 $0x10, s9;
	[tilespmem:s17+$0x0] =	vst.add.f32.msk $0xffff, v3  }
0x181: {  	s13 =	sadd.s32 $0x800, s13;
	s1 =	sshll.u32 s9, $0x4;
	p0 =	slt.u32 s9, $0x3F0;
	[tilespmem:s16+$0x0] =	vst.add.f32.msk $0xffff, v2  }
0x182: {  	s4 =	sand.u32 $0x1800, s13;
	s6 =	sshll.u32 s9, $0x1;
	s1 =	sand.u32 $0x2000, s1;
	[tilespmem:s15+$0x0] =	vst.add.f32.msk $0xffff, v1  }
0x183: {  	s1 =	sor.u32 s4, s1;
	s4 =	sand.u32 $0x380, s6;
	[tilespmem:s5+$0x0] =	vst.add.f32.msk $0xffff, v0  }
0x184: {  	s1 =	sor.u32 s4, s1;
	[tilespmem:s14+$0x0] =	vst.add.f32.msk $0xffff, v4  }
0x185: {  	s4 =	sor.u32 $0x8000, s1;
	s6 =	sor.u32 $0x8010, s1;
	s8 =	sor.u32 $0x8020, s1;
	v0 =	vld [tilespmem:s1+$0x4470]  }
0x186: {  	s18 =	sor.u32 $0x8030, s1;
	s19 =	sor.u32 $0x8040, s1;
	s20 =	sor.u32 $0x8050, s1;
	v5 =	vld [tilespmem:s1+$0x4000]  }
0x187: {  	s21 =	sor.u32 $0x8060, s1;
	s22 =	sor.u32 $0x8070, s1;
	s24 =	sor.u32 $0x8400, s1;
	v6 =	vld [tilespmem:s1+$0x4010]  }
0x188: {  	s25 =	sor.u32 $0x8410, s1;
	s17 =	sor.u32 $0x8420, s1;
	s16 =	sor.u32 $0x8430, s1;
	v7 =	vld [tilespmem:s1+$0x4020]  }
0x189: {  	s15 =	sor.u32 $0x8440, s1;
	s5 =	sor.u32 $0x8450, s1;
	s26 =	sor.u32 $0x8470, s1;
	v8 =	vld [tilespmem:s1+$0x4030]  }
0x18a: {  	s14 =	sor.u32 $0x8460, s1;
	[tilespmem:s26+$0x0] =	vst.add.f32.msk $0xffff, v0  }
0x18b: {  	v9 =	vld [tilespmem:s1+$0x4040]  }
0x18c: {  	v10 =	vld [tilespmem:s1+$0x4050]  }
0x18d: {  	v11 =	vld [tilespmem:s1+$0x4060]  }
0x18e: {  	v12 =	vld [tilespmem:s1+$0x4070]  }
0x18f: {  	v13 =	vld [tilespmem:s1+$0x4400]  }
0x190: {  	v14 =	vld [tilespmem:s1+$0x4410]  }
0x191: {  	v3 =	vld [tilespmem:s1+$0x4420]  }
0x192: {  	v2 =	vld [tilespmem:s1+$0x4430]  }
0x193: {  	v1 =	vld [tilespmem:s1+$0x4440]  }
0x194: {  	v0 =	vld [tilespmem:s1+$0x4450]  }
0x195: {  	v4 =	vld [tilespmem:s1+$0x4460]  }
0x196: {  	[tilespmem:s4+$0x0] =	vst.add.f32.msk $0xffff, v5  }
0x197: {  	[tilespmem:s6+$0x0] =	vst.add.f32.msk $0xffff, v6  }
0x198: {  	[tilespmem:s8+$0x0] =	vst.add.f32.msk $0xffff, v7  }
0x199: {  	[tilespmem:s18+$0x0] =	vst.add.f32.msk $0xffff, v8  }
0x19a: {  	[tilespmem:s19+$0x0] =	vst.add.f32.msk $0xffff, v9  }
.Ltmp4:
0x19b: {  	[tilespmem:s20+$0x0] =	vst.add.f32.msk $0xffff, v10;
	(pc) =	sbr.rel @p0 .LBB2_11-.Ltmp4, $4  }
0x19c: {  	[tilespmem:s21+$0x0] =	vst.add.f32.msk $0xffff, v11  }
0x19d: {  	[tilespmem:s22+$0x0] =	vst.add.f32.msk $0xffff, v12  }
0x19e: {  	[tilespmem:s24+$0x0] =	vst.add.f32.msk $0xffff, v13  }
0x19f: {  	[tilespmem:s25+$0x0] =	vst.add.f32.msk $0xffff, v14  }
0x1a0: {  	[tilespmem:s17+$0x0] =	vst.add.f32.msk $0xffff, v3  }
0x1a1: {  	[tilespmem:s16+$0x0] =	vst.add.f32.msk $0xffff, v2  }
0x1a2: {  	[tilespmem:s15+$0x0] =	vst.add.f32.msk $0xffff, v1  }
0x1a3: {  	[tilespmem:s5+$0x0] =	vst.add.f32.msk $0xffff, v0;
	s1 =	sadd.s32 s3, s10  }
0x1a4: {  	[tilespmem:s14+$0x0] =	vst.add.f32.msk $0xffff, v4;
	s10 =	simm.s32 $0x0;
	s4 =	simm.s32 $0x8000;
	s25 =	simm.s32 $0x4  }
0x1a5: {  	[hbm4b:s1+s10] =	stream.linear.scatter [tilespmem:s4], [sflag:$0x7], $0x4000, $0x38;
	[tilespmem:$0x18000] =	vst v63  }
0x1a6: {  	_ =	swait.ge [sflag:s25], $0x4000  }
0x1a7: {  	[sflag:s25] =	ssyncset.done $0x0  }
0x1a8: {  	s26 =	simm.s32 $0xA;
	[sflag:s25] =	ssyncadd.s32 $0xFFFFC000  }
0x1a9: {  	_ =	swait.ge [sflag:s26], $0x4000  }
0x1aa: {  	s5 =	rddreg [dreg:$0x10]  }
0x1ab: {  	s6 =	simm.s32 $0x14000;
	[sflag:s26] =	ssyncset.done $0x0;
	s9 =	sadd.s32 s5, s23  }
0x1ac: {  	s8 =	simm.s32 $0x0;
	[sflag:s26] =	ssyncadd.s32 $0xFFFFC000;
	s1 =	sadd.s32 s28, s9  }
0x1ad: {  	[tilespmem:s6], [sflag:$0x6] =	stream.linear.gather [hbm4b:s1+s10], $0x4000, $0x38;
	[tilespmem:$0x18000] =	vst v63  }
0x1ae: {  	s14 =	simm.s32 $0x0;
	s13 =	sand.u32 $0x1800, s10;
	s1 =	sand.u32 $0x2000, s8  }
0x1af: {  	s15 =	sand.u32 $0x380, s14;
	s1 =	sor.u32 s13, s1  }
0x1b0: {  	s1 =	sor.u32 s15, s1  }
0x1b1: {  	v0 =	vld [tilespmem:s1+$0x4470]  }
0x1b2: {  	v4 =	vld [tilespmem:s1+$0x4000]  }
0x1b3: {  	v5 =	vld [tilespmem:s1+$0x4010]  }
0x1b4: {  	v6 =	vld [tilespmem:s1+$0x4020]  }
0x1b5: {  	v7 =	vld [tilespmem:s1+$0x4030]  }
0x1b6: {  	v8 =	vld [tilespmem:s1+$0x4040]  }
0x1b7: {  	v9 =	vld [tilespmem:s1+$0x4050]  }
0x1b8: {  	v10 =	vld [tilespmem:s1+$0x4060]  }
0x1b9: {  	v11 =	vld [tilespmem:s1+$0x4070]  }
0x1ba: {  	v12 =	vld [tilespmem:s1+$0x4400]  }
0x1bb: {  	v13 =	vld [tilespmem:s1+$0x4410]  }
0x1bc: {  	v3 =	vld [tilespmem:s1+$0x4420]  }
0x1bd: {  	v2 =	vld [tilespmem:s1+$0x4430]  }
0x1be: {  	s4 =	sor.u32 $0xC470, s1;
	v1 =	vld [tilespmem:s1+$0x4440]  }
0x1bf: {  	[tilespmem:s4+$0x0] =	vst.add.f32.msk $0xffff, v0  }
0x1c0: {  	s16 =	sor.u32 $0xC000, s1;
	v0 =	vld [tilespmem:s1+$0x4450]  }
0x1c1: {  	s17 =	sor.u32 $0xC010, s1;
	[tilespmem:s16+$0x0] =	vst.add.f32.msk $0xffff, v4  }
0x1c2: {  	s18 =	sor.u32 $0xC020, s1;
	[tilespmem:s17+$0x0] =	vst.add.f32.msk $0xffff, v5  }
0x1c3: {  	s19 =	sor.u32 $0xC030, s1;
	[tilespmem:s18+$0x0] =	vst.add.f32.msk $0xffff, v6  }
0x1c4: {  	s20 =	sor.u32 $0xC040, s1;
	[tilespmem:s19+$0x0] =	vst.add.f32.msk $0xffff, v7  }
0x1c5: {  	s21 =	sor.u32 $0xC050, s1;
	[tilespmem:s20+$0x0] =	vst.add.f32.msk $0xffff, v8  }
0x1c6: {  	s22 =	sor.u32 $0xC060, s1;
	[tilespmem:s21+$0x0] =	vst.add.f32.msk $0xffff, v9  }
0x1c7: {  	s24 =	sor.u32 $0xC070, s1;
	[tilespmem:s22+$0x0] =	vst.add.f32.msk $0xffff, v10  }
0x1c8: {  	s25 =	sor.u32 $0xC400, s1;
	[tilespmem:s24+$0x0] =	vst.add.f32.msk $0xffff, v11  }
0x1c9: {  	s26 =	sor.u32 $0xC410, s1;
	[tilespmem:s25+$0x0] =	vst.add.f32.msk $0xffff, v12  }
0x1ca: {  	s13 =	simm.s32 $0x0;
	s15 =	sor.u32 $0xC440, s1;
	s5 =	sor.u32 $0xC450, s1;
	[tilespmem:s26+$0x0] =	vst.add.f32.msk $0xffff, v13  }
0x1cb: {  	s14 =	sor.u32 $0xC460, s1;
	s17 =	sor.u32 $0xC420, s1;
	s16 =	sor.u32 $0xC430, s1;
	v4 =	vld [tilespmem:s1+$0x4460]  }
.LBB2_13:
0x1cc: {  	s13 =	sadd.s32 $0x10, s13;
	[tilespmem:s17+$0x0] =	vst.add.f32.msk $0xffff, v3  }
0x1cd: {  	s10 =	sadd.s32 $0x800, s10;
	s1 =	sshll.u32 s13, $0x4;
	p0 =	slt.u32 s13, $0x3F0;
	[tilespmem:s16+$0x0] =	vst.add.f32.msk $0xffff, v2  }
0x1ce: {  	s4 =	sand.u32 $0x1800, s10;
	s6 =	sshll.u32 s13, $0x1;
	s1 =	sand.u32 $0x2000, s1;
	[tilespmem:s15+$0x0] =	vst.add.f32.msk $0xffff, v1  }
0x1cf: {  	s1 =	sor.u32 s4, s1;
	s4 =	sand.u32 $0x380, s6;
	[tilespmem:s5+$0x0] =	vst.add.f32.msk $0xffff, v0  }
0x1d0: {  	s1 =	sor.u32 s4, s1;
	[tilespmem:s14+$0x0] =	vst.add.f32.msk $0xffff, v4  }
0x1d1: {  	s4 =	sor.u32 $0xC000, s1;
	s6 =	sor.u32 $0xC010, s1;
	s8 =	sor.u32 $0xC020, s1;
	v0 =	vld [tilespmem:s1+$0x4470]  }
0x1d2: {  	s18 =	sor.u32 $0xC030, s1;
	s19 =	sor.u32 $0xC040, s1;
	s20 =	sor.u32 $0xC050, s1;
	v5 =	vld [tilespmem:s1+$0x4000]  }
0x1d3: {  	s21 =	sor.u32 $0xC060, s1;
	s22 =	sor.u32 $0xC070, s1;
	s24 =	sor.u32 $0xC400, s1;
	v6 =	vld [tilespmem:s1+$0x4010]  }
0x1d4: {  	s25 =	sor.u32 $0xC410, s1;
	s17 =	sor.u32 $0xC420, s1;
	s16 =	sor.u32 $0xC430, s1;
	v7 =	vld [tilespmem:s1+$0x4020]  }
0x1d5: {  	s15 =	sor.u32 $0xC440, s1;
	s5 =	sor.u32 $0xC450, s1;
	s26 =	sor.u32 $0xC470, s1;
	v8 =	vld [tilespmem:s1+$0x4030]  }
0x1d6: {  	s14 =	sor.u32 $0xC460, s1;
	[tilespmem:s26+$0x0] =	vst.add.f32.msk $0xffff, v0  }
0x1d7: {  	v9 =	vld [tilespmem:s1+$0x4040]  }
0x1d8: {  	v10 =	vld [tilespmem:s1+$0x4050]  }
0x1d9: {  	v11 =	vld [tilespmem:s1+$0x4060]  }
0x1da: {  	v12 =	vld [tilespmem:s1+$0x4070]  }
0x1db: {  	v13 =	vld [tilespmem:s1+$0x4400]  }
0x1dc: {  	v14 =	vld [tilespmem:s1+$0x4410]  }
0x1dd: {  	v3 =	vld [tilespmem:s1+$0x4420]  }
0x1de: {  	v2 =	vld [tilespmem:s1+$0x4430]  }
0x1df: {  	v1 =	vld [tilespmem:s1+$0x4440]  }
0x1e0: {  	v0 =	vld [tilespmem:s1+$0x4450]  }
0x1e1: {  	v4 =	vld [tilespmem:s1+$0x4460]  }
0x1e2: {  	[tilespmem:s4+$0x0] =	vst.add.f32.msk $0xffff, v5  }
0x1e3: {  	[tilespmem:s6+$0x0] =	vst.add.f32.msk $0xffff, v6  }
0x1e4: {  	[tilespmem:s8+$0x0] =	vst.add.f32.msk $0xffff, v7  }
0x1e5: {  	[tilespmem:s18+$0x0] =	vst.add.f32.msk $0xffff, v8  }
0x1e6: {  	[tilespmem:s19+$0x0] =	vst.add.f32.msk $0xffff, v9  }
.Ltmp5:
0x1e7: {  	[tilespmem:s20+$0x0] =	vst.add.f32.msk $0xffff, v10;
	(pc) =	sbr.rel @p0 .LBB2_13-.Ltmp5, $4  }
0x1e8: {  	[tilespmem:s21+$0x0] =	vst.add.f32.msk $0xffff, v11  }
0x1e9: {  	[tilespmem:s22+$0x0] =	vst.add.f32.msk $0xffff, v12  }
0x1ea: {  	[tilespmem:s24+$0x0] =	vst.add.f32.msk $0xffff, v13  }
0x1eb: {  	[tilespmem:s25+$0x0] =	vst.add.f32.msk $0xffff, v14  }
0x1ec: {  	[tilespmem:s17+$0x0] =	vst.add.f32.msk $0xffff, v3  }
0x1ed: {  	[tilespmem:s16+$0x0] =	vst.add.f32.msk $0xffff, v2  }
0x1ee: {  	[tilespmem:s15+$0x0] =	vst.add.f32.msk $0xffff, v1  }
0x1ef: {  	[tilespmem:s5+$0x0] =	vst.add.f32.msk $0xffff, v0  }
0x1f0: {  	[tilespmem:s14+$0x0] =	vst.add.f32.msk $0xffff, v4;
	s1 =	sadd.s32 s3, s11;
	s4 =	simm.s32 $0x0;
	s10 =	simm.s32 $0xC000  }
0x1f1: {  	[hbm4b:s1+s4] =	stream.linear.scatter [tilespmem:s10], [sflag:$0x8], $0x4000, $0x38;
	[tilespmem:$0x18000] =	vst v63  }
0x1f2: {  	_ =	swait.ge [sflag:s30], $0x4000  }
0x1f3: {  	[sflag:s30] =	ssyncset.done $0x0  }
0x1f4: {  	p0 =	seq.s32 s7, $0x7;
	[sflag:s30] =	ssyncadd.s32 $0xFFFFC000  }
0x1f5: {  	s11 =	simm.s32 $0x0;
	s4 =	simm.s32 @!p0 $0x0;
	_ =	swait.ge [sflag:s31], $0x4000  }
0x1f6: {  	s5 =	simm.s32 @!p0 $0x8000;
	[sflag:s31] =	ssyncset.done $0x0;
	s1 =	rddreg [dreg:$0x11]  }
0x1f7: {  	s10 =	simm.s32 $0x0;
	[sflag:s31] =	ssyncadd.s32 $0xFFFFC000;
	s1 =	sadd.s32 @!p0 s23, s1  }
0x1f8: {  	[tilespmem:s5], [sflag:$0x3] =	stream.linear.gather @!p0 [hbm4b:s1+s4], $0x4000, $0x38;
	[tilespmem:$0x18000] =	vst v63  }
0x1f9: {  	s14 =	simm.s32 $0x0;
	s13 =	sand.u32 $0x1800, s10;
	s1 =	sand.u32 $0x2000, s11  }
0x1fa: {  	s15 =	sand.u32 $0x380, s14;
	s1 =	sor.u32 s13, s1  }
0x1fb: {  	s1 =	sor.u32 s15, s1  }
0x1fc: {  	v0 =	vld [tilespmem:s1+$0x4470]  }
0x1fd: {  	v4 =	vld [tilespmem:s1+$0x4000]  }
0x1fe: {  	v5 =	vld [tilespmem:s1+$0x4010]  }
0x1ff: {  	v6 =	vld [tilespmem:s1+$0x4020]  }
0x200: {  	v7 =	vld [tilespmem:s1+$0x4030]  }
0x201: {  	v8 =	vld [tilespmem:s1+$0x4040]  }
0x202: {  	v9 =	vld [tilespmem:s1+$0x4050]  }
0x203: {  	v10 =	vld [tilespmem:s1+$0x4060]  }
0x204: {  	v11 =	vld [tilespmem:s1+$0x4070]  }
0x205: {  	v12 =	vld [tilespmem:s1+$0x4400]  }
0x206: {  	v13 =	vld [tilespmem:s1+$0x4410]  }
0x207: {  	v3 =	vld [tilespmem:s1+$0x4420]  }
0x208: {  	v2 =	vld [tilespmem:s1+$0x4430]  }
0x209: {  	s4 =	sor.u32 $0x10470, s1;
	v1 =	vld [tilespmem:s1+$0x4440]  }
0x20a: {  	[tilespmem:s4+$0x0] =	vst.add.f32.msk $0xffff, v0  }
0x20b: {  	s16 =	sor.u32 $0x10000, s1;
	v0 =	vld [tilespmem:s1+$0x4450]  }
0x20c: {  	s17 =	sor.u32 $0x10010, s1;
	[tilespmem:s16+$0x0] =	vst.add.f32.msk $0xffff, v4  }
0x20d: {  	s18 =	sor.u32 $0x10020, s1;
	[tilespmem:s17+$0x0] =	vst.add.f32.msk $0xffff, v5  }
0x20e: {  	s19 =	sor.u32 $0x10030, s1;
	[tilespmem:s18+$0x0] =	vst.add.f32.msk $0xffff, v6  }
0x20f: {  	s20 =	sor.u32 $0x10040, s1;
	[tilespmem:s19+$0x0] =	vst.add.f32.msk $0xffff, v7  }
0x210: {  	s21 =	sor.u32 $0x10050, s1;
	[tilespmem:s20+$0x0] =	vst.add.f32.msk $0xffff, v8  }
0x211: {  	s22 =	sor.u32 $0x10060, s1;
	[tilespmem:s21+$0x0] =	vst.add.f32.msk $0xffff, v9  }
0x212: {  	s24 =	sor.u32 $0x10070, s1;
	[tilespmem:s22+$0x0] =	vst.add.f32.msk $0xffff, v10  }
0x213: {  	s25 =	sor.u32 $0x10400, s1;
	[tilespmem:s24+$0x0] =	vst.add.f32.msk $0xffff, v11  }
0x214: {  	s26 =	sor.u32 $0x10410, s1;
	[tilespmem:s25+$0x0] =	vst.add.f32.msk $0xffff, v12  }
0x215: {  	s11 =	simm.s32 $0x0;
	s15 =	sor.u32 $0x10430, s1;
	s14 =	sor.u32 $0x10440, s1;
	[tilespmem:s26+$0x0] =	vst.add.f32.msk $0xffff, v13  }
0x216: {  	s5 =	sor.u32 $0x10450, s1;
	s13 =	sor.u32 $0x10460, s1;
	s16 =	sor.u32 $0x10420, s1;
	v4 =	vld [tilespmem:s1+$0x4460]  }
.LBB2_15:
0x217: {  	s11 =	sadd.s32 $0x10, s11;
	[tilespmem:s16+$0x0] =	vst.add.f32.msk $0xffff, v3  }
0x218: {  	s10 =	sadd.s32 $0x800, s10;
	s1 =	sshll.u32 s11, $0x4;
	p1 =	slt.u32 s11, $0x3F0;
	[tilespmem:s15+$0x0] =	vst.add.f32.msk $0xffff, v2  }
0x219: {  	s4 =	sand.u32 $0x1800, s10;
	s6 =	sshll.u32 s11, $0x1;
	s1 =	sand.u32 $0x2000, s1;
	[tilespmem:s14+$0x0] =	vst.add.f32.msk $0xffff, v1  }
0x21a: {  	s1 =	sor.u32 s4, s1;
	s4 =	sand.u32 $0x380, s6;
	[tilespmem:s5+$0x0] =	vst.add.f32.msk $0xffff, v0  }
0x21b: {  	s1 =	sor.u32 s4, s1;
	[tilespmem:s13+$0x0] =	vst.add.f32.msk $0xffff, v4  }
0x21c: {  	s4 =	sor.u32 $0x10000, s1;
	s6 =	sor.u32 $0x10010, s1;
	s8 =	sor.u32 $0x10020, s1;
	v0 =	vld [tilespmem:s1+$0x4470]  }
0x21d: {  	s17 =	sor.u32 $0x10030, s1;
	s18 =	sor.u32 $0x10040, s1;
	s19 =	sor.u32 $0x10050, s1;
	v5 =	vld [tilespmem:s1+$0x4000]  }
0x21e: {  	s20 =	sor.u32 $0x10060, s1;
	s21 =	sor.u32 $0x10070, s1;
	s22 =	sor.u32 $0x10400, s1;
	v6 =	vld [tilespmem:s1+$0x4010]  }
0x21f: {  	s24 =	sor.u32 $0x10410, s1;
	s16 =	sor.u32 $0x10420, s1;
	s15 =	sor.u32 $0x10430, s1;
	v7 =	vld [tilespmem:s1+$0x4020]  }
0x220: {  	s14 =	sor.u32 $0x10440, s1;
	s5 =	sor.u32 $0x10450, s1;
	s25 =	sor.u32 $0x10470, s1;
	v8 =	vld [tilespmem:s1+$0x4030]  }
0x221: {  	s13 =	sor.u32 $0x10460, s1;
	[tilespmem:s25+$0x0] =	vst.add.f32.msk $0xffff, v0  }
0x222: {  	v9 =	vld [tilespmem:s1+$0x4040]  }
0x223: {  	v10 =	vld [tilespmem:s1+$0x4050]  }
0x224: {  	v11 =	vld [tilespmem:s1+$0x4060]  }
0x225: {  	v12 =	vld [tilespmem:s1+$0x4070]  }
0x226: {  	v13 =	vld [tilespmem:s1+$0x4400]  }
0x227: {  	v14 =	vld [tilespmem:s1+$0x4410]  }
0x228: {  	v3 =	vld [tilespmem:s1+$0x4420]  }
0x229: {  	v2 =	vld [tilespmem:s1+$0x4430]  }
0x22a: {  	v1 =	vld [tilespmem:s1+$0x4440]  }
0x22b: {  	v0 =	vld [tilespmem:s1+$0x4450]  }
0x22c: {  	v4 =	vld [tilespmem:s1+$0x4460]  }
0x22d: {  	[tilespmem:s4+$0x0] =	vst.add.f32.msk $0xffff, v5  }
0x22e: {  	[tilespmem:s6+$0x0] =	vst.add.f32.msk $0xffff, v6  }
0x22f: {  	[tilespmem:s8+$0x0] =	vst.add.f32.msk $0xffff, v7  }
0x230: {  	[tilespmem:s17+$0x0] =	vst.add.f32.msk $0xffff, v8  }
0x231: {  	[tilespmem:s18+$0x0] =	vst.add.f32.msk $0xffff, v9  }
.Ltmp6:
0x232: {  	[tilespmem:s19+$0x0] =	vst.add.f32.msk $0xffff, v10;
	(pc) =	sbr.rel @p1 .LBB2_15-.Ltmp6, $4  }
0x233: {  	[tilespmem:s20+$0x0] =	vst.add.f32.msk $0xffff, v11  }
0x234: {  	[tilespmem:s21+$0x0] =	vst.add.f32.msk $0xffff, v12  }
0x235: {  	[tilespmem:s22+$0x0] =	vst.add.f32.msk $0xffff, v13  }
0x236: {  	[tilespmem:s24+$0x0] =	vst.add.f32.msk $0xffff, v14  }
0x237: {  	[tilespmem:s16+$0x0] =	vst.add.f32.msk $0xffff, v3  }
0x238: {  	[tilespmem:s15+$0x0] =	vst.add.f32.msk $0xffff, v2  }
0x239: {  	[tilespmem:s14+$0x0] =	vst.add.f32.msk $0xffff, v1  }
0x23a: {  	[tilespmem:s5+$0x0] =	vst.add.f32.msk $0xffff, v0  }
0x23b: {  	[tilespmem:s13+$0x0] =	vst.add.f32.msk $0xffff, v4;
	s1 =	sadd.s32 s3, s12;
	s25 =	simm.s32 $0x0;
	s4 =	simm.s32 $0x10000  }
0x23c: {  	[hbm4b:s1+s25] =	stream.linear.scatter [tilespmem:s4], [sflag:$0x9], $0x4000, $0x38;
	[tilespmem:$0x18000] =	vst v63  }
0x23d: {  	_ =	swait.ge [sflag:s0], $0x4000  }
0x23e: {  	[sflag:s0] =	ssyncset.done $0x0  }
0x23f: {  	[sflag:s0] =	ssyncadd.s32 $0xFFFFC000  }
0x240: {  	s5 =	simm.s32 @!p0 $0xC000;
	s10 =	simm.s32 $0x0;
	_ =	swait.ge [sflag:s2], $0x4000  }
0x241: {  	s13 =	simm.s32 $0x0;
	[sflag:s2] =	ssyncset.done $0x0;
	s1 =	rddreg [dreg:$0x12]  }
0x242: {  	s4 =	simm.s32 @!p0 $0x0;
	[sflag:s2] =	ssyncadd.s32 $0xFFFFC000;
	s1 =	sadd.s32 @!p0 s23, s1  }
0x243: {  	[tilespmem:s5], [sflag:$0x4] =	stream.linear.gather @!p0 [hbm4b:s1+s4], $0x4000, $0x38;
	[tilespmem:$0x18000] =	vst v63  }
0x244: {  	s15 =	simm.s32 $0x0;
	s14 =	sand.u32 $0x1800, s10;
	s1 =	sand.u32 $0x2000, s13  }
0x245: {  	s16 =	sand.u32 $0x380, s15;
	s1 =	sor.u32 s14, s1  }
0x246: {  	s1 =	sor.u32 s16, s1  }
0x247: {  	v0 =	vld [tilespmem:s1+$0x4470]  }
0x248: {  	v5 =	vld [tilespmem:s1+$0x4000]  }
0x249: {  	v6 =	vld [tilespmem:s1+$0x4010]  }
0x24a: {  	v7 =	vld [tilespmem:s1+$0x4020]  }
0x24b: {  	v8 =	vld [tilespmem:s1+$0x4030]  }
0x24c: {  	v9 =	vld [tilespmem:s1+$0x4040]  }
0x24d: {  	v10 =	vld [tilespmem:s1+$0x4050]  }
0x24e: {  	v11 =	vld [tilespmem:s1+$0x4060]  }
0x24f: {  	v12 =	vld [tilespmem:s1+$0x4070]  }
0x250: {  	v13 =	vld [tilespmem:s1+$0x4400]  }
0x251: {  	v14 =	vld [tilespmem:s1+$0x4410]  }
0x252: {  	v4 =	vld [tilespmem:s1+$0x4420]  }
0x253: {  	v3 =	vld [tilespmem:s1+$0x4430]  }
0x254: {  	v2 =	vld [tilespmem:s1+$0x4440]  }
0x255: {  	s4 =	sor.u32 $0x14470, s1;
	v1 =	vld [tilespmem:s1+$0x4460]  }
0x256: {  	[tilespmem:s4+$0x0] =	vst.add.f32.msk $0xffff, v0  }
0x257: {  	s17 =	sor.u32 $0x14000, s1;
	v0 =	vld [tilespmem:s1+$0x4450]  }
0x258: {  	s18 =	sor.u32 $0x14010, s1;
	[tilespmem:s17+$0x0] =	vst.add.f32.msk $0xffff, v5  }
0x259: {  	s19 =	sor.u32 $0x14020, s1;
	[tilespmem:s18+$0x0] =	vst.add.f32.msk $0xffff, v6  }
0x25a: {  	s20 =	sor.u32 $0x14030, s1;
	[tilespmem:s19+$0x0] =	vst.add.f32.msk $0xffff, v7  }
0x25b: {  	s21 =	sor.u32 $0x14040, s1;
	[tilespmem:s20+$0x0] =	vst.add.f32.msk $0xffff, v8  }
0x25c: {  	s22 =	sor.u32 $0x14050, s1;
	[tilespmem:s21+$0x0] =	vst.add.f32.msk $0xffff, v9  }
0x25d: {  	s23 =	sor.u32 $0x14060, s1;
	[tilespmem:s22+$0x0] =	vst.add.f32.msk $0xffff, v10  }
0x25e: {  	s24 =	sor.u32 $0x14070, s1;
	[tilespmem:s23+$0x0] =	vst.add.f32.msk $0xffff, v11  }
0x25f: {  	s11 =	simm.s32 $0x0;
	s26 =	sor.u32 $0x14400, s1;
	[tilespmem:s24+$0x0] =	vst.add.f32.msk $0xffff, v12  }
0x260: {  	s6 =	sor.u32 $0x14410, s1;
	s15 =	sor.u32 $0x14420, s1;
	s14 =	sor.u32 $0x14430, s1;
	[tilespmem:s26+$0x0] =	vst.add.f32.msk $0xffff, v13  }
0x261: {  	s13 =	sor.u32 $0x14440, s1;
	s5 =	sor.u32 $0x14450, s1;
	s12 =	sor.u32 $0x14460, s1;
	[tilespmem:s6+$0x0] =	vst.add.f32.msk $0xffff, v14  }
.LBB2_17:
0x262: {  	s11 =	sadd.s32 $0x10, s11;
	[tilespmem:s15+$0x0] =	vst.add.f32.msk $0xffff, v4  }
0x263: {  	s10 =	sadd.s32 $0x800, s10;
	s1 =	sshll.u32 s11, $0x4;
	p0 =	slt.u32 s11, $0x3F0;
	[tilespmem:s14+$0x0] =	vst.add.f32.msk $0xffff, v3  }
0x264: {  	s4 =	sand.u32 $0x1800, s10;
	s6 =	sshll.u32 s11, $0x1;
	s1 =	sand.u32 $0x2000, s1;
	[tilespmem:s13+$0x0] =	vst.add.f32.msk $0xffff, v2  }
0x265: {  	s1 =	sor.u32 s4, s1;
	s4 =	sand.u32 $0x380, s6;
	[tilespmem:s5+$0x0] =	vst.add.f32.msk $0xffff, v0  }
0x266: {  	s1 =	sor.u32 s4, s1;
	[tilespmem:s12+$0x0] =	vst.add.f32.msk $0xffff, v1  }
0x267: {  	s4 =	sor.u32 $0x14000, s1;
	s6 =	sor.u32 $0x14010, s1;
	s8 =	sor.u32 $0x14020, s1;
	v0 =	vld [tilespmem:s1+$0x4470]  }
0x268: {  	s16 =	sor.u32 $0x14030, s1;
	s17 =	sor.u32 $0x14040, s1;
	s18 =	sor.u32 $0x14050, s1;
	v5 =	vld [tilespmem:s1+$0x4000]  }
0x269: {  	s19 =	sor.u32 $0x14060, s1;
	s20 =	sor.u32 $0x14070, s1;
	s21 =	sor.u32 $0x14400, s1;
	v6 =	vld [tilespmem:s1+$0x4010]  }
0x26a: {  	s22 =	sor.u32 $0x14410, s1;
	s15 =	sor.u32 $0x14420, s1;
	s14 =	sor.u32 $0x14430, s1;
	v7 =	vld [tilespmem:s1+$0x4020]  }
0x26b: {  	s13 =	sor.u32 $0x14440, s1;
	s5 =	sor.u32 $0x14450, s1;
	s23 =	sor.u32 $0x14470, s1;
	v8 =	vld [tilespmem:s1+$0x4030]  }
0x26c: {  	s12 =	sor.u32 $0x14460, s1;
	[tilespmem:s23+$0x0] =	vst.add.f32.msk $0xffff, v0  }
0x26d: {  	v9 =	vld [tilespmem:s1+$0x4040]  }
0x26e: {  	v10 =	vld [tilespmem:s1+$0x4050]  }
0x26f: {  	v11 =	vld [tilespmem:s1+$0x4060]  }
0x270: {  	v12 =	vld [tilespmem:s1+$0x4070]  }
0x271: {  	v13 =	vld [tilespmem:s1+$0x4400]  }
0x272: {  	v14 =	vld [tilespmem:s1+$0x4410]  }
0x273: {  	v4 =	vld [tilespmem:s1+$0x4420]  }
0x274: {  	v3 =	vld [tilespmem:s1+$0x4430]  }
0x275: {  	v2 =	vld [tilespmem:s1+$0x4440]  }
0x276: {  	v0 =	vld [tilespmem:s1+$0x4450]  }
0x277: {  	v1 =	vld [tilespmem:s1+$0x4460]  }
0x278: {  	[tilespmem:s4+$0x0] =	vst.add.f32.msk $0xffff, v5  }
0x279: {  	[tilespmem:s6+$0x0] =	vst.add.f32.msk $0xffff, v6  }
0x27a: {  	[tilespmem:s8+$0x0] =	vst.add.f32.msk $0xffff, v7  }
0x27b: {  	[tilespmem:s16+$0x0] =	vst.add.f32.msk $0xffff, v8  }
0x27c: {  	[tilespmem:s17+$0x0] =	vst.add.f32.msk $0xffff, v9  }
.Ltmp7:
0x27d: {  	[tilespmem:s18+$0x0] =	vst.add.f32.msk $0xffff, v10;
	(pc) =	sbr.rel @p0 .LBB2_17-.Ltmp7, $4  }
0x27e: {  	[tilespmem:s19+$0x0] =	vst.add.f32.msk $0xffff, v11  }
0x27f: {  	[tilespmem:s20+$0x0] =	vst.add.f32.msk $0xffff, v12  }
0x280: {  	[tilespmem:s21+$0x0] =	vst.add.f32.msk $0xffff, v13  }
0x281: {  	[tilespmem:s22+$0x0] =	vst.add.f32.msk $0xffff, v14  }
0x282: {  	s7 =	sadd.s32 $0x1, s7  }
0x283: {  	[tilespmem:s15+$0x0] =	vst.add.f32.msk $0xffff, v4;
	p0 =	sne.s32 s7, $0x8  }
.Ltmp8:
0x284: {  	[tilespmem:s14+$0x0] =	vst.add.f32.msk $0xffff, v3;
	(pc) =	sbr.rel @p0 .LBB2_2-.Ltmp8, $4  }
0x285: {  	[tilespmem:s13+$0x0] =	vst.add.f32.msk $0xffff, v2  }
0x286: {  	[tilespmem:s5+$0x0] =	vst.add.f32.msk $0xffff, v0  }
0x287: {  	[tilespmem:s12+$0x0] =	vst.add.f32.msk $0xffff, v1;
	s1 =	sadd.s32 s3, s9;
	s4 =	simm.s32 $0x14000  }
0x288: {  	[hbm4b:s1+s25] =	stream.linear.scatter [tilespmem:s4], [sflag:$0xA], $0x4000, $0x38;
	[tilespmem:$0x18000] =	vst v63  }
0x289: {  	s1 =	simm.s32 $0x9  }
0x28a: {  	_ =	swait.ge [sflag:s1], $0x4000  }
0x28b: {  	[sflag:s1] =	ssyncset.done $0x0  }
0x28c: {  	s24 =	simm.s32 $0xA;
	[sflag:s1] =	ssyncadd.s32 $0xFFFFC000  }
0x28d: {  	_ =	swait.ge [sflag:s24], $0x4000  }
0x28e: {  	[sflag:s24] =	ssyncset.done $0x0  }
0x28f: {  	s4 =	simm.s32 $0x1;
	[sflag:s24] =	ssyncadd.s32 $0xFFFFC000  }
0x290: {  	_ =	swait.ge [sflag:s4], $0x4000  }
0x291: {  	s5 =	rddreg [dreg:$0x14]  }
0x292: {  	s26 =	rddreg [dreg:$0x13];
	s5 =	sadd.s32 $0x1, s5  }
0x293: {  	p0 =	sne.s32 s5, s26  }
.Ltmp9:
0x294: {  	_ = 	snop;
	(pc) =	sbr.rel @p0 .LBB2_1-.Ltmp9, $3  }
0x295: {  	_ =	sdelay $0x1  }
0x296: {  	[sflag:s4] =	ssyncset.done $0x0  }
0x297: {  	[sflag:s4] =	ssyncadd.s32 $0xFFFFC000  }
0x298: {  	_ =	sfence.sel $0x180000  }
0x299: {  	[bflag:$0x0] =	sbarrier.arrive $0xFFFF  }
0x29a: {  	_ =	strace $0x90000047  }
0x29b: {  	s0 =	stileid.u32;
	[bflag:$0x2] =	sbarrier.arrive $0xFFFF  }
0x29c: {  	p0 =	sne.s32 s0, $0x0;
	s0 =	rddreg [dreg:$0x3]  }
0x29d: {  	s0 =	sadd.s32 @!p0 $0x100000, s0  }
0x29e: {  	[sflag:s0] =	ssyncadd.tile.s32 @!p0 $0x1;
	_ =	shalt  }
.Lfunc_end2:
_tile_overlayer_lowered:
.L_overlay_start_2:
0x29f: {  	(tag) =	ssettag $0x2  }
0x2a0: {  	s0 =	rddreg [dreg:$0x0];
	s2 =	stileid.u32  }
0x2a1: {  	s1 =	rddreg [dreg:$0x1];
	p0 =	sne.s32 s2, $0x0  }
0x2a2: {  	s3 =	rddreg [dreg:$0x2];
	[bflag:$0x3] =	sbarrier.arrive $0xFFFF;
	s2 =	simm.s32 @!p0 $0x1C0B  }
0x2a3: {  	[timem:s3], [sflag:s2] =	dma.local @!p0 [hbm:s0], s1  }
0x2a4: {  	s0 =	simm.s32 @!p0 $0xB  }
0x2a5: {  	_ =	swait.ge @!p0 [sflag:s0], s1  }
0x2a6: {  	s1 =	ssub.s32 @!p0 $0x0, s1;
	[sflag:s0] =	ssyncset.done @!p0 $0x0  }
0x2a7: {  	[sflag:s0] =	ssyncadd.s32 @!p0 s1  }
0x2a8: {  	[bflag:$0x3] =	sbarrier.arrive $0xFFFF  }
0x2a9: {  	_ =	shalt  }

</sc_bundles>
